<compile_context>
chip_gen: v7x
topology: tpu7x:2x2x1
jax: 0.10.2.dev20260603
libtpu: 0.0.44.dev20260713+nightly
codegen_flags: <defaults>
</compile_context>

<pallas_src>
import math

import jax
import jax.numpy as jnp
from jax import lax
from jax.experimental import pallas as pl
from jax.experimental.pallas import tpu as pltpu
from jax.experimental.pallas import tpu_sc as plsc

D = 128
PAD = 5000
SCALE = math.sqrt(float(D))
NC, NS, LANES = 2, 16, 16
NW = NC * NS
GS = ((0, 80), (80, 80))
C = 160


def _body(x_hbm, m_hbm, i_hbm, pe_hbm, out_hbm,
          idx0, idx1, idx2, msk0, msk1, msk2, xv0, xv1, xv2, pe_sh,
          sin0, sin1, sin2, sg0, sg1, sg2, so0, so1, so2):
    idx_v = (idx0, idx1, idx2)
    msk_v = (msk0, msk1, msk2)
    x_v = (xv0, xv1, xv2)
    sin = (sin0, sin1, sin2)
    sg = (sg0, sg1, sg2)
    so = (so0, so1, so2)
    n = x_hbm.shape[0]
    rows_per_w = n // NW
    steps = rows_per_w // C
    sid = lax.axis_index("s")
    wid = sid * NC + lax.axis_index("c")
    base0 = wid * rows_per_w

    @pl.when(sid == 0)
    def _stage():
        pltpu.sync_copy(pe_hbm, pe_sh)

    plsc.subcore_barrier()

    def issue_in(p, t):
        base = base0 + t * C
        pltpu.async_copy(i_hbm.at[pl.ds(base, C)], idx_v[p], sin[p])
        pltpu.async_copy(m_hbm.at[pl.ds(base, C)], msk_v[p], sin[p])
        pltpu.async_copy(x_hbm.at[pl.ds(base, C), :], x_v[p], sin[p])

    def drain_in(p):
        pltpu.make_async_copy(i_hbm.at[pl.ds(0, C)], idx_v[p], sin[p]).wait()
        pltpu.make_async_copy(m_hbm.at[pl.ds(0, C)], msk_v[p], sin[p]).wait()
        pltpu.make_async_copy(x_hbm.at[pl.ds(0, C), :], x_v[p], sin[p]).wait()

    def prep(p):
        for j in range(C // LANES):
            sl = pl.ds(j * LANES, LANES)
            iv = idx_v[p][sl]
            mv = msk_v[p][sl]
            idx_v[p][sl] = jnp.where(mv != 0, PAD, jnp.minimum(iv, PAD))
        @plsc.parallel_loop(0, C, 1, unroll=4)
        def _row(i):
            for j in range(D // LANES):
                sl = pl.ds(j * LANES, LANES)
                x_v[p][i, sl] = SCALE * x_v[p][i, sl]

    def issue_gather(p):
        for o, g in GS:
            pltpu.async_copy(pe_sh.at[idx_v[p].at[pl.ds(o, g)]],
                             x_v[p].at[pl.ds(o, g)], sg[p], add=True)

    def drain_gather(p):
        for o, g in GS:
            pltpu.make_async_copy(pe_sh.at[idx_v[p].at[pl.ds(o, g)]],
                                  x_v[p].at[pl.ds(o, g)], sg[p]).wait()

    def issue_out(p, t):
        base = base0 + t * C
        pltpu.async_copy(x_v[p], out_hbm.at[pl.ds(base, C), :], so[p])

    def drain_out(p):
        pltpu.make_async_copy(x_v[p], out_hbm.at[pl.ds(0, C), :], so[p]).wait()

    issue_in(0, 0)
    drain_in(0)
    prep(0)
    issue_gather(0)
    issue_in(1, 1)

    def iteration(t, p):
        q = (p + 1) % 3
        r = (p + 2) % 3

        @pl.when(t >= 1)
        def _free():
            drain_out(r)

        @pl.when(t + 2 < steps)
        def _prefetch():
            issue_in(r, t + 2)

        drain_in(q)
        prep(q)
        issue_gather(q)
        drain_gather(p)
        issue_out(p, t)

    @pl.loop(0, steps // 3)
    def _triple(u):
        for e in range(3):
            iteration(3 * u + e, e)

    for t in range(3 * (steps // 3), steps):
        p = t % 3
        q = (p + 1) % 3
        drain_out((t + 2) % 3)
        if t + 1 < steps:
            drain_in(q)
            prep(q)
            issue_gather(q)
        drain_gather(p)
        issue_out(p, t)
    drain_out((steps - 1) % 3)


def kernel(x, mask, indices, pe):
    b, l, d = x.shape
    n = b * l
    x2 = x.reshape(n, d)
    m2 = mask.reshape(n).astype(jnp.int32)
    i2 = indices.reshape(n).astype(jnp.int32)

    mesh = plsc.VectorSubcoreMesh(core_axis_name="c", subcore_axis_name="s")
    out = pl.kernel(
        _body,
        out_type=jax.ShapeDtypeStruct((n, d), jnp.float32),
        mesh=mesh,
        scratch_types=(
            [pltpu.VMEM((C,), jnp.int32)] * 6
            + [pltpu.VMEM((C, D), jnp.float32)] * 3
            + [pltpu.VMEM_SHARED((PAD + 1, D), jnp.float32)]
            + [pltpu.SemaphoreType.DMA] * 9),
    )(x2, m2, i2, pe)
    return out.reshape(b, l, d)

# --- scband reference (transcript-rebuilt; emitter-appended) ---
"""Pipeline reference for scband-fixed-positional-encoding-41970420417376 (READ-ONLY COPY).

The authoritative reference and input builder live on the scoring server;
editing this copy changes nothing except your own understanding.
"""

import jax, jax.numpy as jnp
import numpy as np
import math

D_MODEL = 128
MAX_LEN = 5000


def _make_pe(d_model=D_MODEL, max_len=MAX_LEN):
    position = np.arange(0.0, max_len)[:, None]
    div_term = np.exp(np.arange(0.0, d_model, 2) * -(math.log(10000.0) / d_model))
    pe = np.zeros((max_len, d_model), dtype=np.float32)
    pe[:, 0::2] = np.sin(position * div_term)
    pe[:, 1::2] = np.cos(position * div_term)
    pe = np.concatenate([pe, np.zeros((1, d_model), dtype=np.float32)], axis=0)
    return jnp.asarray(pe)


def setup_inputs(seed: int = 0) -> dict:
    key = jax.random.key(seed)
    k1, k2, k3 = jax.random.split(key, 3)
    B, L, D = 4096, 200, D_MODEL
    x = jax.random.normal(k1, (B, L, D), dtype=jnp.float32)
    mask = jax.random.randint(k2, (B, L), 0, 2).astype(bool)
    indices = jax.random.randint(k3, (B, L), 0, 5000)
    pe = _make_pe()
    return {"x": x, "mask": mask, "indices": indices, "pe": pe}


def reference(x, mask, indices, pe):
    padding_idx = pe.shape[0] - 1
    padded_indices = jnp.where(mask, padding_idx, indices)
    padded_indices = jnp.where(padded_indices > padding_idx, padding_idx, padded_indices)
    out = math.sqrt(pe.shape[1]) * x + jnp.take(pe, padded_indices, axis=0)
    return out

if __name__ == "__main__":
    import jax
    _d = setup_inputs()
    print(jax.jit(kernel)(*tuple(_d.values())))

</pallas_src>

<mosaic_0001>
#map = affine_map<(d0, d1) -> (0, 0)>
#map1 = affine_map<(d0, d1) -> (0)>
module attributes {stable_mosaic.version = 14 : i64} {
  func.func @_body(%arg0: i32, %arg1: i32, %arg2: memref<819200x128xf32, #tpu.memory_space<hbm>>, %arg3: memref<819200xi32, #tpu.memory_space<hbm>>, %arg4: memref<819200xi32, #tpu.memory_space<hbm>>, %arg5: memref<5001x128xf32, #tpu.memory_space<hbm>>, %arg6: memref<819200x128xf32, #tpu.memory_space<hbm>>, %arg7: memref<160xi32, #tpu.memory_space<vmem>>, %arg8: memref<160xi32, #tpu.memory_space<vmem>>, %arg9: memref<160xi32, #tpu.memory_space<vmem>>, %arg10: memref<160xi32, #tpu.memory_space<vmem>>, %arg11: memref<160xi32, #tpu.memory_space<vmem>>, %arg12: memref<160xi32, #tpu.memory_space<vmem>>, %arg13: memref<160x128xf32, #tpu.memory_space<vmem>>, %arg14: memref<160x128xf32, #tpu.memory_space<vmem>>, %arg15: memref<160x128xf32, #tpu.memory_space<vmem>>, %arg16: memref<5001x128xf32, #tpu.memory_space<vmem_shared>>, %arg17: memref<!tpu.dma_semaphore, #tpu.memory_space<semaphore_mem>>, %arg18: memref<!tpu.dma_semaphore, #tpu.memory_space<semaphore_mem>>, %arg19: memref<!tpu.dma_semaphore, #tpu.memory_space<semaphore_mem>>, %arg20: memref<!tpu.dma_semaphore, #tpu.memory_space<semaphore_mem>>, %arg21: memref<!tpu.dma_semaphore, #tpu.memory_space<semaphore_mem>>, %arg22: memref<!tpu.dma_semaphore, #tpu.memory_space<semaphore_mem>>, %arg23: memref<!tpu.dma_semaphore, #tpu.memory_space<semaphore_mem>>, %arg24: memref<!tpu.dma_semaphore, #tpu.memory_space<semaphore_mem>>, %arg25: memref<!tpu.dma_semaphore, #tpu.memory_space<semaphore_mem>>) attributes {dimension_semantics = [#tpu.dimension_semantics<core_parallel>, #tpu.dimension_semantics<subcore_parallel>], iteration_bounds = array<i64: 2, 16>, scalar_prefetch = 0 : i64, scratch_operands = 19 : i64, tpu.core_type = #tpu.core_type<sc_vector_subcore>, window_params = [{transform_indices = #map}, {transform_indices = #map1}, {transform_indices = #map1}, {transform_indices = #map}, {transform_indices = #map}]} {
    %mul3A = arith.constant 2 : i32
    %mul3A_0 = arith.muli %arg1, %mul3A : i32
    %add3A = arith.addi %mul3A_0, %arg0 : i32
    %mul3A_1 = arith.constant 25600 : i32
    %mul3A_2 = arith.muli %add3A, %mul3A_1 : i32
    %eq3A = arith.constant 0 : i32
    %eq3A_3 = arith.cmpi eq, %arg1, %eq3A : i32
    %convert_element_type3A = arith.extui %eq3A_3 : i1 to i32
    %cond3A = arith.constant 0 : i32
    %cond3A_4 = arith.cmpi ne, %convert_element_type3A, %cond3A : i32
    scf.if %cond3A_4 {
      "tpu.region"() ({
        %run_scoped3A = tpu.sem_alloc : memref<!tpu.dma_semaphore, #tpu.memory_space<semaphore_mem>>
        tpu.enqueue_dma source(%arg5 : memref<5001x128xf32, #tpu.memory_space<hbm>>) target(%arg16 : memref<5001x128xf32, #tpu.memory_space<vmem_shared>>) target_semaphore(%run_scoped3A : memref<!tpu.dma_semaphore, #tpu.memory_space<semaphore_mem>>)
        tpu.wait_dma2 semaphore(%run_scoped3A : memref<!tpu.dma_semaphore, #tpu.memory_space<semaphore_mem>>) src(%arg5 : memref<5001x128xf32, #tpu.memory_space<hbm>>) dst(%arg16 : memref<5001x128xf32, #tpu.memory_space<vmem_shared>>)
        tpu.yield
      }) : () -> ()
    } else {
    }
    %barrier3A = arith.constant 0 : index
    tpu.barrier barrier_id(%barrier3A)
    %add3A_5 = arith.constant 0 : i32
    %add3A_6 = arith.addi %mul3A_2, %add3A_5 : i32
    %dma_start3A = tpu.memref_slice %arg4[%add3A_6] : memref<819200xi32, #tpu.memory_space<hbm>> -> memref<160xi32, #tpu.memory_space<hbm>>
    %dma_start3A_7 = tpu.memref_slice %arg4[%add3A_6] : memref<819200xi32, #tpu.memory_space<hbm>> -> memref<160xi32, #tpu.memory_space<hbm>>
    tpu.enqueue_dma source(%dma_start3A_7 : memref<160xi32, #tpu.memory_space<hbm>>) target(%arg7 : memref<160xi32, #tpu.memory_space<vmem>>) target_semaphore(%arg17 : memref<!tpu.dma_semaphore, #tpu.memory_space<semaphore_mem>>)
    %dma_start3A_8 = tpu.memref_slice %arg3[%add3A_6] : memref<819200xi32, #tpu.memory_space<hbm>> -> memref<160xi32, #tpu.memory_space<hbm>>
    %dma_start3A_9 = tpu.memref_slice %arg3[%add3A_6] : memref<819200xi32, #tpu.memory_space<hbm>> -> memref<160xi32, #tpu.memory_space<hbm>>
    tpu.enqueue_dma source(%dma_start3A_9 : memref<160xi32, #tpu.memory_space<hbm>>) target(%arg10 : memref<160xi32, #tpu.memory_space<vmem>>) target_semaphore(%arg17 : memref<!tpu.dma_semaphore, #tpu.memory_space<semaphore_mem>>)
    %dma_start3A_10 = arith.constant 0 : i32
    %dma_start3A_11 = tpu.memref_slice %arg2[%add3A_6, %dma_start3A_10] : memref<819200x128xf32, #tpu.memory_space<hbm>> -> memref<160x128xf32, #tpu.memory_space<hbm>>
    %dma_start3A_12 = arith.constant 0 : i32
    %dma_start3A_13 = tpu.memref_slice %arg2[%add3A_6, %dma_start3A_12] : memref<819200x128xf32, #tpu.memory_space<hbm>> -> memref<160x128xf32, #tpu.memory_space<hbm>>
    tpu.enqueue_dma source(%dma_start3A_13 : memref<160x128xf32, #tpu.memory_space<hbm>>) target(%arg13 : memref<160x128xf32, #tpu.memory_space<vmem>>) target_semaphore(%arg17 : memref<!tpu.dma_semaphore, #tpu.memory_space<semaphore_mem>>)
    %dma_wait3A = arith.constant 0 : i32
    %dma_wait3A_14 = tpu.memref_slice %arg4[%dma_wait3A] : memref<819200xi32, #tpu.memory_space<hbm>> -> memref<160xi32, #tpu.memory_space<hbm>>
    %dma_wait3A_15 = arith.constant 0 : i32
    %dma_wait3A_16 = tpu.memref_slice %arg4[%dma_wait3A_15] : memref<819200xi32, #tpu.memory_space<hbm>> -> memref<160xi32, #tpu.memory_space<hbm>>
    tpu.wait_dma2 semaphore(%arg17 : memref<!tpu.dma_semaphore, #tpu.memory_space<semaphore_mem>>) src(%dma_wait3A_16 : memref<160xi32, #tpu.memory_space<hbm>>) dst(%arg7 : memref<160xi32, #tpu.memory_space<vmem>>)
    %dma_wait3A_17 = arith.constant 0 : i32
    %dma_wait3A_18 = tpu.memref_slice %arg3[%dma_wait3A_17] : memref<819200xi32, #tpu.memory_space<hbm>> -> memref<160xi32, #tpu.memory_space<hbm>>
    %dma_wait3A_19 = arith.constant 0 : i32
    %dma_wait3A_20 = tpu.memref_slice %arg3[%dma_wait3A_19] : memref<819200xi32, #tpu.memory_space<hbm>> -> memref<160xi32, #tpu.memory_space<hbm>>
    tpu.wait_dma2 semaphore(%arg17 : memref<!tpu.dma_semaphore, #tpu.memory_space<semaphore_mem>>) src(%dma_wait3A_20 : memref<160xi32, #tpu.memory_space<hbm>>) dst(%arg10 : memref<160xi32, #tpu.memory_space<vmem>>)
    %dma_wait3A_21 = arith.constant 0 : i32
    %dma_wait3A_22 = arith.constant 0 : i32
    %dma_wait3A_23 = tpu.memref_slice %arg2[%dma_wait3A_21, %dma_wait3A_22] : memref<819200x128xf32, #tpu.memory_space<hbm>> -> memref<160x128xf32, #tpu.memory_space<hbm>>
    %dma_wait3A_24 = arith.constant 0 : i32
    %dma_wait3A_25 = arith.constant 0 : i32
    %dma_wait3A_26 = tpu.memref_slice %arg2[%dma_wait3A_24, %dma_wait3A_25] : memref<819200x128xf32, #tpu.memory_space<hbm>> -> memref<160x128xf32, #tpu.memory_space<hbm>>
    tpu.wait_dma2 semaphore(%arg17 : memref<!tpu.dma_semaphore, #tpu.memory_space<semaphore_mem>>) src(%dma_wait3A_26 : memref<160x128xf32, #tpu.memory_space<hbm>>) dst(%arg13 : memref<160x128xf32, #tpu.memory_space<vmem>>)
    %get3A = arith.constant 0 : index
    %get3A_27 = tpu.vector_load %arg7[%get3A] {strides = array<i32>} : memref<160xi32, #tpu.memory_space<vmem>>, vector<16xi32>,
    %get3A_28 = vector.shape_cast %get3A_27 : vector<16xi32> to vector<16xi32>
    %get3A_29 = arith.constant 0 : index
    %get3A_30 = tpu.vector_load %arg10[%get3A_29] {strides = array<i32>} : memref<160xi32, #tpu.memory_space<vmem>>, vector<16xi32>,
    %get3A_31 = vector.shape_cast %get3A_30 : vector<16xi32> to vector<16xi32>
    %ne3A = arith.constant 0 : i32
    %ne3A_32 = vector.broadcast %ne3A : i32 to vector<16xi32>
    %ne3A_33 = arith.cmpi ne, %get3A_31, %ne3A_32 : vector<16xi32>
    %min3A = arith.constant 5000 : i32
    %min3A_34 = vector.broadcast %min3A : i32 to vector<16xi32>
    %min3A_35 = arith.minsi %get3A_28, %min3A_34 : vector<16xi32>
    %jit3A = arith.constant 5000 : i32
    %broadcast_in_dim3A = vector.broadcast %jit3A : i32 to vector<16xi32>
    %select_n3A = arith.select %ne3A_33, %broadcast_in_dim3A, %min3A_35 : vector<16xi1>, vector<16xi32>
    %swap3A = arith.constant 0 : index
    %swap3A_36 = tpu.vector_load %arg7[%swap3A] {strides = array<i32>} : memref<160xi32, #tpu.memory_space<vmem>>, vector<16xi32>,
    %swap3A_37 = vector.shape_cast %swap3A_36 : vector<16xi32> to vector<16xi32>
    %swap3A_38 = vector.shape_cast %select_n3A : vector<16xi32> to vector<16xi32>
    tpu.vector_store %arg7[%swap3A], %swap3A_38 {strides = array<i32>} : memref<160xi32, #tpu.memory_space<vmem>>, vector<16xi32>,
    %get3A_39 = arith.constant 16 : index
    %get3A_40 = tpu.vector_load %arg7[%get3A_39] {strides = array<i32>} : memref<160xi32, #tpu.memory_space<vmem>>, vector<16xi32>,
    %get3A_41 = vector.shape_cast %get3A_40 : vector<16xi32> to vector<16xi32>
    %get3A_42 = arith.constant 16 : index
    %get3A_43 = tpu.vector_load %arg10[%get3A_42] {strides = array<i32>} : memref<160xi32, #tpu.memory_space<vmem>>, vector<16xi32>,
    %get3A_44 = vector.shape_cast %get3A_43 : vector<16xi32> to vector<16xi32>
    %ne3A_45 = arith.constant 0 : i32
    %ne3A_46 = vector.broadcast %ne3A_45 : i32 to vector<16xi32>
    %ne3A_47 = arith.cmpi ne, %get3A_44, %ne3A_46 : vector<16xi32>
    %min3A_48 = arith.constant 5000 : i32
    %min3A_49 = vector.broadcast %min3A_48 : i32 to vector<16xi32>
    %min3A_50 = arith.minsi %get3A_41, %min3A_49 : vector<16xi32>
    %jit3A_51 = arith.constant 5000 : i32
    %broadcast_in_dim3A_52 = vector.broadcast %jit3A_51 : i32 to vector<16xi32>
    %select_n3A_53 = arith.select %ne3A_47, %broadcast_in_dim3A_52, %min3A_50 : vector<16xi1>, vector<16xi32>
    %swap3A_54 = arith.constant 16 : index
    %swap3A_55 = tpu.vector_load %arg7[%swap3A_54] {strides = array<i32>} : memref<160xi32, #tpu.memory_space<vmem>>, vector<16xi32>,
    %swap3A_56 = vector.shape_cast %swap3A_55 : vector<16xi32> to vector<16xi32>
    %swap3A_57 = vector.shape_cast %select_n3A_53 : vector<16xi32> to vector<16xi32>
    tpu.vector_store %arg7[%swap3A_54], %swap3A_57 {strides = array<i32>} : memref<160xi32, #tpu.memory_space<vmem>>, vector<16xi32>,
    %get3A_58 = arith.constant 32 : index
    %get3A_59 = tpu.vector_load %arg7[%get3A_58] {strides = array<i32>} : memref<160xi32, #tpu.memory_space<vmem>>, vector<16xi32>,
    %get3A_60 = vector.shape_cast %get3A_59 : vector<16xi32> to vector<16xi32>
    %get3A_61 = arith.constant 32 : index
    %get3A_62 = tpu.vector_load %arg10[%get3A_61] {strides = array<i32>} : memref<160xi32, #tpu.memory_space<vmem>>, vector<16xi32>,
    %get3A_63 = vector.shape_cast %get3A_62 : vector<16xi32> to vector<16xi32>
    %ne3A_64 = arith.constant 0 : i32
    %ne3A_65 = vector.broadcast %ne3A_64 : i32 to vector<16xi32>
    %ne3A_66 = arith.cmpi ne, %get3A_63, %ne3A_65 : vector<16xi32>
    %min3A_67 = arith.constant 5000 : i32
    %min3A_68 = vector.broadcast %min3A_67 : i32 to vector<16xi32>
    %min3A_69 = arith.minsi %get3A_60, %min3A_68 : vector<16xi32>
    %jit3A_70 = arith.constant 5000 : i32
    %broadcast_in_dim3A_71 = vector.broadcast %jit3A_70 : i32 to vector<16xi32>
    %select_n3A_72 = arith.select %ne3A_66, %broadcast_in_dim3A_71, %min3A_69 : vector<16xi1>, vector<16xi32>
    %swap3A_73 = arith.constant 32 : index
    %swap3A_74 = tpu.vector_load %arg7[%swap3A_73] {strides = array<i32>} : memref<160xi32, #tpu.memory_space<vmem>>, vector<16xi32>,
    %swap3A_75 = vector.shape_cast %swap3A_74 : vector<16xi32> to vector<16xi32>
    %swap3A_76 = vector.shape_cast %select_n3A_72 : vector<16xi32> to vector<16xi32>
    tpu.vector_store %arg7[%swap3A_73], %swap3A_76 {strides = array<i32>} : memref<160xi32, #tpu.memory_space<vmem>>, vector<16xi32>,
    %get3A_77 = arith.constant 48 : index
    %get3A_78 = tpu.vector_load %arg7[%get3A_77] {strides = array<i32>} : memref<160xi32, #tpu.memory_space<vmem>>, vector<16xi32>,
    %get3A_79 = vector.shape_cast %get3A_78 : vector<16xi32> to vector<16xi32>
    %get3A_80 = arith.constant 48 : index
    %get3A_81 = tpu.vector_load %arg10[%get3A_80] {strides = array<i32>} : memref<160xi32, #tpu.memory_space<vmem>>, vector<16xi32>,
    %get3A_82 = vector.shape_cast %get3A_81 : vector<16xi32> to vector<16xi32>
    %ne3A_83 = arith.constant 0 : i32
    %ne3A_84 = vector.broadcast %ne3A_83 : i32 to vector<16xi32>
    %ne3A_85 = arith.cmpi ne, %get3A_82, %ne3A_84 : vector<16xi32>
    %min3A_86 = arith.constant 5000 : i32
    %min3A_87 = vector.broadcast %min3A_86 : i32 to vector<16xi32>
    %min3A_88 = arith.minsi %get3A_79, %min3A_87 : vector<16xi32>
    %jit3A_89 = arith.constant 5000 : i32
    %broadcast_in_dim3A_90 = vector.broadcast %jit3A_89 : i32 to vector<16xi32>
    %select_n3A_91 = arith.select %ne3A_85, %broadcast_in_dim3A_90, %min3A_88 : vector<16xi1>, vector<16xi32>
    %swap3A_92 = arith.constant 48 : index
    %swap3A_93 = tpu.vector_load %arg7[%swap3A_92] {strides = array<i32>} : memref<160xi32, #tpu.memory_space<vmem>>, vector<16xi32>,
    %swap3A_94 = vector.shape_cast %swap3A_93 : vector<16xi32> to vector<16xi32>
    %swap3A_95 = vector.shape_cast %select_n3A_91 : vector<16xi32> to vector<16xi32>
    tpu.vector_store %arg7[%swap3A_92], %swap3A_95 {strides = array<i32>} : memref<160xi32, #tpu.memory_space<vmem>>, vector<16xi32>,
    %get3A_96 = arith.constant 64 : index
    %get3A_97 = tpu.vector_load %arg7[%get3A_96] {strides = array<i32>} : memref<160xi32, #tpu.memory_space<vmem>>, vector<16xi32>,
    %get3A_98 = vector.shape_cast %get3A_97 : vector<16xi32> to vector<16xi32>
    %get3A_99 = arith.constant 64 : index
    %get3A_100 = tpu.vector_load %arg10[%get3A_99] {strides = array<i32>} : memref<160xi32, #tpu.memory_space<vmem>>, vector<16xi32>,
    %get3A_101 = vector.shape_cast %get3A_100 : vector<16xi32> to vector<16xi32>
    %ne3A_102 = arith.constant 0 : i32
    %ne3A_103 = vector.broadcast %ne3A_102 : i32 to vector<16xi32>
    %ne3A_104 = arith.cmpi ne, %get3A_101, %ne3A_103 : vector<16xi32>
    %min3A_105 = arith.constant 5000 : i32
    %min3A_106 = vector.broadcast %min3A_105 : i32 to vector<16xi32>
    %min3A_107 = arith.minsi %get3A_98, %min3A_106 : vector<16xi32>
    %jit3A_108 = arith.constant 5000 : i32
    %broadcast_in_dim3A_109 = vector.broadcast %jit3A_108 : i32 to vector<16xi32>
    %select_n3A_110 = arith.select %ne3A_104, %broadcast_in_dim3A_109, %min3A_107 : vector<16xi1>, vector<16xi32>
    %swap3A_111 = arith.constant 64 : index
    %swap3A_112 = tpu.vector_load %arg7[%swap3A_111] {strides = array<i32>} : memref<160xi32, #tpu.memory_space<vmem>>, vector<16xi32>,
    %swap3A_113 = vector.shape_cast %swap3A_112 : vector<16xi32> to vector<16xi32>
    %swap3A_114 = vector.shape_cast %select_n3A_110 : vector<16xi32> to vector<16xi32>
    tpu.vector_store %arg7[%swap3A_111], %swap3A_114 {strides = array<i32>} : memref<160xi32, #tpu.memory_space<vmem>>, vector<16xi32>,
    %get3A_115 = arith.constant 80 : index
    %get3A_116 = tpu.vector_load %arg7[%get3A_115] {strides = array<i32>} : memref<160xi32, #tpu.memory_space<vmem>>, vector<16xi32>,
    %get3A_117 = vector.shape_cast %get3A_116 : vector<16xi32> to vector<16xi32>
    %get3A_118 = arith.constant 80 : index
    %get3A_119 = tpu.vector_load %arg10[%get3A_118] {strides = array<i32>} : memref<160xi32, #tpu.memory_space<vmem>>, vector<16xi32>,
    %get3A_120 = vector.shape_cast %get3A_119 : vector<16xi32> to vector<16xi32>
    %ne3A_121 = arith.constant 0 : i32
    %ne3A_122 = vector.broadcast %ne3A_121 : i32 to vector<16xi32>
    %ne3A_123 = arith.cmpi ne, %get3A_120, %ne3A_122 : vector<16xi32>
    %min3A_124 = arith.constant 5000 : i32
    %min3A_125 = vector.broadcast %min3A_124 : i32 to vector<16xi32>
    %min3A_126 = arith.minsi %get3A_117, %min3A_125 : vector<16xi32>
    %jit3A_127 = arith.constant 5000 : i32
    %broadcast_in_dim3A_128 = vector.broadcast %jit3A_127 : i32 to vector<16xi32>
    %select_n3A_129 = arith.select %ne3A_123, %broadcast_in_dim3A_128, %min3A_126 : vector<16xi1>, vector<16xi32>
    %swap3A_130 = arith.constant 80 : index
    %swap3A_131 = tpu.vector_load %arg7[%swap3A_130] {strides = array<i32>} : memref<160xi32, #tpu.memory_space<vmem>>, vector<16xi32>,
    %swap3A_132 = vector.shape_cast %swap3A_131 : vector<16xi32> to vector<16xi32>
    %swap3A_133 = vector.shape_cast %select_n3A_129 : vector<16xi32> to vector<16xi32>
    tpu.vector_store %arg7[%swap3A_130], %swap3A_133 {strides = array<i32>} : memref<160xi32, #tpu.memory_space<vmem>>, vector<16xi32>,
    %get3A_134 = arith.constant 96 : index
    %get3A_135 = tpu.vector_load %arg7[%get3A_134] {strides = array<i32>} : memref<160xi32, #tpu.memory_space<vmem>>, vector<16xi32>,
    %get3A_136 = vector.shape_cast %get3A_135 : vector<16xi32> to vector<16xi32>
    %get3A_137 = arith.constant 96 : index
    %get3A_138 = tpu.vector_load %arg10[%get3A_137] {strides = array<i32>} : memref<160xi32, #tpu.memory_space<vmem>>, vector<16xi32>,
    %get3A_139 = vector.shape_cast %get3A_138 : vector<16xi32> to vector<16xi32>
    %ne3A_140 = arith.constant 0 : i32
    %ne3A_141 = vector.broadcast %ne3A_140 : i32 to vector<16xi32>
    %ne3A_142 = arith.cmpi ne, %get3A_139, %ne3A_141 : vector<16xi32>
    %min3A_143 = arith.constant 5000 : i32
    %min3A_144 = vector.broadcast %min3A_143 : i32 to vector<16xi32>
    %min3A_145 = arith.minsi %get3A_136, %min3A_144 : vector<16xi32>
    %jit3A_146 = arith.constant 5000 : i32
    %broadcast_in_dim3A_147 = vector.broadcast %jit3A_146 : i32 to vector<16xi32>
    %select_n3A_148 = arith.select %ne3A_142, %broadcast_in_dim3A_147, %min3A_145 : vector<16xi1>, vector<16xi32>
    %swap3A_149 = arith.constant 96 : index
    %swap3A_150 = tpu.vector_load %arg7[%swap3A_149] {strides = array<i32>} : memref<160xi32, #tpu.memory_space<vmem>>, vector<16xi32>,
    %swap3A_151 = vector.shape_cast %swap3A_150 : vector<16xi32> to vector<16xi32>
    %swap3A_152 = vector.shape_cast %select_n3A_148 : vector<16xi32> to vector<16xi32>
    tpu.vector_store %arg7[%swap3A_149], %swap3A_152 {strides = array<i32>} : memref<160xi32, #tpu.memory_space<vmem>>, vector<16xi32>,
    %get3A_153 = arith.constant 112 : index
    %get3A_154 = tpu.vector_load %arg7[%get3A_153] {strides = array<i32>} : memref<160xi32, #tpu.memory_space<vmem>>, vector<16xi32>,
    %get3A_155 = vector.shape_cast %get3A_154 : vector<16xi32> to vector<16xi32>
    %get3A_156 = arith.constant 112 : index
    %get3A_157 = tpu.vector_load %arg10[%get3A_156] {strides = array<i32>} : memref<160xi32, #tpu.memory_space<vmem>>, vector<16xi32>,
    %get3A_158 = vector.shape_cast %get3A_157 : vector<16xi32> to vector<16xi32>
    %ne3A_159 = arith.constant 0 : i32
    %ne3A_160 = vector.broadcast %ne3A_159 : i32 to vector<16xi32>
    %ne3A_161 = arith.cmpi ne, %get3A_158, %ne3A_160 : vector<16xi32>
    %min3A_162 = arith.constant 5000 : i32
    %min3A_163 = vector.broadcast %min3A_162 : i32 to vector<16xi32>
    %min3A_164 = arith.minsi %get3A_155, %min3A_163 : vector<16xi32>
    %jit3A_165 = arith.constant 5000 : i32
    %broadcast_in_dim3A_166 = vector.broadcast %jit3A_165 : i32 to vector<16xi32>
    %select_n3A_167 = arith.select %ne3A_161, %broadcast_in_dim3A_166, %min3A_164 : vector<16xi1>, vector<16xi32>
    %swap3A_168 = arith.constant 112 : index
    %swap3A_169 = tpu.vector_load %arg7[%swap3A_168] {strides = array<i32>} : memref<160xi32, #tpu.memory_space<vmem>>, vector<16xi32>,
    %swap3A_170 = vector.shape_cast %swap3A_169 : vector<16xi32> to vector<16xi32>
    %swap3A_171 = vector.shape_cast %select_n3A_167 : vector<16xi32> to vector<16xi32>
    tpu.vector_store %arg7[%swap3A_168], %swap3A_171 {strides = array<i32>} : memref<160xi32, #tpu.memory_space<vmem>>, vector<16xi32>,
    %get3A_172 = arith.constant 128 : index
    %get3A_173 = tpu.vector_load %arg7[%get3A_172] {strides = array<i32>} : memref<160xi32, #tpu.memory_space<vmem>>, vector<16xi32>,
    %get3A_174 = vector.shape_cast %get3A_173 : vector<16xi32> to vector<16xi32>
    %get3A_175 = arith.constant 128 : index
    %get3A_176 = tpu.vector_load %arg10[%get3A_175] {strides = array<i32>} : memref<160xi32, #tpu.memory_space<vmem>>, vector<16xi32>,
    %get3A_177 = vector.shape_cast %get3A_176 : vector<16xi32> to vector<16xi32>
    %ne3A_178 = arith.constant 0 : i32
    %ne3A_179 = vector.broadcast %ne3A_178 : i32 to vector<16xi32>
    %ne3A_180 = arith.cmpi ne, %get3A_177, %ne3A_179 : vector<16xi32>
    %min3A_181 = arith.constant 5000 : i32
    %min3A_182 = vector.broadcast %min3A_181 : i32 to vector<16xi32>
    %min3A_183 = arith.minsi %get3A_174, %min3A_182 : vector<16xi32>
    %jit3A_184 = arith.constant 5000 : i32
    %broadcast_in_dim3A_185 = vector.broadcast %jit3A_184 : i32 to vector<16xi32>
    %select_n3A_186 = arith.select %ne3A_180, %broadcast_in_dim3A_185, %min3A_183 : vector<16xi1>, vector<16xi32>
    %swap3A_187 = arith.constant 128 : index
    %swap3A_188 = tpu.vector_load %arg7[%swap3A_187] {strides = array<i32>} : memref<160xi32, #tpu.memory_space<vmem>>, vector<16xi32>,
    %swap3A_189 = vector.shape_cast %swap3A_188 : vector<16xi32> to vector<16xi32>
    %swap3A_190 = vector.shape_cast %select_n3A_186 : vector<16xi32> to vector<16xi32>
    tpu.vector_store %arg7[%swap3A_187], %swap3A_190 {strides = array<i32>} : memref<160xi32, #tpu.memory_space<vmem>>, vector<16xi32>,
    %get3A_191 = arith.constant 144 : index
    %get3A_192 = tpu.vector_load %arg7[%get3A_191] {strides = array<i32>} : memref<160xi32, #tpu.memory_space<vmem>>, vector<16xi32>,
    %get3A_193 = vector.shape_cast %get3A_192 : vector<16xi32> to vector<16xi32>
    %get3A_194 = arith.constant 144 : index
    %get3A_195 = tpu.vector_load %arg10[%get3A_194] {strides = array<i32>} : memref<160xi32, #tpu.memory_space<vmem>>, vector<16xi32>,
    %get3A_196 = vector.shape_cast %get3A_195 : vector<16xi32> to vector<16xi32>
    %ne3A_197 = arith.constant 0 : i32
    %ne3A_198 = vector.broadcast %ne3A_197 : i32 to vector<16xi32>
    %ne3A_199 = arith.cmpi ne, %get3A_196, %ne3A_198 : vector<16xi32>
    %min3A_200 = arith.constant 5000 : i32
    %min3A_201 = vector.broadcast %min3A_200 : i32 to vector<16xi32>
    %min3A_202 = arith.minsi %get3A_193, %min3A_201 : vector<16xi32>
    %jit3A_203 = arith.constant 5000 : i32
    %broadcast_in_dim3A_204 = vector.broadcast %jit3A_203 : i32 to vector<16xi32>
    %select_n3A_205 = arith.select %ne3A_199, %broadcast_in_dim3A_204, %min3A_202 : vector<16xi1>, vector<16xi32>
    %swap3A_206 = arith.constant 144 : index
    %swap3A_207 = tpu.vector_load %arg7[%swap3A_206] {strides = array<i32>} : memref<160xi32, #tpu.memory_space<vmem>>, vector<16xi32>,
    %swap3A_208 = vector.shape_cast %swap3A_207 : vector<16xi32> to vector<16xi32>
    %swap3A_209 = vector.shape_cast %select_n3A_205 : vector<16xi32> to vector<16xi32>
    tpu.vector_store %arg7[%swap3A_206], %swap3A_209 {strides = array<i32>} : memref<160xi32, #tpu.memory_space<vmem>>, vector<16xi32>,
    %parallel_loop3A = arith.constant 0 : i32
    %parallel_loop3A_210 = arith.constant 160 : i32
    %parallel_loop3A_211 = arith.constant 1 : i32
    scf.for %parallel_loop3A_276 = %parallel_loop3A to %parallel_loop3A_210 step %parallel_loop3A_211  : i32 {
      %parallel_loop3A_277 = arith.index_cast %parallel_loop3A_276 : i32 to index
      %parallel_loop3A_278 = arith.constant 0 : index
      %parallel_loop3A_279 = tpu.vector_load %arg13[%parallel_loop3A_277, %parallel_loop3A_278] {strides = array<i32>} : memref<160x128xf32, #tpu.memory_space<vmem>>, vector<1x16xf32>,
      %parallel_loop3A_280 = vector.shape_cast %parallel_loop3A_279 : vector<1x16xf32> to vector<16xf32>
      %parallel_loop3A_281 = arith.constant 11.3137083 : f32
      %parallel_loop3A_282 = vector.broadcast %parallel_loop3A_281 : f32 to vector<16xf32>
      %parallel_loop3A_283 = arith.mulf %parallel_loop3A_282, %parallel_loop3A_280 : vector<16xf32>
      %parallel_loop3A_284 = arith.index_cast %parallel_loop3A_276 : i32 to index
      %parallel_loop3A_285 = arith.constant 0 : index
      %parallel_loop3A_286 = tpu.vector_load %arg13[%parallel_loop3A_284, %parallel_loop3A_285] {strides = array<i32>} : memref<160x128xf32, #tpu.memory_space<vmem>>, vector<1x16xf32>,
      %parallel_loop3A_287 = vector.shape_cast %parallel_loop3A_286 : vector<1x16xf32> to vector<16xf32>
      %parallel_loop3A_288 = vector.shape_cast %parallel_loop3A_283 : vector<16xf32> to vector<1x16xf32>
      tpu.vector_store %arg13[%parallel_loop3A_284, %parallel_loop3A_285], %parallel_loop3A_288 {strides = array<i32>} : memref<160x128xf32, #tpu.memory_space<vmem>>, vector<1x16xf32>,
      %parallel_loop3A_289 = arith.index_cast %parallel_loop3A_276 : i32 to index
      %parallel_loop3A_290 = arith.constant 16 : index
      %parallel_loop3A_291 = tpu.vector_load %arg13[%parallel_loop3A_289, %parallel_loop3A_290] {strides = array<i32>} : memref<160x128xf32, #tpu.memory_space<vmem>>, vector<1x16xf32>,
      %parallel_loop3A_292 = vector.shape_cast %parallel_loop3A_291 : vector<1x16xf32> to vector<16xf32>
      %parallel_loop3A_293 = arith.constant 11.3137083 : f32
      %parallel_loop3A_294 = vector.broadcast %parallel_loop3A_293 : f32 to vector<16xf32>
      %parallel_loop3A_295 = arith.mulf %parallel_loop3A_294, %parallel_loop3A_292 : vector<16xf32>
      %parallel_loop3A_296 = arith.index_cast %parallel_loop3A_276 : i32 to index
      %parallel_loop3A_297 = arith.constant 16 : index
      %parallel_loop3A_298 = tpu.vector_load %arg13[%parallel_loop3A_296, %parallel_loop3A_297] {strides = array<i32>} : memref<160x128xf32, #tpu.memory_space<vmem>>, vector<1x16xf32>,
      %parallel_loop3A_299 = vector.shape_cast %parallel_loop3A_298 : vector<1x16xf32> to vector<16xf32>
      %parallel_loop3A_300 = vector.shape_cast %parallel_loop3A_295 : vector<16xf32> to vector<1x16xf32>
      tpu.vector_store %arg13[%parallel_loop3A_296, %parallel_loop3A_297], %parallel_loop3A_300 {strides = array<i32>} : memref<160x128xf32, #tpu.memory_space<vmem>>, vector<1x16xf32>,
      %parallel_loop3A_301 = arith.index_cast %parallel_loop3A_276 : i32 to index
      %parallel_loop3A_302 = arith.constant 32 : index
      %parallel_loop3A_303 = tpu.vector_load %arg13[%parallel_loop3A_301, %parallel_loop3A_302] {strides = array<i32>} : memref<160x128xf32, #tpu.memory_space<vmem>>, vector<1x16xf32>,
      %parallel_loop3A_304 = vector.shape_cast %parallel_loop3A_303 : vector<1x16xf32> to vector<16xf32>
      %parallel_loop3A_305 = arith.constant 11.3137083 : f32
      %parallel_loop3A_306 = vector.broadcast %parallel_loop3A_305 : f32 to vector<16xf32>
      %parallel_loop3A_307 = arith.mulf %parallel_loop3A_306, %parallel_loop3A_304 : vector<16xf32>
      %parallel_loop3A_308 = arith.index_cast %parallel_loop3A_276 : i32 to index
      %parallel_loop3A_309 = arith.constant 32 : index
      %parallel_loop3A_310 = tpu.vector_load %arg13[%parallel_loop3A_308, %parallel_loop3A_309] {strides = array<i32>} : memref<160x128xf32, #tpu.memory_space<vmem>>, vector<1x16xf32>,
      %parallel_loop3A_311 = vector.shape_cast %parallel_loop3A_310 : vector<1x16xf32> to vector<16xf32>
      %parallel_loop3A_312 = vector.shape_cast %parallel_loop3A_307 : vector<16xf32> to vector<1x16xf32>
      tpu.vector_store %arg13[%parallel_loop3A_308, %parallel_loop3A_309], %parallel_loop3A_312 {strides = array<i32>} : memref<160x128xf32, #tpu.memory_space<vmem>>, vector<1x16xf32>,
      %parallel_loop3A_313 = arith.index_cast %parallel_loop3A_276 : i32 to index
      %parallel_loop3A_314 = arith.constant 48 : index
      %parallel_loop3A_315 = tpu.vector_load %arg13[%parallel_loop3A_313, %parallel_loop3A_314] {strides = array<i32>} : memref<160x128xf32, #tpu.memory_space<vmem>>, vector<1x16xf32>,
      %parallel_loop3A_316 = vector.shape_cast %parallel_loop3A_315 : vector<1x16xf32> to vector<16xf32>
      %parallel_loop3A_317 = arith.constant 11.3137083 : f32
      %parallel_loop3A_318 = vector.broadcast %parallel_loop3A_317 : f32 to vector<16xf32>
      %parallel_loop3A_319 = arith.mulf %parallel_loop3A_318, %parallel_loop3A_316 : vector<16xf32>
      %parallel_loop3A_320 = arith.index_cast %parallel_loop3A_276 : i32 to index
      %parallel_loop3A_321 = arith.constant 48 : index
      %parallel_loop3A_322 = tpu.vector_load %arg13[%parallel_loop3A_320, %parallel_loop3A_321] {strides = array<i32>} : memref<160x128xf32, #tpu.memory_space<vmem>>, vector<1x16xf32>,
      %parallel_loop3A_323 = vector.shape_cast %parallel_loop3A_322 : vector<1x16xf32> to vector<16xf32>
      %parallel_loop3A_324 = vector.shape_cast %parallel_loop3A_319 : vector<16xf32> to vector<1x16xf32>
      tpu.vector_store %arg13[%parallel_loop3A_320, %parallel_loop3A_321], %parallel_loop3A_324 {strides = array<i32>} : memref<160x128xf32, #tpu.memory_space<vmem>>, vector<1x16xf32>,
      %parallel_loop3A_325 = arith.index_cast %parallel_loop3A_276 : i32 to index
      %parallel_loop3A_326 = arith.constant 64 : index
      %parallel_loop3A_327 = tpu.vector_load %arg13[%parallel_loop3A_325, %parallel_loop3A_326] {strides = array<i32>} : memref<160x128xf32, #tpu.memory_space<vmem>>, vector<1x16xf32>,
      %parallel_loop3A_328 = vector.shape_cast %parallel_loop3A_327 : vector<1x16xf32> to vector<16xf32>
      %parallel_loop3A_329 = arith.constant 11.3137083 : f32
      %parallel_loop3A_330 = vector.broadcast %parallel_loop3A_329 : f32 to vector<16xf32>
      %parallel_loop3A_331 = arith.mulf %parallel_loop3A_330, %parallel_loop3A_328 : vector<16xf32>
      %parallel_loop3A_332 = arith.index_cast %parallel_loop3A_276 : i32 to index
      %parallel_loop3A_333 = arith.constant 64 : index
      %parallel_loop3A_334 = tpu.vector_load %arg13[%parallel_loop3A_332, %parallel_loop3A_333] {strides = array<i32>} : memref<160x128xf32, #tpu.memory_space<vmem>>, vector<1x16xf32>,
      %parallel_loop3A_335 = vector.shape_cast %parallel_loop3A_334 : vector<1x16xf32> to vector<16xf32>
      %parallel_loop3A_336 = vector.shape_cast %parallel_loop3A_331 : vector<16xf32> to vector<1x16xf32>
      tpu.vector_store %arg13[%parallel_loop3A_332, %parallel_loop3A_333], %parallel_loop3A_336 {strides = array<i32>} : memref<160x128xf32, #tpu.memory_space<vmem>>, vector<1x16xf32>,
      %parallel_loop3A_337 = arith.index_cast %parallel_loop3A_276 : i32 to index
      %parallel_loop3A_338 = arith.constant 80 : index
      %parallel_loop3A_339 = tpu.vector_load %arg13[%parallel_loop3A_337, %parallel_loop3A_338] {strides = array<i32>} : memref<160x128xf32, #tpu.memory_space<vmem>>, vector<1x16xf32>,
      %parallel_loop3A_340 = vector.shape_cast %parallel_loop3A_339 : vector<1x16xf32> to vector<16xf32>
      %parallel_loop3A_341 = arith.constant 11.3137083 : f32
      %parallel_loop3A_342 = vector.broadcast %parallel_loop3A_341 : f32 to vector<16xf32>
      %parallel_loop3A_343 = arith.mulf %parallel_loop3A_342, %parallel_loop3A_340 : vector<16xf32>
      %parallel_loop3A_344 = arith.index_cast %parallel_loop3A_276 : i32 to index
      %parallel_loop3A_345 = arith.constant 80 : index
      %parallel_loop3A_346 = tpu.vector_load %arg13[%parallel_loop3A_344, %parallel_loop3A_345] {strides = array<i32>} : memref<160x128xf32, #tpu.memory_space<vmem>>, vector<1x16xf32>,
      %parallel_loop3A_347 = vector.shape_cast %parallel_loop3A_346 : vector<1x16xf32> to vector<16xf32>
      %parallel_loop3A_348 = vector.shape_cast %parallel_loop3A_343 : vector<16xf32> to vector<1x16xf32>
      tpu.vector_store %arg13[%parallel_loop3A_344, %parallel_loop3A_345], %parallel_loop3A_348 {strides = array<i32>} : memref<160x128xf32, #tpu.memory_space<vmem>>, vector<1x16xf32>,
      %parallel_loop3A_349 = arith.index_cast %parallel_loop3A_276 : i32 to index
      %parallel_loop3A_350 = arith.constant 96 : index
      %parallel_loop3A_351 = tpu.vector_load %arg13[%parallel_loop3A_349, %parallel_loop3A_350] {strides = array<i32>} : memref<160x128xf32, #tpu.memory_space<vmem>>, vector<1x16xf32>,
      %parallel_loop3A_352 = vector.shape_cast %parallel_loop3A_351 : vector<1x16xf32> to vector<16xf32>
      %parallel_loop3A_353 = arith.constant 11.3137083 : f32
      %parallel_loop3A_354 = vector.broadcast %parallel_loop3A_353 : f32 to vector<16xf32>
      %parallel_loop3A_355 = arith.mulf %parallel_loop3A_354, %parallel_loop3A_352 : vector<16xf32>
      %parallel_loop3A_356 = arith.index_cast %parallel_loop3A_276 : i32 to index
      %parallel_loop3A_357 = arith.constant 96 : index
      %parallel_loop3A_358 = tpu.vector_load %arg13[%parallel_loop3A_356, %parallel_loop3A_357] {strides = array<i32>} : memref<160x128xf32, #tpu.memory_space<vmem>>, vector<1x16xf32>,
      %parallel_loop3A_359 = vector.shape_cast %parallel_loop3A_358 : vector<1x16xf32> to vector<16xf32>
      %parallel_loop3A_360 = vector.shape_cast %parallel_loop3A_355 : vector<16xf32> to vector<1x16xf32>
      tpu.vector_store %arg13[%parallel_loop3A_356, %parallel_loop3A_357], %parallel_loop3A_360 {strides = array<i32>} : memref<160x128xf32, #tpu.memory_space<vmem>>, vector<1x16xf32>,
      %parallel_loop3A_361 = arith.index_cast %parallel_loop3A_276 : i32 to index
      %parallel_loop3A_362 = arith.constant 112 : index
      %parallel_loop3A_363 = tpu.vector_load %arg13[%parallel_loop3A_361, %parallel_loop3A_362] {strides = array<i32>} : memref<160x128xf32, #tpu.memory_space<vmem>>, vector<1x16xf32>,
      %parallel_loop3A_364 = vector.shape_cast %parallel_loop3A_363 : vector<1x16xf32> to vector<16xf32>
      %parallel_loop3A_365 = arith.constant 11.3137083 : f32
      %parallel_loop3A_366 = vector.broadcast %parallel_loop3A_365 : f32 to vector<16xf32>
      %parallel_loop3A_367 = arith.mulf %parallel_loop3A_366, %parallel_loop3A_364 : vector<16xf32>
      %parallel_loop3A_368 = arith.index_cast %parallel_loop3A_276 : i32 to index
      %parallel_loop3A_369 = arith.constant 112 : index
      %parallel_loop3A_370 = tpu.vector_load %arg13[%parallel_loop3A_368, %parallel_loop3A_369] {strides = array<i32>} : memref<160x128xf32, #tpu.memory_space<vmem>>, vector<1x16xf32>,
      %parallel_loop3A_371 = vector.shape_cast %parallel_loop3A_370 : vector<1x16xf32> to vector<16xf32>
      %parallel_loop3A_372 = vector.shape_cast %parallel_loop3A_367 : vector<16xf32> to vector<1x16xf32>
      tpu.vector_store %arg13[%parallel_loop3A_368, %parallel_loop3A_369], %parallel_loop3A_372 {strides = array<i32>} : memref<160x128xf32, #tpu.memory_space<vmem>>, vector<1x16xf32>,
    } {sc.loop_unroll_factor = 4 : i64, sc.parallel_access}
    %dma_start3A_212 = arith.constant 0 : i32
    %dma_start3A_213 = arith.constant 0 : i32
    %dma_start3A_214 = tpu.memref_slice %arg13[%dma_start3A_212, %dma_start3A_213] : memref<160x128xf32, #tpu.memory_space<vmem>> -> memref<80x128xf32, #tpu.memory_space<vmem>>
    %dma_start3A_215 = arith.constant 0 : i32
    %dma_start3A_216 = tpu.memref_slice %arg7[%dma_start3A_215] : memref<160xi32, #tpu.memory_space<vmem>> -> memref<80xi32, #tpu.memory_space<vmem>>
    %dma_start3A_217 = arith.constant 0 : i32
    %dma_start3A_218 = arith.constant 0 : i32
    %dma_start3A_219 = tpu.memref_slice %arg16[%dma_start3A_217, %dma_start3A_218] : memref<5001x128xf32, #tpu.memory_space<vmem_shared>> -> memref<5001x128xf32, #tpu.memory_space<vmem_shared>>
    tpu.enqueue_indirect_dma source(%dma_start3A_219 : memref<5001x128xf32, #tpu.memory_space<vmem_shared>>) target(%dma_start3A_214 : memref<80x128xf32, #tpu.memory_space<vmem>>) offsets(%dma_start3A_216 : memref<80xi32, #tpu.memory_space<vmem>>) semaphore(%arg20 : memref<!tpu.dma_semaphore, #tpu.memory_space<semaphore_mem>>) {add = true}
    %dma_start3A_220 = arith.constant 80 : i32
    %dma_start3A_221 = arith.constant 0 : i32
    %dma_start3A_222 = tpu.memref_slice %arg13[%dma_start3A_220, %dma_start3A_221] : memref<160x128xf32, #tpu.memory_space<vmem>> -> memref<80x128xf32, #tpu.memory_space<vmem>>
    %dma_start3A_223 = arith.constant 80 : i32
    %dma_start3A_224 = tpu.memref_slice %arg7[%dma_start3A_223] : memref<160xi32, #tpu.memory_space<vmem>> -> memref<80xi32, #tpu.memory_space<vmem>>
    %dma_start3A_225 = arith.constant 0 : i32
    %dma_start3A_226 = arith.constant 0 : i32
    %dma_start3A_227 = tpu.memref_slice %arg16[%dma_start3A_225, %dma_start3A_226] : memref<5001x128xf32, #tpu.memory_space<vmem_shared>> -> memref<5001x128xf32, #tpu.memory_space<vmem_shared>>
    tpu.enqueue_indirect_dma source(%dma_start3A_227 : memref<5001x128xf32, #tpu.memory_space<vmem_shared>>) target(%dma_start3A_222 : memref<80x128xf32, #tpu.memory_space<vmem>>) offsets(%dma_start3A_224 : memref<80xi32, #tpu.memory_space<vmem>>) semaphore(%arg20 : memref<!tpu.dma_semaphore, #tpu.memory_space<semaphore_mem>>) {add = true}
    %add3A_228 = arith.constant 160 : i32
    %add3A_229 = arith.addi %mul3A_2, %add3A_228 : i32
    %dma_start3A_230 = tpu.memref_slice %arg4[%add3A_229] : memref<819200xi32, #tpu.memory_space<hbm>> -> memref<160xi32, #tpu.memory_space<hbm>>
    %dma_start3A_231 = tpu.memref_slice %arg4[%add3A_229] : memref<819200xi32, #tpu.memory_space<hbm>> -> memref<160xi32, #tpu.memory_space<hbm>>
    tpu.enqueue_dma source(%dma_start3A_231 : memref<160xi32, #tpu.memory_space<hbm>>) target(%arg8 : memref<160xi32, #tpu.memory_space<vmem>>) target_semaphore(%arg18 : memref<!tpu.dma_semaphore, #tpu.memory_space<semaphore_mem>>)
    %dma_start3A_232 = tpu.memref_slice %arg3[%add3A_229] : memref<819200xi32, #tpu.memory_space<hbm>> -> memref<160xi32, #tpu.memory_space<hbm>>
    %dma_start3A_233 = tpu.memref_slice %arg3[%add3A_229] : memref<819200xi32, #tpu.memory_space<hbm>> -> memref<160xi32, #tpu.memory_space<hbm>>
    tpu.enqueue_dma source(%dma_start3A_233 : memref<160xi32, #tpu.memory_space<hbm>>) target(%arg11 : memref<160xi32, #tpu.memory_space<vmem>>) target_semaphore(%arg18 : memref<!tpu.dma_semaphore, #tpu.memory_space<semaphore_mem>>)
    %dma_start3A_234 = arith.constant 0 : i32
    %dma_start3A_235 = tpu.memref_slice %arg2[%add3A_229, %dma_start3A_234] : memref<819200x128xf32, #tpu.memory_space<hbm>> -> memref<160x128xf32, #tpu.memory_space<hbm>>
    %dma_start3A_236 = arith.constant 0 : i32
    %dma_start3A_237 = tpu.memref_slice %arg2[%add3A_229, %dma_start3A_236] : memref<819200x128xf32, #tpu.memory_space<hbm>> -> memref<160x128xf32, #tpu.memory_space<hbm>>
    tpu.enqueue_dma source(%dma_start3A_237 : memref<160x128xf32, #tpu.memory_space<hbm>>) target(%arg14 : memref<160x128xf32, #tpu.memory_space<vmem>>) target_semaphore(%arg18 : memref<!tpu.dma_semaphore, #tpu.memory_space<semaphore_mem>>)
    %scan3A = arith.constant 0 : i32
    %scan3A_238 = arith.constant 53 : i32
    %scan3A_239 = arith.addi %scan3A, %scan3A_238 : i32
    %scan3A_240 = arith.constant 1 : i32
    scf.for %scan3A_276 = %scan3A to %scan3A_239 step %scan3A_240  : i32 {
      %mul3A_277 = arith.constant 1 : i32
      %mul3A_278 = arith.muli %scan3A_276, %mul3A_277 : i32
      %add3A_279 = arith.constant 0 : i32
      %add3A_280 = arith.addi %add3A_279, %mul3A_278 : i32
      %mul3A_281 = arith.constant 3 : i32
      %mul3A_282 = arith.muli %mul3A_281, %add3A_280 : i32
      %add3A_283 = arith.constant 0 : i32
      %add3A_284 = arith.addi %mul3A_282, %add3A_283 : i32
      %ge3A = arith.constant 1 : i32
      %ge3A_285 = arith.cmpi sge, %add3A_284, %ge3A : i32
      %convert_element_type3A_286 = arith.extui %ge3A_285 : i1 to i32
      %cond3A_287 = arith.constant 0 : i32
      %cond3A_288 = arith.cmpi ne, %convert_element_type3A_286, %cond3A_287 : i32
      scf.if %cond3A_288 {
        %dma_wait3A_1065 = arith.constant 0 : i32
        %dma_wait3A_1066 = arith.constant 0 : i32
        %dma_wait3A_1067 = tpu.memref_slice %arg6[%dma_wait3A_1065, %dma_wait3A_1066] : memref<819200x128xf32, #tpu.memory_space<hbm>> -> memref<160x128xf32, #tpu.memory_space<hbm>>
        %dma_wait3A_1068 = arith.constant 0 : i32
        %dma_wait3A_1069 = arith.constant 0 : i32
        %dma_wait3A_1070 = tpu.memref_slice %arg6[%dma_wait3A_1068, %dma_wait3A_1069] : memref<819200x128xf32, #tpu.memory_space<hbm>> -> memref<160x128xf32, #tpu.memory_space<hbm>>
        tpu.wait_dma2 semaphore(%arg25 : memref<!tpu.dma_semaphore, #tpu.memory_space<semaphore_mem>>) src(%arg15 : memref<160x128xf32, #tpu.memory_space<vmem>>) dst(%dma_wait3A_1070 : memref<160x128xf32, #tpu.memory_space<hbm>>)
      } else {
      }
      %add3A_289 = arith.constant 2 : i32
      %add3A_290 = arith.addi %add3A_284, %add3A_289 : i32
      %lt3A = arith.constant 160 : i32
      %lt3A_291 = arith.cmpi slt, %add3A_290, %lt3A : i32
      %convert_element_type3A_292 = arith.extui %lt3A_291 : i1 to i32
      %cond3A_293 = arith.constant 0 : i32
      %cond3A_294 = arith.cmpi ne, %convert_element_type3A_292, %cond3A_293 : i32
      scf.if %cond3A_294 {
        %add3A_1065 = arith.constant 2 : i32
        %add3A_1066 = arith.addi %add3A_284, %add3A_1065 : i32
        %mul3A_1067 = arith.constant 160 : i32
        %mul3A_1068 = arith.muli %add3A_1066, %mul3A_1067 : i32
        %add3A_1069 = arith.addi %mul3A_2, %mul3A_1068 : i32
        %dma_start3A_1070 = tpu.memref_slice %arg4[%add3A_1069] : memref<819200xi32, #tpu.memory_space<hbm>> -> memref<160xi32, #tpu.memory_space<hbm>>
        %dma_start3A_1071 = tpu.memref_slice %arg4[%add3A_1069] : memref<819200xi32, #tpu.memory_space<hbm>> -> memref<160xi32, #tpu.memory_space<hbm>>
        tpu.enqueue_dma source(%dma_start3A_1071 : memref<160xi32, #tpu.memory_space<hbm>>) target(%arg9 : memref<160xi32, #tpu.memory_space<vmem>>) target_semaphore(%arg19 : memref<!tpu.dma_semaphore, #tpu.memory_space<semaphore_mem>>)
        %dma_start3A_1072 = tpu.memref_slice %arg3[%add3A_1069] : memref<819200xi32, #tpu.memory_space<hbm>> -> memref<160xi32, #tpu.memory_space<hbm>>
        %dma_start3A_1073 = tpu.memref_slice %arg3[%add3A_1069] : memref<819200xi32, #tpu.memory_space<hbm>> -> memref<160xi32, #tpu.memory_space<hbm>>
        tpu.enqueue_dma source(%dma_start3A_1073 : memref<160xi32, #tpu.memory_space<hbm>>) target(%arg12 : memref<160xi32, #tpu.memory_space<vmem>>) target_semaphore(%arg19 : memref<!tpu.dma_semaphore, #tpu.memory_space<semaphore_mem>>)
        %dma_start3A_1074 = arith.constant 0 : i32
        %dma_start3A_1075 = tpu.memref_slice %arg2[%add3A_1069, %dma_start3A_1074] : memref<819200x128xf32, #tpu.memory_space<hbm>> -> memref<160x128xf32, #tpu.memory_space<hbm>>
        %dma_start3A_1076 = arith.constant 0 : i32
        %dma_start3A_1077 = tpu.memref_slice %arg2[%add3A_1069, %dma_start3A_1076] : memref<819200x128xf32, #tpu.memory_space<hbm>> -> memref<160x128xf32, #tpu.memory_space<hbm>>
        tpu.enqueue_dma source(%dma_start3A_1077 : memref<160x128xf32, #tpu.memory_space<hbm>>) target(%arg15 : memref<160x128xf32, #tpu.memory_space<vmem>>) target_semaphore(%arg19 : memref<!tpu.dma_semaphore, #tpu.memory_space<semaphore_mem>>)
      } else {
      }
      %dma_wait3A_295 = arith.constant 0 : i32
      %dma_wait3A_296 = tpu.memref_slice %arg4[%dma_wait3A_295] : memref<819200xi32, #tpu.memory_space<hbm>> -> memref<160xi32, #tpu.memory_space<hbm>>
      %dma_wait3A_297 = arith.constant 0 : i32
      %dma_wait3A_298 = tpu.memref_slice %arg4[%dma_wait3A_297] : memref<819200xi32, #tpu.memory_space<hbm>> -> memref<160xi32, #tpu.memory_space<hbm>>
      tpu.wait_dma2 semaphore(%arg18 : memref<!tpu.dma_semaphore, #tpu.memory_space<semaphore_mem>>) src(%dma_wait3A_298 : memref<160xi32, #tpu.memory_space<hbm>>) dst(%arg8 : memref<160xi32, #tpu.memory_space<vmem>>)
      %dma_wait3A_299 = arith.constant 0 : i32
      %dma_wait3A_300 = tpu.memref_slice %arg3[%dma_wait3A_299] : memref<819200xi32, #tpu.memory_space<hbm>> -> memref<160xi32, #tpu.memory_space<hbm>>
      %dma_wait3A_301 = arith.constant 0 : i32
      %dma_wait3A_302 = tpu.memref_slice %arg3[%dma_wait3A_301] : memref<819200xi32, #tpu.memory_space<hbm>> -> memref<160xi32, #tpu.memory_space<hbm>>
      tpu.wait_dma2 semaphore(%arg18 : memref<!tpu.dma_semaphore, #tpu.memory_space<semaphore_mem>>) src(%dma_wait3A_302 : memref<160xi32, #tpu.memory_space<hbm>>) dst(%arg11 : memref<160xi32, #tpu.memory_space<vmem>>)
      %dma_wait3A_303 = arith.constant 0 : i32
      %dma_wait3A_304 = arith.constant 0 : i32
      %dma_wait3A_305 = tpu.memref_slice %arg2[%dma_wait3A_303, %dma_wait3A_304] : memref<819200x128xf32, #tpu.memory_space<hbm>> -> memref<160x128xf32, #tpu.memory_space<hbm>>
      %dma_wait3A_306 = arith.constant 0 : i32
      %dma_wait3A_307 = arith.constant 0 : i32
      %dma_wait3A_308 = tpu.memref_slice %arg2[%dma_wait3A_306, %dma_wait3A_307] : memref<819200x128xf32, #tpu.memory_space<hbm>> -> memref<160x128xf32, #tpu.memory_space<hbm>>
      tpu.wait_dma2 semaphore(%arg18 : memref<!tpu.dma_semaphore, #tpu.memory_space<semaphore_mem>>) src(%dma_wait3A_308 : memref<160x128xf32, #tpu.memory_space<hbm>>) dst(%arg14 : memref<160x128xf32, #tpu.memory_space<vmem>>)
      %get3A_309 = arith.constant 0 : index
      %get3A_310 = tpu.vector_load %arg8[%get3A_309] {strides = array<i32>} : memref<160xi32, #tpu.memory_space<vmem>>, vector<16xi32>,
      %get3A_311 = vector.shape_cast %get3A_310 : vector<16xi32> to vector<16xi32>
      %get3A_312 = arith.constant 0 : index
      %get3A_313 = tpu.vector_load %arg11[%get3A_312] {strides = array<i32>} : memref<160xi32, #tpu.memory_space<vmem>>, vector<16xi32>,
      %get3A_314 = vector.shape_cast %get3A_313 : vector<16xi32> to vector<16xi32>
      %ne3A_315 = arith.constant 0 : i32
      %ne3A_316 = vector.broadcast %ne3A_315 : i32 to vector<16xi32>
      %ne3A_317 = arith.cmpi ne, %get3A_314, %ne3A_316 : vector<16xi32>
      %min3A_318 = arith.constant 5000 : i32
      %min3A_319 = vector.broadcast %min3A_318 : i32 to vector<16xi32>
      %min3A_320 = arith.minsi %get3A_311, %min3A_319 : vector<16xi32>
      %jit3A_321 = arith.constant 5000 : i32
      %broadcast_in_dim3A_322 = vector.broadcast %jit3A_321 : i32 to vector<16xi32>
      %select_n3A_323 = arith.select %ne3A_317, %broadcast_in_dim3A_322, %min3A_320 : vector<16xi1>, vector<16xi32>
      %swap3A_324 = arith.constant 0 : index
      %swap3A_325 = tpu.vector_load %arg8[%swap3A_324] {strides = array<i32>} : memref<160xi32, #tpu.memory_space<vmem>>, vector<16xi32>,
      %swap3A_326 = vector.shape_cast %swap3A_325 : vector<16xi32> to vector<16xi32>
      %swap3A_327 = vector.shape_cast %select_n3A_323 : vector<16xi32> to vector<16xi32>
      tpu.vector_store %arg8[%swap3A_324], %swap3A_327 {strides = array<i32>} : memref<160xi32, #tpu.memory_space<vmem>>, vector<16xi32>,
      %get3A_328 = arith.constant 16 : index
      %get3A_329 = tpu.vector_load %arg8[%get3A_328] {strides = array<i32>} : memref<160xi32, #tpu.memory_space<vmem>>, vector<16xi32>,
      %get3A_330 = vector.shape_cast %get3A_329 : vector<16xi32> to vector<16xi32>
      %get3A_331 = arith.constant 16 : index
      %get3A_332 = tpu.vector_load %arg11[%get3A_331] {strides = array<i32>} : memref<160xi32, #tpu.memory_space<vmem>>, vector<16xi32>,
      %get3A_333 = vector.shape_cast %get3A_332 : vector<16xi32> to vector<16xi32>
      %ne3A_334 = arith.constant 0 : i32
      %ne3A_335 = vector.broadcast %ne3A_334 : i32 to vector<16xi32>
      %ne3A_336 = arith.cmpi ne, %get3A_333, %ne3A_335 : vector<16xi32>
      %min3A_337 = arith.constant 5000 : i32
      %min3A_338 = vector.broadcast %min3A_337 : i32 to vector<16xi32>
      %min3A_339 = arith.minsi %get3A_330, %min3A_338 : vector<16xi32>
      %jit3A_340 = arith.constant 5000 : i32
      %broadcast_in_dim3A_341 = vector.broadcast %jit3A_340 : i32 to vector<16xi32>
      %select_n3A_342 = arith.select %ne3A_336, %broadcast_in_dim3A_341, %min3A_339 : vector<16xi1>, vector<16xi32>
      %swap3A_343 = arith.constant 16 : index
      %swap3A_344 = tpu.vector_load %arg8[%swap3A_343] {strides = array<i32>} : memref<160xi32, #tpu.memory_space<vmem>>, vector<16xi32>,
      %swap3A_345 = vector.shape_cast %swap3A_344 : vector<16xi32> to vector<16xi32>
      %swap3A_346 = vector.shape_cast %select_n3A_342 : vector<16xi32> to vector<16xi32>
      tpu.vector_store %arg8[%swap3A_343], %swap3A_346 {strides = array<i32>} : memref<160xi32, #tpu.memory_space<vmem>>, vector<16xi32>,
      %get3A_347 = arith.constant 32 : index
      %get3A_348 = tpu.vector_load %arg8[%get3A_347] {strides = array<i32>} : memref<160xi32, #tpu.memory_space<vmem>>, vector<16xi32>,
      %get3A_349 = vector.shape_cast %get3A_348 : vector<16xi32> to vector<16xi32>
      %get3A_350 = arith.constant 32 : index
      %get3A_351 = tpu.vector_load %arg11[%get3A_350] {strides = array<i32>} : memref<160xi32, #tpu.memory_space<vmem>>, vector<16xi32>,
      %get3A_352 = vector.shape_cast %get3A_351 : vector<16xi32> to vector<16xi32>
      %ne3A_353 = arith.constant 0 : i32
      %ne3A_354 = vector.broadcast %ne3A_353 : i32 to vector<16xi32>
      %ne3A_355 = arith.cmpi ne, %get3A_352, %ne3A_354 : vector<16xi32>
      %min3A_356 = arith.constant 5000 : i32
      %min3A_357 = vector.broadcast %min3A_356 : i32 to vector<16xi32>
      %min3A_358 = arith.minsi %get3A_349, %min3A_357 : vector<16xi32>
      %jit3A_359 = arith.constant 5000 : i32
      %broadcast_in_dim3A_360 = vector.broadcast %jit3A_359 : i32 to vector<16xi32>
      %select_n3A_361 = arith.select %ne3A_355, %broadcast_in_dim3A_360, %min3A_358 : vector<16xi1>, vector<16xi32>
      %swap3A_362 = arith.constant 32 : index
      %swap3A_363 = tpu.vector_load %arg8[%swap3A_362] {strides = array<i32>} : memref<160xi32, #tpu.memory_space<vmem>>, vector<16xi32>,
      %swap3A_364 = vector.shape_cast %swap3A_363 : vector<16xi32> to vector<16xi32>
      %swap3A_365 = vector.shape_cast %select_n3A_361 : vector<16xi32> to vector<16xi32>
      tpu.vector_store %arg8[%swap3A_362], %swap3A_365 {strides = array<i32>} : memref<160xi32, #tpu.memory_space<vmem>>, vector<16xi32>,
      %get3A_366 = arith.constant 48 : index
      %get3A_367 = tpu.vector_load %arg8[%get3A_366] {strides = array<i32>} : memref<160xi32, #tpu.memory_space<vmem>>, vector<16xi32>,
      %get3A_368 = vector.shape_cast %get3A_367 : vector<16xi32> to vector<16xi32>
      %get3A_369 = arith.constant 48 : index
      %get3A_370 = tpu.vector_load %arg11[%get3A_369] {strides = array<i32>} : memref<160xi32, #tpu.memory_space<vmem>>, vector<16xi32>,
      %get3A_371 = vector.shape_cast %get3A_370 : vector<16xi32> to vector<16xi32>
      %ne3A_372 = arith.constant 0 : i32
      %ne3A_373 = vector.broadcast %ne3A_372 : i32 to vector<16xi32>
      %ne3A_374 = arith.cmpi ne, %get3A_371, %ne3A_373 : vector<16xi32>
      %min3A_375 = arith.constant 5000 : i32
      %min3A_376 = vector.broadcast %min3A_375 : i32 to vector<16xi32>
      %min3A_377 = arith.minsi %get3A_368, %min3A_376 : vector<16xi32>
      %jit3A_378 = arith.constant 5000 : i32
      %broadcast_in_dim3A_379 = vector.broadcast %jit3A_378 : i32 to vector<16xi32>
      %select_n3A_380 = arith.select %ne3A_374, %broadcast_in_dim3A_379, %min3A_377 : vector<16xi1>, vector<16xi32>
      %swap3A_381 = arith.constant 48 : index
      %swap3A_382 = tpu.vector_load %arg8[%swap3A_381] {strides = array<i32>} : memref<160xi32, #tpu.memory_space<vmem>>, vector<16xi32>,
      %swap3A_383 = vector.shape_cast %swap3A_382 : vector<16xi32> to vector<16xi32>
      %swap3A_384 = vector.shape_cast %select_n3A_380 : vector<16xi32> to vector<16xi32>
      tpu.vector_store %arg8[%swap3A_381], %swap3A_384 {strides = array<i32>} : memref<160xi32, #tpu.memory_space<vmem>>, vector<16xi32>,
      %get3A_385 = arith.constant 64 : index
      %get3A_386 = tpu.vector_load %arg8[%get3A_385] {strides = array<i32>} : memref<160xi32, #tpu.memory_space<vmem>>, vector<16xi32>,
      %get3A_387 = vector.shape_cast %get3A_386 : vector<16xi32> to vector<16xi32>
      %get3A_388 = arith.constant 64 : index
      %get3A_389 = tpu.vector_load %arg11[%get3A_388] {strides = array<i32>} : memref<160xi32, #tpu.memory_space<vmem>>, vector<16xi32>,
      %get3A_390 = vector.shape_cast %get3A_389 : vector<16xi32> to vector<16xi32>
      %ne3A_391 = arith.constant 0 : i32
      %ne3A_392 = vector.broadcast %ne3A_391 : i32 to vector<16xi32>
      %ne3A_393 = arith.cmpi ne, %get3A_390, %ne3A_392 : vector<16xi32>
      %min3A_394 = arith.constant 5000 : i32
      %min3A_395 = vector.broadcast %min3A_394 : i32 to vector<16xi32>
      %min3A_396 = arith.minsi %get3A_387, %min3A_395 : vector<16xi32>
      %jit3A_397 = arith.constant 5000 : i32
      %broadcast_in_dim3A_398 = vector.broadcast %jit3A_397 : i32 to vector<16xi32>
      %select_n3A_399 = arith.select %ne3A_393, %broadcast_in_dim3A_398, %min3A_396 : vector<16xi1>, vector<16xi32>
      %swap3A_400 = arith.constant 64 : index
      %swap3A_401 = tpu.vector_load %arg8[%swap3A_400] {strides = array<i32>} : memref<160xi32, #tpu.memory_space<vmem>>, vector<16xi32>,
      %swap3A_402 = vector.shape_cast %swap3A_401 : vector<16xi32> to vector<16xi32>
      %swap3A_403 = vector.shape_cast %select_n3A_399 : vector<16xi32> to vector<16xi32>
      tpu.vector_store %arg8[%swap3A_400], %swap3A_403 {strides = array<i32>} : memref<160xi32, #tpu.memory_space<vmem>>, vector<16xi32>,
      %get3A_404 = arith.constant 80 : index
      %get3A_405 = tpu.vector_load %arg8[%get3A_404] {strides = array<i32>} : memref<160xi32, #tpu.memory_space<vmem>>, vector<16xi32>,
      %get3A_406 = vector.shape_cast %get3A_405 : vector<16xi32> to vector<16xi32>
      %get3A_407 = arith.constant 80 : index
      %get3A_408 = tpu.vector_load %arg11[%get3A_407] {strides = array<i32>} : memref<160xi32, #tpu.memory_space<vmem>>, vector<16xi32>,
      %get3A_409 = vector.shape_cast %get3A_408 : vector<16xi32> to vector<16xi32>
      %ne3A_410 = arith.constant 0 : i32
      %ne3A_411 = vector.broadcast %ne3A_410 : i32 to vector<16xi32>
      %ne3A_412 = arith.cmpi ne, %get3A_409, %ne3A_411 : vector<16xi32>
      %min3A_413 = arith.constant 5000 : i32
      %min3A_414 = vector.broadcast %min3A_413 : i32 to vector<16xi32>
      %min3A_415 = arith.minsi %get3A_406, %min3A_414 : vector<16xi32>
      %jit3A_416 = arith.constant 5000 : i32
      %broadcast_in_dim3A_417 = vector.broadcast %jit3A_416 : i32 to vector<16xi32>
      %select_n3A_418 = arith.select %ne3A_412, %broadcast_in_dim3A_417, %min3A_415 : vector<16xi1>, vector<16xi32>
      %swap3A_419 = arith.constant 80 : index
      %swap3A_420 = tpu.vector_load %arg8[%swap3A_419] {strides = array<i32>} : memref<160xi32, #tpu.memory_space<vmem>>, vector<16xi32>,
      %swap3A_421 = vector.shape_cast %swap3A_420 : vector<16xi32> to vector<16xi32>
      %swap3A_422 = vector.shape_cast %select_n3A_418 : vector<16xi32> to vector<16xi32>
      tpu.vector_store %arg8[%swap3A_419], %swap3A_422 {strides = array<i32>} : memref<160xi32, #tpu.memory_space<vmem>>, vector<16xi32>,
      %get3A_423 = arith.constant 96 : index
      %get3A_424 = tpu.vector_load %arg8[%get3A_423] {strides = array<i32>} : memref<160xi32, #tpu.memory_space<vmem>>, vector<16xi32>,
      %get3A_425 = vector.shape_cast %get3A_424 : vector<16xi32> to vector<16xi32>
      %get3A_426 = arith.constant 96 : index
      %get3A_427 = tpu.vector_load %arg11[%get3A_426] {strides = array<i32>} : memref<160xi32, #tpu.memory_space<vmem>>, vector<16xi32>,
      %get3A_428 = vector.shape_cast %get3A_427 : vector<16xi32> to vector<16xi32>
      %ne3A_429 = arith.constant 0 : i32
      %ne3A_430 = vector.broadcast %ne3A_429 : i32 to vector<16xi32>
      %ne3A_431 = arith.cmpi ne, %get3A_428, %ne3A_430 : vector<16xi32>
      %min3A_432 = arith.constant 5000 : i32
      %min3A_433 = vector.broadcast %min3A_432 : i32 to vector<16xi32>
      %min3A_434 = arith.minsi %get3A_425, %min3A_433 : vector<16xi32>
      %jit3A_435 = arith.constant 5000 : i32
      %broadcast_in_dim3A_436 = vector.broadcast %jit3A_435 : i32 to vector<16xi32>
      %select_n3A_437 = arith.select %ne3A_431, %broadcast_in_dim3A_436, %min3A_434 : vector<16xi1>, vector<16xi32>
      %swap3A_438 = arith.constant 96 : index
      %swap3A_439 = tpu.vector_load %arg8[%swap3A_438] {strides = array<i32>} : memref<160xi32, #tpu.memory_space<vmem>>, vector<16xi32>,
      %swap3A_440 = vector.shape_cast %swap3A_439 : vector<16xi32> to vector<16xi32>
      %swap3A_441 = vector.shape_cast %select_n3A_437 : vector<16xi32> to vector<16xi32>
      tpu.vector_store %arg8[%swap3A_438], %swap3A_441 {strides = array<i32>} : memref<160xi32, #tpu.memory_space<vmem>>, vector<16xi32>,
      %get3A_442 = arith.constant 112 : index
      %get3A_443 = tpu.vector_load %arg8[%get3A_442] {strides = array<i32>} : memref<160xi32, #tpu.memory_space<vmem>>, vector<16xi32>,
      %get3A_444 = vector.shape_cast %get3A_443 : vector<16xi32> to vector<16xi32>
      %get3A_445 = arith.constant 112 : index
      %get3A_446 = tpu.vector_load %arg11[%get3A_445] {strides = array<i32>} : memref<160xi32, #tpu.memory_space<vmem>>, vector<16xi32>,
      %get3A_447 = vector.shape_cast %get3A_446 : vector<16xi32> to vector<16xi32>
      %ne3A_448 = arith.constant 0 : i32
      %ne3A_449 = vector.broadcast %ne3A_448 : i32 to vector<16xi32>
      %ne3A_450 = arith.cmpi ne, %get3A_447, %ne3A_449 : vector<16xi32>
      %min3A_451 = arith.constant 5000 : i32
      %min3A_452 = vector.broadcast %min3A_451 : i32 to vector<16xi32>
      %min3A_453 = arith.minsi %get3A_444, %min3A_452 : vector<16xi32>
      %jit3A_454 = arith.constant 5000 : i32
      %broadcast_in_dim3A_455 = vector.broadcast %jit3A_454 : i32 to vector<16xi32>
      %select_n3A_456 = arith.select %ne3A_450, %broadcast_in_dim3A_455, %min3A_453 : vector<16xi1>, vector<16xi32>
      %swap3A_457 = arith.constant 112 : index
      %swap3A_458 = tpu.vector_load %arg8[%swap3A_457] {strides = array<i32>} : memref<160xi32, #tpu.memory_space<vmem>>, vector<16xi32>,
      %swap3A_459 = vector.shape_cast %swap3A_458 : vector<16xi32> to vector<16xi32>
      %swap3A_460 = vector.shape_cast %select_n3A_456 : vector<16xi32> to vector<16xi32>
      tpu.vector_store %arg8[%swap3A_457], %swap3A_460 {strides = array<i32>} : memref<160xi32, #tpu.memory_space<vmem>>, vector<16xi32>,
      %get3A_461 = arith.constant 128 : index
      %get3A_462 = tpu.vector_load %arg8[%get3A_461] {strides = array<i32>} : memref<160xi32, #tpu.memory_space<vmem>>, vector<16xi32>,
      %get3A_463 = vector.shape_cast %get3A_462 : vector<16xi32> to vector<16xi32>
      %get3A_464 = arith.constant 128 : index
      %get3A_465 = tpu.vector_load %arg11[%get3A_464] {strides = array<i32>} : memref<160xi32, #tpu.memory_space<vmem>>, vector<16xi32>,
      %get3A_466 = vector.shape_cast %get3A_465 : vector<16xi32> to vector<16xi32>
      %ne3A_467 = arith.constant 0 : i32
      %ne3A_468 = vector.broadcast %ne3A_467 : i32 to vector<16xi32>
      %ne3A_469 = arith.cmpi ne, %get3A_466, %ne3A_468 : vector<16xi32>
      %min3A_470 = arith.constant 5000 : i32
      %min3A_471 = vector.broadcast %min3A_470 : i32 to vector<16xi32>
      %min3A_472 = arith.minsi %get3A_463, %min3A_471 : vector<16xi32>
      %jit3A_473 = arith.constant 5000 : i32
      %broadcast_in_dim3A_474 = vector.broadcast %jit3A_473 : i32 to vector<16xi32>
      %select_n3A_475 = arith.select %ne3A_469, %broadcast_in_dim3A_474, %min3A_472 : vector<16xi1>, vector<16xi32>
      %swap3A_476 = arith.constant 128 : index
      %swap3A_477 = tpu.vector_load %arg8[%swap3A_476] {strides = array<i32>} : memref<160xi32, #tpu.memory_space<vmem>>, vector<16xi32>,
      %swap3A_478 = vector.shape_cast %swap3A_477 : vector<16xi32> to vector<16xi32>
      %swap3A_479 = vector.shape_cast %select_n3A_475 : vector<16xi32> to vector<16xi32>
      tpu.vector_store %arg8[%swap3A_476], %swap3A_479 {strides = array<i32>} : memref<160xi32, #tpu.memory_space<vmem>>, vector<16xi32>,
      %get3A_480 = arith.constant 144 : index
      %get3A_481 = tpu.vector_load %arg8[%get3A_480] {strides = array<i32>} : memref<160xi32, #tpu.memory_space<vmem>>, vector<16xi32>,
      %get3A_482 = vector.shape_cast %get3A_481 : vector<16xi32> to vector<16xi32>
      %get3A_483 = arith.constant 144 : index
      %get3A_484 = tpu.vector_load %arg11[%get3A_483] {strides = array<i32>} : memref<160xi32, #tpu.memory_space<vmem>>, vector<16xi32>,
      %get3A_485 = vector.shape_cast %get3A_484 : vector<16xi32> to vector<16xi32>
      %ne3A_486 = arith.constant 0 : i32
      %ne3A_487 = vector.broadcast %ne3A_486 : i32 to vector<16xi32>
      %ne3A_488 = arith.cmpi ne, %get3A_485, %ne3A_487 : vector<16xi32>
      %min3A_489 = arith.constant 5000 : i32
      %min3A_490 = vector.broadcast %min3A_489 : i32 to vector<16xi32>
      %min3A_491 = arith.minsi %get3A_482, %min3A_490 : vector<16xi32>
      %jit3A_492 = arith.constant 5000 : i32
      %broadcast_in_dim3A_493 = vector.broadcast %jit3A_492 : i32 to vector<16xi32>
      %select_n3A_494 = arith.select %ne3A_488, %broadcast_in_dim3A_493, %min3A_491 : vector<16xi1>, vector<16xi32>
      %swap3A_495 = arith.constant 144 : index
      %swap3A_496 = tpu.vector_load %arg8[%swap3A_495] {strides = array<i32>} : memref<160xi32, #tpu.memory_space<vmem>>, vector<16xi32>,
      %swap3A_497 = vector.shape_cast %swap3A_496 : vector<16xi32> to vector<16xi32>
      %swap3A_498 = vector.shape_cast %select_n3A_494 : vector<16xi32> to vector<16xi32>
      tpu.vector_store %arg8[%swap3A_495], %swap3A_498 {strides = array<i32>} : memref<160xi32, #tpu.memory_space<vmem>>, vector<16xi32>,
      %parallel_loop3A_499 = arith.constant 0 : i32
      %parallel_loop3A_500 = arith.constant 160 : i32
      %parallel_loop3A_501 = arith.constant 1 : i32
      scf.for %parallel_loop3A_1065 = %parallel_loop3A_499 to %parallel_loop3A_500 step %parallel_loop3A_501  : i32 {
        %parallel_loop3A_1066 = arith.index_cast %parallel_loop3A_1065 : i32 to index
        %parallel_loop3A_1067 = arith.constant 0 : index
        %parallel_loop3A_1068 = tpu.vector_load %arg14[%parallel_loop3A_1066, %parallel_loop3A_1067] {strides = array<i32>} : memref<160x128xf32, #tpu.memory_space<vmem>>, vector<1x16xf32>,
        %parallel_loop3A_1069 = vector.shape_cast %parallel_loop3A_1068 : vector<1x16xf32> to vector<16xf32>
        %parallel_loop3A_1070 = arith.constant 11.3137083 : f32
        %parallel_loop3A_1071 = vector.broadcast %parallel_loop3A_1070 : f32 to vector<16xf32>
        %parallel_loop3A_1072 = arith.mulf %parallel_loop3A_1071, %parallel_loop3A_1069 : vector<16xf32>
        %parallel_loop3A_1073 = arith.index_cast %parallel_loop3A_1065 : i32 to index
        %parallel_loop3A_1074 = arith.constant 0 : index
        %parallel_loop3A_1075 = tpu.vector_load %arg14[%parallel_loop3A_1073, %parallel_loop3A_1074] {strides = array<i32>} : memref<160x128xf32, #tpu.memory_space<vmem>>, vector<1x16xf32>,
        %parallel_loop3A_1076 = vector.shape_cast %parallel_loop3A_1075 : vector<1x16xf32> to vector<16xf32>
        %parallel_loop3A_1077 = vector.shape_cast %parallel_loop3A_1072 : vector<16xf32> to vector<1x16xf32>
        tpu.vector_store %arg14[%parallel_loop3A_1073, %parallel_loop3A_1074], %parallel_loop3A_1077 {strides = array<i32>} : memref<160x128xf32, #tpu.memory_space<vmem>>, vector<1x16xf32>,
        %parallel_loop3A_1078 = arith.index_cast %parallel_loop3A_1065 : i32 to index
        %parallel_loop3A_1079 = arith.constant 16 : index
        %parallel_loop3A_1080 = tpu.vector_load %arg14[%parallel_loop3A_1078, %parallel_loop3A_1079] {strides = array<i32>} : memref<160x128xf32, #tpu.memory_space<vmem>>, vector<1x16xf32>,
        %parallel_loop3A_1081 = vector.shape_cast %parallel_loop3A_1080 : vector<1x16xf32> to vector<16xf32>
        %parallel_loop3A_1082 = arith.constant 11.3137083 : f32
        %parallel_loop3A_1083 = vector.broadcast %parallel_loop3A_1082 : f32 to vector<16xf32>
        %parallel_loop3A_1084 = arith.mulf %parallel_loop3A_1083, %parallel_loop3A_1081 : vector<16xf32>
        %parallel_loop3A_1085 = arith.index_cast %parallel_loop3A_1065 : i32 to index
        %parallel_loop3A_1086 = arith.constant 16 : index
        %parallel_loop3A_1087 = tpu.vector_load %arg14[%parallel_loop3A_1085, %parallel_loop3A_1086] {strides = array<i32>} : memref<160x128xf32, #tpu.memory_space<vmem>>, vector<1x16xf32>,
        %parallel_loop3A_1088 = vector.shape_cast %parallel_loop3A_1087 : vector<1x16xf32> to vector<16xf32>
        %parallel_loop3A_1089 = vector.shape_cast %parallel_loop3A_1084 : vector<16xf32> to vector<1x16xf32>
        tpu.vector_store %arg14[%parallel_loop3A_1085, %parallel_loop3A_1086], %parallel_loop3A_1089 {strides = array<i32>} : memref<160x128xf32, #tpu.memory_space<vmem>>, vector<1x16xf32>,
        %parallel_loop3A_1090 = arith.index_cast %parallel_loop3A_1065 : i32 to index
        %parallel_loop3A_1091 = arith.constant 32 : index
        %parallel_loop3A_1092 = tpu.vector_load %arg14[%parallel_loop3A_1090, %parallel_loop3A_1091] {strides = array<i32>} : memref<160x128xf32, #tpu.memory_space<vmem>>, vector<1x16xf32>,
        %parallel_loop3A_1093 = vector.shape_cast %parallel_loop3A_1092 : vector<1x16xf32> to vector<16xf32>
        %parallel_loop3A_1094 = arith.constant 11.3137083 : f32
        %parallel_loop3A_1095 = vector.broadcast %parallel_loop3A_1094 : f32 to vector<16xf32>
        %parallel_loop3A_1096 = arith.mulf %parallel_loop3A_1095, %parallel_loop3A_1093 : vector<16xf32>
        %parallel_loop3A_1097 = arith.index_cast %parallel_loop3A_1065 : i32 to index
        %parallel_loop3A_1098 = arith.constant 32 : index
        %parallel_loop3A_1099 = tpu.vector_load %arg14[%parallel_loop3A_1097, %parallel_loop3A_1098] {strides = array<i32>} : memref<160x128xf32, #tpu.memory_space<vmem>>, vector<1x16xf32>,
        %parallel_loop3A_1100 = vector.shape_cast %parallel_loop3A_1099 : vector<1x16xf32> to vector<16xf32>
        %parallel_loop3A_1101 = vector.shape_cast %parallel_loop3A_1096 : vector<16xf32> to vector<1x16xf32>
        tpu.vector_store %arg14[%parallel_loop3A_1097, %parallel_loop3A_1098], %parallel_loop3A_1101 {strides = array<i32>} : memref<160x128xf32, #tpu.memory_space<vmem>>, vector<1x16xf32>,
        %parallel_loop3A_1102 = arith.index_cast %parallel_loop3A_1065 : i32 to index
        %parallel_loop3A_1103 = arith.constant 48 : index
        %parallel_loop3A_1104 = tpu.vector_load %arg14[%parallel_loop3A_1102, %parallel_loop3A_1103] {strides = array<i32>} : memref<160x128xf32, #tpu.memory_space<vmem>>, vector<1x16xf32>,
        %parallel_loop3A_1105 = vector.shape_cast %parallel_loop3A_1104 : vector<1x16xf32> to vector<16xf32>
        %parallel_loop3A_1106 = arith.constant 11.3137083 : f32
        %parallel_loop3A_1107 = vector.broadcast %parallel_loop3A_1106 : f32 to vector<16xf32>
        %parallel_loop3A_1108 = arith.mulf %parallel_loop3A_1107, %parallel_loop3A_1105 : vector<16xf32>
        %parallel_loop3A_1109 = arith.index_cast %parallel_loop3A_1065 : i32 to index
        %parallel_loop3A_1110 = arith.constant 48 : index
        %parallel_loop3A_1111 = tpu.vector_load %arg14[%parallel_loop3A_1109, %parallel_loop3A_1110] {strides = array<i32>} : memref<160x128xf32, #tpu.memory_space<vmem>>, vector<1x16xf32>,
        %parallel_loop3A_1112 = vector.shape_cast %parallel_loop3A_1111 : vector<1x16xf32> to vector<16xf32>
        %parallel_loop3A_1113 = vector.shape_cast %parallel_loop3A_1108 : vector<16xf32> to vector<1x16xf32>
        tpu.vector_store %arg14[%parallel_loop3A_1109, %parallel_loop3A_1110], %parallel_loop3A_1113 {strides = array<i32>} : memref<160x128xf32, #tpu.memory_space<vmem>>, vector<1x16xf32>,
        %parallel_loop3A_1114 = arith.index_cast %parallel_loop3A_1065 : i32 to index
        %parallel_loop3A_1115 = arith.constant 64 : index
        %parallel_loop3A_1116 = tpu.vector_load %arg14[%parallel_loop3A_1114, %parallel_loop3A_1115] {strides = array<i32>} : memref<160x128xf32, #tpu.memory_space<vmem>>, vector<1x16xf32>,
        %parallel_loop3A_1117 = vector.shape_cast %parallel_loop3A_1116 : vector<1x16xf32> to vector<16xf32>
        %parallel_loop3A_1118 = arith.constant 11.3137083 : f32
        %parallel_loop3A_1119 = vector.broadcast %parallel_loop3A_1118 : f32 to vector<16xf32>
        %parallel_loop3A_1120 = arith.mulf %parallel_loop3A_1119, %parallel_loop3A_1117 : vector<16xf32>
        %parallel_loop3A_1121 = arith.index_cast %parallel_loop3A_1065 : i32 to index
        %parallel_loop3A_1122 = arith.constant 64 : index
        %parallel_loop3A_1123 = tpu.vector_load %arg14[%parallel_loop3A_1121, %parallel_loop3A_1122] {strides = array<i32>} : memref<160x128xf32, #tpu.memory_space<vmem>>, vector<1x16xf32>,
        %parallel_loop3A_1124 = vector.shape_cast %parallel_loop3A_1123 : vector<1x16xf32> to vector<16xf32>
        %parallel_loop3A_1125 = vector.shape_cast %parallel_loop3A_1120 : vector<16xf32> to vector<1x16xf32>
        tpu.vector_store %arg14[%parallel_loop3A_1121, %parallel_loop3A_1122], %parallel_loop3A_1125 {strides = array<i32>} : memref<160x128xf32, #tpu.memory_space<vmem>>, vector<1x16xf32>,
        %parallel_loop3A_1126 = arith.index_cast %parallel_loop3A_1065 : i32 to index
        %parallel_loop3A_1127 = arith.constant 80 : index
        %parallel_loop3A_1128 = tpu.vector_load %arg14[%parallel_loop3A_1126, %parallel_loop3A_1127] {strides = array<i32>} : memref<160x128xf32, #tpu.memory_space<vmem>>, vector<1x16xf32>,
        %parallel_loop3A_1129 = vector.shape_cast %parallel_loop3A_1128 : vector<1x16xf32> to vector<16xf32>
        %parallel_loop3A_1130 = arith.constant 11.3137083 : f32
        %parallel_loop3A_1131 = vector.broadcast %parallel_loop3A_1130 : f32 to vector<16xf32>
        %parallel_loop3A_1132 = arith.mulf %parallel_loop3A_1131, %parallel_loop3A_1129 : vector<16xf32>
        %parallel_loop3A_1133 = arith.index_cast %parallel_loop3A_1065 : i32 to index
        %parallel_loop3A_1134 = arith.constant 80 : index
        %parallel_loop3A_1135 = tpu.vector_load %arg14[%parallel_loop3A_1133, %parallel_loop3A_1134] {strides = array<i32>} : memref<160x128xf32, #tpu.memory_space<vmem>>, vector<1x16xf32>,
        %parallel_loop3A_1136 = vector.shape_cast %parallel_loop3A_1135 : vector<1x16xf32> to vector<16xf32>
        %parallel_loop3A_1137 = vector.shape_cast %parallel_loop3A_1132 : vector<16xf32> to vector<1x16xf32>
        tpu.vector_store %arg14[%parallel_loop3A_1133, %parallel_loop3A_1134], %parallel_loop3A_1137 {strides = array<i32>} : memref<160x128xf32, #tpu.memory_space<vmem>>, vector<1x16xf32>,
        %parallel_loop3A_1138 = arith.index_cast %parallel_loop3A_1065 : i32 to index
        %parallel_loop3A_1139 = arith.constant 96 : index
        %parallel_loop3A_1140 = tpu.vector_load %arg14[%parallel_loop3A_1138, %parallel_loop3A_1139] {strides = array<i32>} : memref<160x128xf32, #tpu.memory_space<vmem>>, vector<1x16xf32>,
        %parallel_loop3A_1141 = vector.shape_cast %parallel_loop3A_1140 : vector<1x16xf32> to vector<16xf32>
        %parallel_loop3A_1142 = arith.constant 11.3137083 : f32
        %parallel_loop3A_1143 = vector.broadcast %parallel_loop3A_1142 : f32 to vector<16xf32>
        %parallel_loop3A_1144 = arith.mulf %parallel_loop3A_1143, %parallel_loop3A_1141 : vector<16xf32>
        %parallel_loop3A_1145 = arith.index_cast %parallel_loop3A_1065 : i32 to index
        %parallel_loop3A_1146 = arith.constant 96 : index
        %parallel_loop3A_1147 = tpu.vector_load %arg14[%parallel_loop3A_1145, %parallel_loop3A_1146] {strides = array<i32>} : memref<160x128xf32, #tpu.memory_space<vmem>>, vector<1x16xf32>,
        %parallel_loop3A_1148 = vector.shape_cast %parallel_loop3A_1147 : vector<1x16xf32> to vector<16xf32>
        %parallel_loop3A_1149 = vector.shape_cast %parallel_loop3A_1144 : vector<16xf32> to vector<1x16xf32>
        tpu.vector_store %arg14[%parallel_loop3A_1145, %parallel_loop3A_1146], %parallel_loop3A_1149 {strides = array<i32>} : memref<160x128xf32, #tpu.memory_space<vmem>>, vector<1x16xf32>,
        %parallel_loop3A_1150 = arith.index_cast %parallel_loop3A_1065 : i32 to index
        %parallel_loop3A_1151 = arith.constant 112 : index
        %parallel_loop3A_1152 = tpu.vector_load %arg14[%parallel_loop3A_1150, %parallel_loop3A_1151] {strides = array<i32>} : memref<160x128xf32, #tpu.memory_space<vmem>>, vector<1x16xf32>,
        %parallel_loop3A_1153 = vector.shape_cast %parallel_loop3A_1152 : vector<1x16xf32> to vector<16xf32>
        %parallel_loop3A_1154 = arith.constant 11.3137083 : f32
        %parallel_loop3A_1155 = vector.broadcast %parallel_loop3A_1154 : f32 to vector<16xf32>
        %parallel_loop3A_1156 = arith.mulf %parallel_loop3A_1155, %parallel_loop3A_1153 : vector<16xf32>
        %parallel_loop3A_1157 = arith.index_cast %parallel_loop3A_1065 : i32 to index
        %parallel_loop3A_1158 = arith.constant 112 : index
        %parallel_loop3A_1159 = tpu.vector_load %arg14[%parallel_loop3A_1157, %parallel_loop3A_1158] {strides = array<i32>} : memref<160x128xf32, #tpu.memory_space<vmem>>, vector<1x16xf32>,
        %parallel_loop3A_1160 = vector.shape_cast %parallel_loop3A_1159 : vector<1x16xf32> to vector<16xf32>
        %parallel_loop3A_1161 = vector.shape_cast %parallel_loop3A_1156 : vector<16xf32> to vector<1x16xf32>
        tpu.vector_store %arg14[%parallel_loop3A_1157, %parallel_loop3A_1158], %parallel_loop3A_1161 {strides = array<i32>} : memref<160x128xf32, #tpu.memory_space<vmem>>, vector<1x16xf32>,
      } {sc.loop_unroll_factor = 4 : i64, sc.parallel_access}
      %dma_start3A_502 = arith.constant 0 : i32
      %dma_start3A_503 = arith.constant 0 : i32
      %dma_start3A_504 = tpu.memref_slice %arg14[%dma_start3A_502, %dma_start3A_503] : memref<160x128xf32, #tpu.memory_space<vmem>> -> memref<80x128xf32, #tpu.memory_space<vmem>>
      %dma_start3A_505 = arith.constant 0 : i32
      %dma_start3A_506 = tpu.memref_slice %arg8[%dma_start3A_505] : memref<160xi32, #tpu.memory_space<vmem>> -> memref<80xi32, #tpu.memory_space<vmem>>
      %dma_start3A_507 = arith.constant 0 : i32
      %dma_start3A_508 = arith.constant 0 : i32
      %dma_start3A_509 = tpu.memref_slice %arg16[%dma_start3A_507, %dma_start3A_508] : memref<5001x128xf32, #tpu.memory_space<vmem_shared>> -> memref<5001x128xf32, #tpu.memory_space<vmem_shared>>
      tpu.enqueue_indirect_dma source(%dma_start3A_509 : memref<5001x128xf32, #tpu.memory_space<vmem_shared>>) target(%dma_start3A_504 : memref<80x128xf32, #tpu.memory_space<vmem>>) offsets(%dma_start3A_506 : memref<80xi32, #tpu.memory_space<vmem>>) semaphore(%arg21 : memref<!tpu.dma_semaphore, #tpu.memory_space<semaphore_mem>>) {add = true}
      %dma_start3A_510 = arith.constant 80 : i32
      %dma_start3A_511 = arith.constant 0 : i32
      %dma_start3A_512 = tpu.memref_slice %arg14[%dma_start3A_510, %dma_start3A_511] : memref<160x128xf32, #tpu.memory_space<vmem>> -> memref<80x128xf32, #tpu.memory_space<vmem>>
      %dma_start3A_513 = arith.constant 80 : i32
      %dma_start3A_514 = tpu.memref_slice %arg8[%dma_start3A_513] : memref<160xi32, #tpu.memory_space<vmem>> -> memref<80xi32, #tpu.memory_space<vmem>>
      %dma_start3A_515 = arith.constant 0 : i32
      %dma_start3A_516 = arith.constant 0 : i32
      %dma_start3A_517 = tpu.memref_slice %arg16[%dma_start3A_515, %dma_start3A_516] : memref<5001x128xf32, #tpu.memory_space<vmem_shared>> -> memref<5001x128xf32, #tpu.memory_space<vmem_shared>>
      tpu.enqueue_indirect_dma source(%dma_start3A_517 : memref<5001x128xf32, #tpu.memory_space<vmem_shared>>) target(%dma_start3A_512 : memref<80x128xf32, #tpu.memory_space<vmem>>) offsets(%dma_start3A_514 : memref<80xi32, #tpu.memory_space<vmem>>) semaphore(%arg21 : memref<!tpu.dma_semaphore, #tpu.memory_space<semaphore_mem>>) {add = true}
      %dma_wait3A_518 = arith.constant 0 : i32
      %dma_wait3A_519 = arith.constant 0 : i32
      %dma_wait3A_520 = tpu.memref_slice %arg13[%dma_wait3A_518, %dma_wait3A_519] : memref<160x128xf32, #tpu.memory_space<vmem>> -> memref<80x128xf32, #tpu.memory_space<vmem>>
      %dma_wait3A_521 = arith.constant 0 : i32
      %dma_wait3A_522 = tpu.memref_slice %arg7[%dma_wait3A_521] : memref<160xi32, #tpu.memory_space<vmem>> -> memref<80xi32, #tpu.memory_space<vmem>>
      %dma_wait3A_523 = arith.constant 0 : i32
      %dma_wait3A_524 = arith.constant 0 : i32
      %dma_wait3A_525 = tpu.memref_slice %arg16[%dma_wait3A_523, %dma_wait3A_524] : memref<5001x128xf32, #tpu.memory_space<vmem_shared>> -> memref<5001x128xf32, #tpu.memory_space<vmem_shared>>
      tpu.wait_indirect_dma semaphore(%arg20 : memref<!tpu.dma_semaphore, #tpu.memory_space<semaphore_mem>>) src(%dma_wait3A_525 : memref<5001x128xf32, #tpu.memory_space<vmem_shared>>) dst(%dma_wait3A_520 : memref<80x128xf32, #tpu.memory_space<vmem>>)
      %dma_wait3A_526 = arith.constant 80 : i32
      %dma_wait3A_527 = arith.constant 0 : i32
      %dma_wait3A_528 = tpu.memref_slice %arg13[%dma_wait3A_526, %dma_wait3A_527] : memref<160x128xf32, #tpu.memory_space<vmem>> -> memref<80x128xf32, #tpu.memory_space<vmem>>
      %dma_wait3A_529 = arith.constant 80 : i32
      %dma_wait3A_530 = tpu.memref_slice %arg7[%dma_wait3A_529] : memref<160xi32, #tpu.memory_space<vmem>> -> memref<80xi32, #tpu.memory_space<vmem>>
      %dma_wait3A_531 = arith.constant 0 : i32
      %dma_wait3A_532 = arith.constant 0 : i32
      %dma_wait3A_533 = tpu.memref_slice %arg16[%dma_wait3A_531, %dma_wait3A_532] : memref<5001x128xf32, #tpu.memory_space<vmem_shared>> -> memref<5001x128xf32, #tpu.memory_space<vmem_shared>>
      tpu.wait_indirect_dma semaphore(%arg20 : memref<!tpu.dma_semaphore, #tpu.memory_space<semaphore_mem>>) src(%dma_wait3A_533 : memref<5001x128xf32, #tpu.memory_space<vmem_shared>>) dst(%dma_wait3A_528 : memref<80x128xf32, #tpu.memory_space<vmem>>)
      %mul3A_534 = arith.constant 160 : i32
      %mul3A_535 = arith.muli %add3A_284, %mul3A_534 : i32
      %add3A_536 = arith.addi %mul3A_2, %mul3A_535 : i32
      %dma_start3A_537 = arith.constant 0 : i32
      %dma_start3A_538 = tpu.memref_slice %arg6[%add3A_536, %dma_start3A_537] : memref<819200x128xf32, #tpu.memory_space<hbm>> -> memref<160x128xf32, #tpu.memory_space<hbm>>
      %dma_start3A_539 = arith.constant 0 : i32
      %dma_start3A_540 = tpu.memref_slice %arg6[%add3A_536, %dma_start3A_539] : memref<819200x128xf32, #tpu.memory_space<hbm>> -> memref<160x128xf32, #tpu.memory_space<hbm>>
      tpu.enqueue_dma source(%arg13 : memref<160x128xf32, #tpu.memory_space<vmem>>) target(%dma_start3A_540 : memref<160x128xf32, #tpu.memory_space<hbm>>) target_semaphore(%arg23 : memref<!tpu.dma_semaphore, #tpu.memory_space<semaphore_mem>>)
      %mul3A_541 = arith.constant 3 : i32
      %mul3A_542 = arith.muli %mul3A_541, %add3A_280 : i32
      %add3A_543 = arith.constant 1 : i32
      %add3A_544 = arith.addi %mul3A_542, %add3A_543 : i32
      %ge3A_545 = arith.constant 1 : i32
      %ge3A_546 = arith.cmpi sge, %add3A_544, %ge3A_545 : i32
      %convert_element_type3A_547 = arith.extui %ge3A_546 : i1 to i32
      %cond3A_548 = arith.constant 0 : i32
      %cond3A_549 = arith.cmpi ne, %convert_element_type3A_547, %cond3A_548 : i32
      scf.if %cond3A_549 {
        %dma_wait3A_1065 = arith.constant 0 : i32
        %dma_wait3A_1066 = arith.constant 0 : i32
        %dma_wait3A_1067 = tpu.memref_slice %arg6[%dma_wait3A_1065, %dma_wait3A_1066] : memref<819200x128xf32, #tpu.memory_space<hbm>> -> memref<160x128xf32, #tpu.memory_space<hbm>>
        %dma_wait3A_1068 = arith.constant 0 : i32
        %dma_wait3A_1069 = arith.constant 0 : i32
        %dma_wait3A_1070 = tpu.memref_slice %arg6[%dma_wait3A_1068, %dma_wait3A_1069] : memref<819200x128xf32, #tpu.memory_space<hbm>> -> memref<160x128xf32, #tpu.memory_space<hbm>>
        tpu.wait_dma2 semaphore(%arg23 : memref<!tpu.dma_semaphore, #tpu.memory_space<semaphore_mem>>) src(%arg13 : memref<160x128xf32, #tpu.memory_space<vmem>>) dst(%dma_wait3A_1070 : memref<160x128xf32, #tpu.memory_space<hbm>>)
      } else {
      }
      %add3A_550 = arith.constant 2 : i32
      %add3A_551 = arith.addi %add3A_544, %add3A_550 : i32
      %lt3A_552 = arith.constant 160 : i32
      %lt3A_553 = arith.cmpi slt, %add3A_551, %lt3A_552 : i32
      %convert_element_type3A_554 = arith.extui %lt3A_553 : i1 to i32
      %cond3A_555 = arith.constant 0 : i32
      %cond3A_556 = arith.cmpi ne, %convert_element_type3A_554, %cond3A_555 : i32
      scf.if %cond3A_556 {
        %add3A_1065 = arith.constant 2 : i32
        %add3A_1066 = arith.addi %add3A_544, %add3A_1065 : i32
        %mul3A_1067 = arith.constant 160 : i32
        %mul3A_1068 = arith.muli %add3A_1066, %mul3A_1067 : i32
        %add3A_1069 = arith.addi %mul3A_2, %mul3A_1068 : i32
        %dma_start3A_1070 = tpu.memref_slice %arg4[%add3A_1069] : memref<819200xi32, #tpu.memory_space<hbm>> -> memref<160xi32, #tpu.memory_space<hbm>>
        %dma_start3A_1071 = tpu.memref_slice %arg4[%add3A_1069] : memref<819200xi32, #tpu.memory_space<hbm>> -> memref<160xi32, #tpu.memory_space<hbm>>
        tpu.enqueue_dma source(%dma_start3A_1071 : memref<160xi32, #tpu.memory_space<hbm>>) target(%arg7 : memref<160xi32, #tpu.memory_space<vmem>>) target_semaphore(%arg17 : memref<!tpu.dma_semaphore, #tpu.memory_space<semaphore_mem>>)
        %dma_start3A_1072 = tpu.memref_slice %arg3[%add3A_1069] : memref<819200xi32, #tpu.memory_space<hbm>> -> memref<160xi32, #tpu.memory_space<hbm>>
        %dma_start3A_1073 = tpu.memref_slice %arg3[%add3A_1069] : memref<819200xi32, #tpu.memory_space<hbm>> -> memref<160xi32, #tpu.memory_space<hbm>>
        tpu.enqueue_dma source(%dma_start3A_1073 : memref<160xi32, #tpu.memory_space<hbm>>) target(%arg10 : memref<160xi32, #tpu.memory_space<vmem>>) target_semaphore(%arg17 : memref<!tpu.dma_semaphore, #tpu.memory_space<semaphore_mem>>)
        %dma_start3A_1074 = arith.constant 0 : i32
        %dma_start3A_1075 = tpu.memref_slice %arg2[%add3A_1069, %dma_start3A_1074] : memref<819200x128xf32, #tpu.memory_space<hbm>> -> memref<160x128xf32, #tpu.memory_space<hbm>>
        %dma_start3A_1076 = arith.constant 0 : i32
        %dma_start3A_1077 = tpu.memref_slice %arg2[%add3A_1069, %dma_start3A_1076] : memref<819200x128xf32, #tpu.memory_space<hbm>> -> memref<160x128xf32, #tpu.memory_space<hbm>>
        tpu.enqueue_dma source(%dma_start3A_1077 : memref<160x128xf32, #tpu.memory_space<hbm>>) target(%arg13 : memref<160x128xf32, #tpu.memory_space<vmem>>) target_semaphore(%arg17 : memref<!tpu.dma_semaphore, #tpu.memory_space<semaphore_mem>>)
      } else {
      }
      %dma_wait3A_557 = arith.constant 0 : i32
      %dma_wait3A_558 = tpu.memref_slice %arg4[%dma_wait3A_557] : memref<819200xi32, #tpu.memory_space<hbm>> -> memref<160xi32, #tpu.memory_space<hbm>>
      %dma_wait3A_559 = arith.constant 0 : i32
      %dma_wait3A_560 = tpu.memref_slice %arg4[%dma_wait3A_559] : memref<819200xi32, #tpu.memory_space<hbm>> -> memref<160xi32, #tpu.memory_space<hbm>>
      tpu.wait_dma2 semaphore(%arg19 : memref<!tpu.dma_semaphore, #tpu.memory_space<semaphore_mem>>) src(%dma_wait3A_560 : memref<160xi32, #tpu.memory_space<hbm>>) dst(%arg9 : memref<160xi32, #tpu.memory_space<vmem>>)
      %dma_wait3A_561 = arith.constant 0 : i32
      %dma_wait3A_562 = tpu.memref_slice %arg3[%dma_wait3A_561] : memref<819200xi32, #tpu.memory_space<hbm>> -> memref<160xi32, #tpu.memory_space<hbm>>
      %dma_wait3A_563 = arith.constant 0 : i32
      %dma_wait3A_564 = tpu.memref_slice %arg3[%dma_wait3A_563] : memref<819200xi32, #tpu.memory_space<hbm>> -> memref<160xi32, #tpu.memory_space<hbm>>
      tpu.wait_dma2 semaphore(%arg19 : memref<!tpu.dma_semaphore, #tpu.memory_space<semaphore_mem>>) src(%dma_wait3A_564 : memref<160xi32, #tpu.memory_space<hbm>>) dst(%arg12 : memref<160xi32, #tpu.memory_space<vmem>>)
      %dma_wait3A_565 = arith.constant 0 : i32
      %dma_wait3A_566 = arith.constant 0 : i32
      %dma_wait3A_567 = tpu.memref_slice %arg2[%dma_wait3A_565, %dma_wait3A_566] : memref<819200x128xf32, #tpu.memory_space<hbm>> -> memref<160x128xf32, #tpu.memory_space<hbm>>
      %dma_wait3A_568 = arith.constant 0 : i32
      %dma_wait3A_569 = arith.constant 0 : i32
      %dma_wait3A_570 = tpu.memref_slice %arg2[%dma_wait3A_568, %dma_wait3A_569] : memref<819200x128xf32, #tpu.memory_space<hbm>> -> memref<160x128xf32, #tpu.memory_space<hbm>>
      tpu.wait_dma2 semaphore(%arg19 : memref<!tpu.dma_semaphore, #tpu.memory_space<semaphore_mem>>) src(%dma_wait3A_570 : memref<160x128xf32, #tpu.memory_space<hbm>>) dst(%arg15 : memref<160x128xf32, #tpu.memory_space<vmem>>)
      %get3A_571 = arith.constant 0 : index
      %get3A_572 = tpu.vector_load %arg9[%get3A_571] {strides = array<i32>} : memref<160xi32, #tpu.memory_space<vmem>>, vector<16xi32>,
      %get3A_573 = vector.shape_cast %get3A_572 : vector<16xi32> to vector<16xi32>
      %get3A_574 = arith.constant 0 : index
      %get3A_575 = tpu.vector_load %arg12[%get3A_574] {strides = array<i32>} : memref<160xi32, #tpu.memory_space<vmem>>, vector<16xi32>,
      %get3A_576 = vector.shape_cast %get3A_575 : vector<16xi32> to vector<16xi32>
      %ne3A_577 = arith.constant 0 : i32
      %ne3A_578 = vector.broadcast %ne3A_577 : i32 to vector<16xi32>
      %ne3A_579 = arith.cmpi ne, %get3A_576, %ne3A_578 : vector<16xi32>
      %min3A_580 = arith.constant 5000 : i32
      %min3A_581 = vector.broadcast %min3A_580 : i32 to vector<16xi32>
      %min3A_582 = arith.minsi %get3A_573, %min3A_581 : vector<16xi32>
      %jit3A_583 = arith.constant 5000 : i32
      %broadcast_in_dim3A_584 = vector.broadcast %jit3A_583 : i32 to vector<16xi32>
      %select_n3A_585 = arith.select %ne3A_579, %broadcast_in_dim3A_584, %min3A_582 : vector<16xi1>, vector<16xi32>
      %swap3A_586 = arith.constant 0 : index
      %swap3A_587 = tpu.vector_load %arg9[%swap3A_586] {strides = array<i32>} : memref<160xi32, #tpu.memory_space<vmem>>, vector<16xi32>,
      %swap3A_588 = vector.shape_cast %swap3A_587 : vector<16xi32> to vector<16xi32>
      %swap3A_589 = vector.shape_cast %select_n3A_585 : vector<16xi32> to vector<16xi32>
      tpu.vector_store %arg9[%swap3A_586], %swap3A_589 {strides = array<i32>} : memref<160xi32, #tpu.memory_space<vmem>>, vector<16xi32>,
      %get3A_590 = arith.constant 16 : index
      %get3A_591 = tpu.vector_load %arg9[%get3A_590] {strides = array<i32>} : memref<160xi32, #tpu.memory_space<vmem>>, vector<16xi32>,
      %get3A_592 = vector.shape_cast %get3A_591 : vector<16xi32> to vector<16xi32>
      %get3A_593 = arith.constant 16 : index
      %get3A_594 = tpu.vector_load %arg12[%get3A_593] {strides = array<i32>} : memref<160xi32, #tpu.memory_space<vmem>>, vector<16xi32>,
      %get3A_595 = vector.shape_cast %get3A_594 : vector<16xi32> to vector<16xi32>
      %ne3A_596 = arith.constant 0 : i32
      %ne3A_597 = vector.broadcast %ne3A_596 : i32 to vector<16xi32>
      %ne3A_598 = arith.cmpi ne, %get3A_595, %ne3A_597 : vector<16xi32>
      %min3A_599 = arith.constant 5000 : i32
      %min3A_600 = vector.broadcast %min3A_599 : i32 to vector<16xi32>
      %min3A_601 = arith.minsi %get3A_592, %min3A_600 : vector<16xi32>
      %jit3A_602 = arith.constant 5000 : i32
      %broadcast_in_dim3A_603 = vector.broadcast %jit3A_602 : i32 to vector<16xi32>
      %select_n3A_604 = arith.select %ne3A_598, %broadcast_in_dim3A_603, %min3A_601 : vector<16xi1>, vector<16xi32>
      %swap3A_605 = arith.constant 16 : index
      %swap3A_606 = tpu.vector_load %arg9[%swap3A_605] {strides = array<i32>} : memref<160xi32, #tpu.memory_space<vmem>>, vector<16xi32>,
      %swap3A_607 = vector.shape_cast %swap3A_606 : vector<16xi32> to vector<16xi32>
      %swap3A_608 = vector.shape_cast %select_n3A_604 : vector<16xi32> to vector<16xi32>
      tpu.vector_store %arg9[%swap3A_605], %swap3A_608 {strides = array<i32>} : memref<160xi32, #tpu.memory_space<vmem>>, vector<16xi32>,
      %get3A_609 = arith.constant 32 : index
      %get3A_610 = tpu.vector_load %arg9[%get3A_609] {strides = array<i32>} : memref<160xi32, #tpu.memory_space<vmem>>, vector<16xi32>,
      %get3A_611 = vector.shape_cast %get3A_610 : vector<16xi32> to vector<16xi32>
      %get3A_612 = arith.constant 32 : index
      %get3A_613 = tpu.vector_load %arg12[%get3A_612] {strides = array<i32>} : memref<160xi32, #tpu.memory_space<vmem>>, vector<16xi32>,
      %get3A_614 = vector.shape_cast %get3A_613 : vector<16xi32> to vector<16xi32>
      %ne3A_615 = arith.constant 0 : i32
      %ne3A_616 = vector.broadcast %ne3A_615 : i32 to vector<16xi32>
      %ne3A_617 = arith.cmpi ne, %get3A_614, %ne3A_616 : vector<16xi32>
      %min3A_618 = arith.constant 5000 : i32
      %min3A_619 = vector.broadcast %min3A_618 : i32 to vector<16xi32>
      %min3A_620 = arith.minsi %get3A_611, %min3A_619 : vector<16xi32>
      %jit3A_621 = arith.constant 5000 : i32
      %broadcast_in_dim3A_622 = vector.broadcast %jit3A_621 : i32 to vector<16xi32>
      %select_n3A_623 = arith.select %ne3A_617, %broadcast_in_dim3A_622, %min3A_620 : vector<16xi1>, vector<16xi32>
      %swap3A_624 = arith.constant 32 : index
      %swap3A_625 = tpu.vector_load %arg9[%swap3A_624] {strides = array<i32>} : memref<160xi32, #tpu.memory_space<vmem>>, vector<16xi32>,
      %swap3A_626 = vector.shape_cast %swap3A_625 : vector<16xi32> to vector<16xi32>
      %swap3A_627 = vector.shape_cast %select_n3A_623 : vector<16xi32> to vector<16xi32>
      tpu.vector_store %arg9[%swap3A_624], %swap3A_627 {strides = array<i32>} : memref<160xi32, #tpu.memory_space<vmem>>, vector<16xi32>,
      %get3A_628 = arith.constant 48 : index
      %get3A_629 = tpu.vector_load %arg9[%get3A_628] {strides = array<i32>} : memref<160xi32, #tpu.memory_space<vmem>>, vector<16xi32>,
      %get3A_630 = vector.shape_cast %get3A_629 : vector<16xi32> to vector<16xi32>
      %get3A_631 = arith.constant 48 : index
      %get3A_632 = tpu.vector_load %arg12[%get3A_631] {strides = array<i32>} : memref<160xi32, #tpu.memory_space<vmem>>, vector<16xi32>,
      %get3A_633 = vector.shape_cast %get3A_632 : vector<16xi32> to vector<16xi32>
      %ne3A_634 = arith.constant 0 : i32
      %ne3A_635 = vector.broadcast %ne3A_634 : i32 to vector<16xi32>
      %ne3A_636 = arith.cmpi ne, %get3A_633, %ne3A_635 : vector<16xi32>
      %min3A_637 = arith.constant 5000 : i32
      %min3A_638 = vector.broadcast %min3A_637 : i32 to vector<16xi32>
      %min3A_639 = arith.minsi %get3A_630, %min3A_638 : vector<16xi32>
      %jit3A_640 = arith.constant 5000 : i32
      %broadcast_in_dim3A_641 = vector.broadcast %jit3A_640 : i32 to vector<16xi32>
      %select_n3A_642 = arith.select %ne3A_636, %broadcast_in_dim3A_641, %min3A_639 : vector<16xi1>, vector<16xi32>
      %swap3A_643 = arith.constant 48 : index
      %swap3A_644 = tpu.vector_load %arg9[%swap3A_643] {strides = array<i32>} : memref<160xi32, #tpu.memory_space<vmem>>, vector<16xi32>,
      %swap3A_645 = vector.shape_cast %swap3A_644 : vector<16xi32> to vector<16xi32>
      %swap3A_646 = vector.shape_cast %select_n3A_642 : vector<16xi32> to vector<16xi32>
      tpu.vector_store %arg9[%swap3A_643], %swap3A_646 {strides = array<i32>} : memref<160xi32, #tpu.memory_space<vmem>>, vector<16xi32>,
      %get3A_647 = arith.constant 64 : index
      %get3A_648 = tpu.vector_load %arg9[%get3A_647] {strides = array<i32>} : memref<160xi32, #tpu.memory_space<vmem>>, vector<16xi32>,
      %get3A_649 = vector.shape_cast %get3A_648 : vector<16xi32> to vector<16xi32>
      %get3A_650 = arith.constant 64 : index
      %get3A_651 = tpu.vector_load %arg12[%get3A_650] {strides = array<i32>} : memref<160xi32, #tpu.memory_space<vmem>>, vector<16xi32>,
      %get3A_652 = vector.shape_cast %get3A_651 : vector<16xi32> to vector<16xi32>
      %ne3A_653 = arith.constant 0 : i32
      %ne3A_654 = vector.broadcast %ne3A_653 : i32 to vector<16xi32>
      %ne3A_655 = arith.cmpi ne, %get3A_652, %ne3A_654 : vector<16xi32>
      %min3A_656 = arith.constant 5000 : i32
      %min3A_657 = vector.broadcast %min3A_656 : i32 to vector<16xi32>
      %min3A_658 = arith.minsi %get3A_649, %min3A_657 : vector<16xi32>
      %jit3A_659 = arith.constant 5000 : i32
      %broadcast_in_dim3A_660 = vector.broadcast %jit3A_659 : i32 to vector<16xi32>
      %select_n3A_661 = arith.select %ne3A_655, %broadcast_in_dim3A_660, %min3A_658 : vector<16xi1>, vector<16xi32>
      %swap3A_662 = arith.constant 64 : index
      %swap3A_663 = tpu.vector_load %arg9[%swap3A_662] {strides = array<i32>} : memref<160xi32, #tpu.memory_space<vmem>>, vector<16xi32>,
      %swap3A_664 = vector.shape_cast %swap3A_663 : vector<16xi32> to vector<16xi32>
      %swap3A_665 = vector.shape_cast %select_n3A_661 : vector<16xi32> to vector<16xi32>
      tpu.vector_store %arg9[%swap3A_662], %swap3A_665 {strides = array<i32>} : memref<160xi32, #tpu.memory_space<vmem>>, vector<16xi32>,
      %get3A_666 = arith.constant 80 : index
      %get3A_667 = tpu.vector_load %arg9[%get3A_666] {strides = array<i32>} : memref<160xi32, #tpu.memory_space<vmem>>, vector<16xi32>,
      %get3A_668 = vector.shape_cast %get3A_667 : vector<16xi32> to vector<16xi32>
      %get3A_669 = arith.constant 80 : index
      %get3A_670 = tpu.vector_load %arg12[%get3A_669] {strides = array<i32>} : memref<160xi32, #tpu.memory_space<vmem>>, vector<16xi32>,
      %get3A_671 = vector.shape_cast %get3A_670 : vector<16xi32> to vector<16xi32>
      %ne3A_672 = arith.constant 0 : i32
      %ne3A_673 = vector.broadcast %ne3A_672 : i32 to vector<16xi32>
      %ne3A_674 = arith.cmpi ne, %get3A_671, %ne3A_673 : vector<16xi32>
      %min3A_675 = arith.constant 5000 : i32
      %min3A_676 = vector.broadcast %min3A_675 : i32 to vector<16xi32>
      %min3A_677 = arith.minsi %get3A_668, %min3A_676 : vector<16xi32>
      %jit3A_678 = arith.constant 5000 : i32
      %broadcast_in_dim3A_679 = vector.broadcast %jit3A_678 : i32 to vector<16xi32>
      %select_n3A_680 = arith.select %ne3A_674, %broadcast_in_dim3A_679, %min3A_677 : vector<16xi1>, vector<16xi32>
      %swap3A_681 = arith.constant 80 : index
      %swap3A_682 = tpu.vector_load %arg9[%swap3A_681] {strides = array<i32>} : memref<160xi32, #tpu.memory_space<vmem>>, vector<16xi32>,
      %swap3A_683 = vector.shape_cast %swap3A_682 : vector<16xi32> to vector<16xi32>
      %swap3A_684 = vector.shape_cast %select_n3A_680 : vector<16xi32> to vector<16xi32>
      tpu.vector_store %arg9[%swap3A_681], %swap3A_684 {strides = array<i32>} : memref<160xi32, #tpu.memory_space<vmem>>, vector<16xi32>,
      %get3A_685 = arith.constant 96 : index
      %get3A_686 = tpu.vector_load %arg9[%get3A_685] {strides = array<i32>} : memref<160xi32, #tpu.memory_space<vmem>>, vector<16xi32>,
      %get3A_687 = vector.shape_cast %get3A_686 : vector<16xi32> to vector<16xi32>
      %get3A_688 = arith.constant 96 : index
      %get3A_689 = tpu.vector_load %arg12[%get3A_688] {strides = array<i32>} : memref<160xi32, #tpu.memory_space<vmem>>, vector<16xi32>,
      %get3A_690 = vector.shape_cast %get3A_689 : vector<16xi32> to vector<16xi32>
      %ne3A_691 = arith.constant 0 : i32
      %ne3A_692 = vector.broadcast %ne3A_691 : i32 to vector<16xi32>
      %ne3A_693 = arith.cmpi ne, %get3A_690, %ne3A_692 : vector<16xi32>
      %min3A_694 = arith.constant 5000 : i32
      %min3A_695 = vector.broadcast %min3A_694 : i32 to vector<16xi32>
      %min3A_696 = arith.minsi %get3A_687, %min3A_695 : vector<16xi32>
      %jit3A_697 = arith.constant 5000 : i32
      %broadcast_in_dim3A_698 = vector.broadcast %jit3A_697 : i32 to vector<16xi32>
      %select_n3A_699 = arith.select %ne3A_693, %broadcast_in_dim3A_698, %min3A_696 : vector<16xi1>, vector<16xi32>
      %swap3A_700 = arith.constant 96 : index
      %swap3A_701 = tpu.vector_load %arg9[%swap3A_700] {strides = array<i32>} : memref<160xi32, #tpu.memory_space<vmem>>, vector<16xi32>,
      %swap3A_702 = vector.shape_cast %swap3A_701 : vector<16xi32> to vector<16xi32>
      %swap3A_703 = vector.shape_cast %select_n3A_699 : vector<16xi32> to vector<16xi32>
      tpu.vector_store %arg9[%swap3A_700], %swap3A_703 {strides = array<i32>} : memref<160xi32, #tpu.memory_space<vmem>>, vector<16xi32>,
      %get3A_704 = arith.constant 112 : index
      %get3A_705 = tpu.vector_load %arg9[%get3A_704] {strides = array<i32>} : memref<160xi32, #tpu.memory_space<vmem>>, vector<16xi32>,
      %get3A_706 = vector.shape_cast %get3A_705 : vector<16xi32> to vector<16xi32>
      %get3A_707 = arith.constant 112 : index
      %get3A_708 = tpu.vector_load %arg12[%get3A_707] {strides = array<i32>} : memref<160xi32, #tpu.memory_space<vmem>>, vector<16xi32>,
      %get3A_709 = vector.shape_cast %get3A_708 : vector<16xi32> to vector<16xi32>
      %ne3A_710 = arith.constant 0 : i32
      %ne3A_711 = vector.broadcast %ne3A_710 : i32 to vector<16xi32>
      %ne3A_712 = arith.cmpi ne, %get3A_709, %ne3A_711 : vector<16xi32>
      %min3A_713 = arith.constant 5000 : i32
      %min3A_714 = vector.broadcast %min3A_713 : i32 to vector<16xi32>
      %min3A_715 = arith.minsi %get3A_706, %min3A_714 : vector<16xi32>
      %jit3A_716 = arith.constant 5000 : i32
      %broadcast_in_dim3A_717 = vector.broadcast %jit3A_716 : i32 to vector<16xi32>
      %select_n3A_718 = arith.select %ne3A_712, %broadcast_in_dim3A_717, %min3A_715 : vector<16xi1>, vector<16xi32>
      %swap3A_719 = arith.constant 112 : index
      %swap3A_720 = tpu.vector_load %arg9[%swap3A_719] {strides = array<i32>} : memref<160xi32, #tpu.memory_space<vmem>>, vector<16xi32>,
      %swap3A_721 = vector.shape_cast %swap3A_720 : vector<16xi32> to vector<16xi32>
      %swap3A_722 = vector.shape_cast %select_n3A_718 : vector<16xi32> to vector<16xi32>
      tpu.vector_store %arg9[%swap3A_719], %swap3A_722 {strides = array<i32>} : memref<160xi32, #tpu.memory_space<vmem>>, vector<16xi32>,
      %get3A_723 = arith.constant 128 : index
      %get3A_724 = tpu.vector_load %arg9[%get3A_723] {strides = array<i32>} : memref<160xi32, #tpu.memory_space<vmem>>, vector<16xi32>,
      %get3A_725 = vector.shape_cast %get3A_724 : vector<16xi32> to vector<16xi32>
      %get3A_726 = arith.constant 128 : index
      %get3A_727 = tpu.vector_load %arg12[%get3A_726] {strides = array<i32>} : memref<160xi32, #tpu.memory_space<vmem>>, vector<16xi32>,
      %get3A_728 = vector.shape_cast %get3A_727 : vector<16xi32> to vector<16xi32>
      %ne3A_729 = arith.constant 0 : i32
      %ne3A_730 = vector.broadcast %ne3A_729 : i32 to vector<16xi32>
      %ne3A_731 = arith.cmpi ne, %get3A_728, %ne3A_730 : vector<16xi32>
      %min3A_732 = arith.constant 5000 : i32
      %min3A_733 = vector.broadcast %min3A_732 : i32 to vector<16xi32>
      %min3A_734 = arith.minsi %get3A_725, %min3A_733 : vector<16xi32>
      %jit3A_735 = arith.constant 5000 : i32
      %broadcast_in_dim3A_736 = vector.broadcast %jit3A_735 : i32 to vector<16xi32>
      %select_n3A_737 = arith.select %ne3A_731, %broadcast_in_dim3A_736, %min3A_734 : vector<16xi1>, vector<16xi32>
      %swap3A_738 = arith.constant 128 : index
      %swap3A_739 = tpu.vector_load %arg9[%swap3A_738] {strides = array<i32>} : memref<160xi32, #tpu.memory_space<vmem>>, vector<16xi32>,
      %swap3A_740 = vector.shape_cast %swap3A_739 : vector<16xi32> to vector<16xi32>
      %swap3A_741 = vector.shape_cast %select_n3A_737 : vector<16xi32> to vector<16xi32>
      tpu.vector_store %arg9[%swap3A_738], %swap3A_741 {strides = array<i32>} : memref<160xi32, #tpu.memory_space<vmem>>, vector<16xi32>,
      %get3A_742 = arith.constant 144 : index
      %get3A_743 = tpu.vector_load %arg9[%get3A_742] {strides = array<i32>} : memref<160xi32, #tpu.memory_space<vmem>>, vector<16xi32>,
      %get3A_744 = vector.shape_cast %get3A_743 : vector<16xi32> to vector<16xi32>
      %get3A_745 = arith.constant 144 : index
      %get3A_746 = tpu.vector_load %arg12[%get3A_745] {strides = array<i32>} : memref<160xi32, #tpu.memory_space<vmem>>, vector<16xi32>,
      %get3A_747 = vector.shape_cast %get3A_746 : vector<16xi32> to vector<16xi32>
      %ne3A_748 = arith.constant 0 : i32
      %ne3A_749 = vector.broadcast %ne3A_748 : i32 to vector<16xi32>
      %ne3A_750 = arith.cmpi ne, %get3A_747, %ne3A_749 : vector<16xi32>
      %min3A_751 = arith.constant 5000 : i32
      %min3A_752 = vector.broadcast %min3A_751 : i32 to vector<16xi32>
      %min3A_753 = arith.minsi %get3A_744, %min3A_752 : vector<16xi32>
      %jit3A_754 = arith.constant 5000 : i32
      %broadcast_in_dim3A_755 = vector.broadcast %jit3A_754 : i32 to vector<16xi32>
      %select_n3A_756 = arith.select %ne3A_750, %broadcast_in_dim3A_755, %min3A_753 : vector<16xi1>, vector<16xi32>
      %swap3A_757 = arith.constant 144 : index
      %swap3A_758 = tpu.vector_load %arg9[%swap3A_757] {strides = array<i32>} : memref<160xi32, #tpu.memory_space<vmem>>, vector<16xi32>,
      %swap3A_759 = vector.shape_cast %swap3A_758 : vector<16xi32> to vector<16xi32>
      %swap3A_760 = vector.shape_cast %select_n3A_756 : vector<16xi32> to vector<16xi32>
      tpu.vector_store %arg9[%swap3A_757], %swap3A_760 {strides = array<i32>} : memref<160xi32, #tpu.memory_space<vmem>>, vector<16xi32>,
      %parallel_loop3A_761 = arith.constant 0 : i32
      %parallel_loop3A_762 = arith.constant 160 : i32
      %parallel_loop3A_763 = arith.constant 1 : i32
      scf.for %parallel_loop3A_1065 = %parallel_loop3A_761 to %parallel_loop3A_762 step %parallel_loop3A_763  : i32 {
        %parallel_loop3A_1066 = arith.index_cast %parallel_loop3A_1065 : i32 to index
        %parallel_loop3A_1067 = arith.constant 0 : index
        %parallel_loop3A_1068 = tpu.vector_load %arg15[%parallel_loop3A_1066, %parallel_loop3A_1067] {strides = array<i32>} : memref<160x128xf32, #tpu.memory_space<vmem>>, vector<1x16xf32>,
        %parallel_loop3A_1069 = vector.shape_cast %parallel_loop3A_1068 : vector<1x16xf32> to vector<16xf32>
        %parallel_loop3A_1070 = arith.constant 11.3137083 : f32
        %parallel_loop3A_1071 = vector.broadcast %parallel_loop3A_1070 : f32 to vector<16xf32>
        %parallel_loop3A_1072 = arith.mulf %parallel_loop3A_1071, %parallel_loop3A_1069 : vector<16xf32>
        %parallel_loop3A_1073 = arith.index_cast %parallel_loop3A_1065 : i32 to index
        %parallel_loop3A_1074 = arith.constant 0 : index
        %parallel_loop3A_1075 = tpu.vector_load %arg15[%parallel_loop3A_1073, %parallel_loop3A_1074] {strides = array<i32>} : memref<160x128xf32, #tpu.memory_space<vmem>>, vector<1x16xf32>,
        %parallel_loop3A_1076 = vector.shape_cast %parallel_loop3A_1075 : vector<1x16xf32> to vector<16xf32>
        %parallel_loop3A_1077 = vector.shape_cast %parallel_loop3A_1072 : vector<16xf32> to vector<1x16xf32>
        tpu.vector_store %arg15[%parallel_loop3A_1073, %parallel_loop3A_1074], %parallel_loop3A_1077 {strides = array<i32>} : memref<160x128xf32, #tpu.memory_space<vmem>>, vector<1x16xf32>,
        %parallel_loop3A_1078 = arith.index_cast %parallel_loop3A_1065 : i32 to index
        %parallel_loop3A_1079 = arith.constant 16 : index
        %parallel_loop3A_1080 = tpu.vector_load %arg15[%parallel_loop3A_1078, %parallel_loop3A_1079] {strides = array<i32>} : memref<160x128xf32, #tpu.memory_space<vmem>>, vector<1x16xf32>,
        %parallel_loop3A_1081 = vector.shape_cast %parallel_loop3A_1080 : vector<1x16xf32> to vector<16xf32>
        %parallel_loop3A_1082 = arith.constant 11.3137083 : f32
        %parallel_loop3A_1083 = vector.broadcast %parallel_loop3A_1082 : f32 to vector<16xf32>
        %parallel_loop3A_1084 = arith.mulf %parallel_loop3A_1083, %parallel_loop3A_1081 : vector<16xf32>
        %parallel_loop3A_1085 = arith.index_cast %parallel_loop3A_1065 : i32 to index
        %parallel_loop3A_1086 = arith.constant 16 : index
        %parallel_loop3A_1087 = tpu.vector_load %arg15[%parallel_loop3A_1085, %parallel_loop3A_1086] {strides = array<i32>} : memref<160x128xf32, #tpu.memory_space<vmem>>, vector<1x16xf32>,
        %parallel_loop3A_1088 = vector.shape_cast %parallel_loop3A_1087 : vector<1x16xf32> to vector<16xf32>
        %parallel_loop3A_1089 = vector.shape_cast %parallel_loop3A_1084 : vector<16xf32> to vector<1x16xf32>
        tpu.vector_store %arg15[%parallel_loop3A_1085, %parallel_loop3A_1086], %parallel_loop3A_1089 {strides = array<i32>} : memref<160x128xf32, #tpu.memory_space<vmem>>, vector<1x16xf32>,
        %parallel_loop3A_1090 = arith.index_cast %parallel_loop3A_1065 : i32 to index
        %parallel_loop3A_1091 = arith.constant 32 : index
        %parallel_loop3A_1092 = tpu.vector_load %arg15[%parallel_loop3A_1090, %parallel_loop3A_1091] {strides = array<i32>} : memref<160x128xf32, #tpu.memory_space<vmem>>, vector<1x16xf32>,
        %parallel_loop3A_1093 = vector.shape_cast %parallel_loop3A_1092 : vector<1x16xf32> to vector<16xf32>
        %parallel_loop3A_1094 = arith.constant 11.3137083 : f32
        %parallel_loop3A_1095 = vector.broadcast %parallel_loop3A_1094 : f32 to vector<16xf32>
        %parallel_loop3A_1096 = arith.mulf %parallel_loop3A_1095, %parallel_loop3A_1093 : vector<16xf32>
        %parallel_loop3A_1097 = arith.index_cast %parallel_loop3A_1065 : i32 to index
        %parallel_loop3A_1098 = arith.constant 32 : index
        %parallel_loop3A_1099 = tpu.vector_load %arg15[%parallel_loop3A_1097, %parallel_loop3A_1098] {strides = array<i32>} : memref<160x128xf32, #tpu.memory_space<vmem>>, vector<1x16xf32>,
        %parallel_loop3A_1100 = vector.shape_cast %parallel_loop3A_1099 : vector<1x16xf32> to vector<16xf32>
        %parallel_loop3A_1101 = vector.shape_cast %parallel_loop3A_1096 : vector<16xf32> to vector<1x16xf32>
        tpu.vector_store %arg15[%parallel_loop3A_1097, %parallel_loop3A_1098], %parallel_loop3A_1101 {strides = array<i32>} : memref<160x128xf32, #tpu.memory_space<vmem>>, vector<1x16xf32>,
        %parallel_loop3A_1102 = arith.index_cast %parallel_loop3A_1065 : i32 to index
        %parallel_loop3A_1103 = arith.constant 48 : index
        %parallel_loop3A_1104 = tpu.vector_load %arg15[%parallel_loop3A_1102, %parallel_loop3A_1103] {strides = array<i32>} : memref<160x128xf32, #tpu.memory_space<vmem>>, vector<1x16xf32>,
        %parallel_loop3A_1105 = vector.shape_cast %parallel_loop3A_1104 : vector<1x16xf32> to vector<16xf32>
        %parallel_loop3A_1106 = arith.constant 11.3137083 : f32
        %parallel_loop3A_1107 = vector.broadcast %parallel_loop3A_1106 : f32 to vector<16xf32>
        %parallel_loop3A_1108 = arith.mulf %parallel_loop3A_1107, %parallel_loop3A_1105 : vector<16xf32>
        %parallel_loop3A_1109 = arith.index_cast %parallel_loop3A_1065 : i32 to index
        %parallel_loop3A_1110 = arith.constant 48 : index
        %parallel_loop3A_1111 = tpu.vector_load %arg15[%parallel_loop3A_1109, %parallel_loop3A_1110] {strides = array<i32>} : memref<160x128xf32, #tpu.memory_space<vmem>>, vector<1x16xf32>,
        %parallel_loop3A_1112 = vector.shape_cast %parallel_loop3A_1111 : vector<1x16xf32> to vector<16xf32>
        %parallel_loop3A_1113 = vector.shape_cast %parallel_loop3A_1108 : vector<16xf32> to vector<1x16xf32>
        tpu.vector_store %arg15[%parallel_loop3A_1109, %parallel_loop3A_1110], %parallel_loop3A_1113 {strides = array<i32>} : memref<160x128xf32, #tpu.memory_space<vmem>>, vector<1x16xf32>,
        %parallel_loop3A_1114 = arith.index_cast %parallel_loop3A_1065 : i32 to index
        %parallel_loop3A_1115 = arith.constant 64 : index
        %parallel_loop3A_1116 = tpu.vector_load %arg15[%parallel_loop3A_1114, %parallel_loop3A_1115] {strides = array<i32>} : memref<160x128xf32, #tpu.memory_space<vmem>>, vector<1x16xf32>,
        %parallel_loop3A_1117 = vector.shape_cast %parallel_loop3A_1116 : vector<1x16xf32> to vector<16xf32>
        %parallel_loop3A_1118 = arith.constant 11.3137083 : f32
        %parallel_loop3A_1119 = vector.broadcast %parallel_loop3A_1118 : f32 to vector<16xf32>
        %parallel_loop3A_1120 = arith.mulf %parallel_loop3A_1119, %parallel_loop3A_1117 : vector<16xf32>
        %parallel_loop3A_1121 = arith.index_cast %parallel_loop3A_1065 : i32 to index
        %parallel_loop3A_1122 = arith.constant 64 : index
        %parallel_loop3A_1123 = tpu.vector_load %arg15[%parallel_loop3A_1121, %parallel_loop3A_1122] {strides = array<i32>} : memref<160x128xf32, #tpu.memory_space<vmem>>, vector<1x16xf32>,
        %parallel_loop3A_1124 = vector.shape_cast %parallel_loop3A_1123 : vector<1x16xf32> to vector<16xf32>
        %parallel_loop3A_1125 = vector.shape_cast %parallel_loop3A_1120 : vector<16xf32> to vector<1x16xf32>
        tpu.vector_store %arg15[%parallel_loop3A_1121, %parallel_loop3A_1122], %parallel_loop3A_1125 {strides = array<i32>} : memref<160x128xf32, #tpu.memory_space<vmem>>, vector<1x16xf32>,
        %parallel_loop3A_1126 = arith.index_cast %parallel_loop3A_1065 : i32 to index
        %parallel_loop3A_1127 = arith.constant 80 : index
        %parallel_loop3A_1128 = tpu.vector_load %arg15[%parallel_loop3A_1126, %parallel_loop3A_1127] {strides = array<i32>} : memref<160x128xf32, #tpu.memory_space<vmem>>, vector<1x16xf32>,
        %parallel_loop3A_1129 = vector.shape_cast %parallel_loop3A_1128 : vector<1x16xf32> to vector<16xf32>
        %parallel_loop3A_1130 = arith.constant 11.3137083 : f32
        %parallel_loop3A_1131 = vector.broadcast %parallel_loop3A_1130 : f32 to vector<16xf32>
        %parallel_loop3A_1132 = arith.mulf %parallel_loop3A_1131, %parallel_loop3A_1129 : vector<16xf32>
        %parallel_loop3A_1133 = arith.index_cast %parallel_loop3A_1065 : i32 to index
        %parallel_loop3A_1134 = arith.constant 80 : index
        %parallel_loop3A_1135 = tpu.vector_load %arg15[%parallel_loop3A_1133, %parallel_loop3A_1134] {strides = array<i32>} : memref<160x128xf32, #tpu.memory_space<vmem>>, vector<1x16xf32>,
        %parallel_loop3A_1136 = vector.shape_cast %parallel_loop3A_1135 : vector<1x16xf32> to vector<16xf32>
        %parallel_loop3A_1137 = vector.shape_cast %parallel_loop3A_1132 : vector<16xf32> to vector<1x16xf32>
        tpu.vector_store %arg15[%parallel_loop3A_1133, %parallel_loop3A_1134], %parallel_loop3A_1137 {strides = array<i32>} : memref<160x128xf32, #tpu.memory_space<vmem>>, vector<1x16xf32>,
        %parallel_loop3A_1138 = arith.index_cast %parallel_loop3A_1065 : i32 to index
        %parallel_loop3A_1139 = arith.constant 96 : index
        %parallel_loop3A_1140 = tpu.vector_load %arg15[%parallel_loop3A_1138, %parallel_loop3A_1139] {strides = array<i32>} : memref<160x128xf32, #tpu.memory_space<vmem>>, vector<1x16xf32>,
        %parallel_loop3A_1141 = vector.shape_cast %parallel_loop3A_1140 : vector<1x16xf32> to vector<16xf32>
        %parallel_loop3A_1142 = arith.constant 11.3137083 : f32
        %parallel_loop3A_1143 = vector.broadcast %parallel_loop3A_1142 : f32 to vector<16xf32>
        %parallel_loop3A_1144 = arith.mulf %parallel_loop3A_1143, %parallel_loop3A_1141 : vector<16xf32>
        %parallel_loop3A_1145 = arith.index_cast %parallel_loop3A_1065 : i32 to index
        %parallel_loop3A_1146 = arith.constant 96 : index
        %parallel_loop3A_1147 = tpu.vector_load %arg15[%parallel_loop3A_1145, %parallel_loop3A_1146] {strides = array<i32>} : memref<160x128xf32, #tpu.memory_space<vmem>>, vector<1x16xf32>,
        %parallel_loop3A_1148 = vector.shape_cast %parallel_loop3A_1147 : vector<1x16xf32> to vector<16xf32>
        %parallel_loop3A_1149 = vector.shape_cast %parallel_loop3A_1144 : vector<16xf32> to vector<1x16xf32>
        tpu.vector_store %arg15[%parallel_loop3A_1145, %parallel_loop3A_1146], %parallel_loop3A_1149 {strides = array<i32>} : memref<160x128xf32, #tpu.memory_space<vmem>>, vector<1x16xf32>,
        %parallel_loop3A_1150 = arith.index_cast %parallel_loop3A_1065 : i32 to index
        %parallel_loop3A_1151 = arith.constant 112 : index
        %parallel_loop3A_1152 = tpu.vector_load %arg15[%parallel_loop3A_1150, %parallel_loop3A_1151] {strides = array<i32>} : memref<160x128xf32, #tpu.memory_space<vmem>>, vector<1x16xf32>,
        %parallel_loop3A_1153 = vector.shape_cast %parallel_loop3A_1152 : vector<1x16xf32> to vector<16xf32>
        %parallel_loop3A_1154 = arith.constant 11.3137083 : f32
        %parallel_loop3A_1155 = vector.broadcast %parallel_loop3A_1154 : f32 to vector<16xf32>
        %parallel_loop3A_1156 = arith.mulf %parallel_loop3A_1155, %parallel_loop3A_1153 : vector<16xf32>
        %parallel_loop3A_1157 = arith.index_cast %parallel_loop3A_1065 : i32 to index
        %parallel_loop3A_1158 = arith.constant 112 : index
        %parallel_loop3A_1159 = tpu.vector_load %arg15[%parallel_loop3A_1157, %parallel_loop3A_1158] {strides = array<i32>} : memref<160x128xf32, #tpu.memory_space<vmem>>, vector<1x16xf32>,
        %parallel_loop3A_1160 = vector.shape_cast %parallel_loop3A_1159 : vector<1x16xf32> to vector<16xf32>
        %parallel_loop3A_1161 = vector.shape_cast %parallel_loop3A_1156 : vector<16xf32> to vector<1x16xf32>
        tpu.vector_store %arg15[%parallel_loop3A_1157, %parallel_loop3A_1158], %parallel_loop3A_1161 {strides = array<i32>} : memref<160x128xf32, #tpu.memory_space<vmem>>, vector<1x16xf32>,
      } {sc.loop_unroll_factor = 4 : i64, sc.parallel_access}
      %dma_start3A_764 = arith.constant 0 : i32
      %dma_start3A_765 = arith.constant 0 : i32
      %dma_start3A_766 = tpu.memref_slice %arg15[%dma_start3A_764, %dma_start3A_765] : memref<160x128xf32, #tpu.memory_space<vmem>> -> memref<80x128xf32, #tpu.memory_space<vmem>>
      %dma_start3A_767 = arith.constant 0 : i32
      %dma_start3A_768 = tpu.memref_slice %arg9[%dma_start3A_767] : memref<160xi32, #tpu.memory_space<vmem>> -> memref<80xi32, #tpu.memory_space<vmem>>
      %dma_start3A_769 = arith.constant 0 : i32
      %dma_start3A_770 = arith.constant 0 : i32
      %dma_start3A_771 = tpu.memref_slice %arg16[%dma_start3A_769, %dma_start3A_770] : memref<5001x128xf32, #tpu.memory_space<vmem_shared>> -> memref<5001x128xf32, #tpu.memory_space<vmem_shared>>
      tpu.enqueue_indirect_dma source(%dma_start3A_771 : memref<5001x128xf32, #tpu.memory_space<vmem_shared>>) target(%dma_start3A_766 : memref<80x128xf32, #tpu.memory_space<vmem>>) offsets(%dma_start3A_768 : memref<80xi32, #tpu.memory_space<vmem>>) semaphore(%arg22 : memref<!tpu.dma_semaphore, #tpu.memory_space<semaphore_mem>>) {add = true}
      %dma_start3A_772 = arith.constant 80 : i32
      %dma_start3A_773 = arith.constant 0 : i32
      %dma_start3A_774 = tpu.memref_slice %arg15[%dma_start3A_772, %dma_start3A_773] : memref<160x128xf32, #tpu.memory_space<vmem>> -> memref<80x128xf32, #tpu.memory_space<vmem>>
      %dma_start3A_775 = arith.constant 80 : i32
      %dma_start3A_776 = tpu.memref_slice %arg9[%dma_start3A_775] : memref<160xi32, #tpu.memory_space<vmem>> -> memref<80xi32, #tpu.memory_space<vmem>>
      %dma_start3A_777 = arith.constant 0 : i32
      %dma_start3A_778 = arith.constant 0 : i32
      %dma_start3A_779 = tpu.memref_slice %arg16[%dma_start3A_777, %dma_start3A_778] : memref<5001x128xf32, #tpu.memory_space<vmem_shared>> -> memref<5001x128xf32, #tpu.memory_space<vmem_shared>>
      tpu.enqueue_indirect_dma source(%dma_start3A_779 : memref<5001x128xf32, #tpu.memory_space<vmem_shared>>) target(%dma_start3A_774 : memref<80x128xf32, #tpu.memory_space<vmem>>) offsets(%dma_start3A_776 : memref<80xi32, #tpu.memory_space<vmem>>) semaphore(%arg22 : memref<!tpu.dma_semaphore, #tpu.memory_space<semaphore_mem>>) {add = true}
      %dma_wait3A_780 = arith.constant 0 : i32
      %dma_wait3A_781 = arith.constant 0 : i32
      %dma_wait3A_782 = tpu.memref_slice %arg14[%dma_wait3A_780, %dma_wait3A_781] : memref<160x128xf32, #tpu.memory_space<vmem>> -> memref<80x128xf32, #tpu.memory_space<vmem>>
      %dma_wait3A_783 = arith.constant 0 : i32
      %dma_wait3A_784 = tpu.memref_slice %arg8[%dma_wait3A_783] : memref<160xi32, #tpu.memory_space<vmem>> -> memref<80xi32, #tpu.memory_space<vmem>>
      %dma_wait3A_785 = arith.constant 0 : i32
      %dma_wait3A_786 = arith.constant 0 : i32
      %dma_wait3A_787 = tpu.memref_slice %arg16[%dma_wait3A_785, %dma_wait3A_786] : memref<5001x128xf32, #tpu.memory_space<vmem_shared>> -> memref<5001x128xf32, #tpu.memory_space<vmem_shared>>
      tpu.wait_indirect_dma semaphore(%arg21 : memref<!tpu.dma_semaphore, #tpu.memory_space<semaphore_mem>>) src(%dma_wait3A_787 : memref<5001x128xf32, #tpu.memory_space<vmem_shared>>) dst(%dma_wait3A_782 : memref<80x128xf32, #tpu.memory_space<vmem>>)
      %dma_wait3A_788 = arith.constant 80 : i32
      %dma_wait3A_789 = arith.constant 0 : i32
      %dma_wait3A_790 = tpu.memref_slice %arg14[%dma_wait3A_788, %dma_wait3A_789] : memref<160x128xf32, #tpu.memory_space<vmem>> -> memref<80x128xf32, #tpu.memory_space<vmem>>
      %dma_wait3A_791 = arith.constant 80 : i32
      %dma_wait3A_792 = tpu.memref_slice %arg8[%dma_wait3A_791] : memref<160xi32, #tpu.memory_space<vmem>> -> memref<80xi32, #tpu.memory_space<vmem>>
      %dma_wait3A_793 = arith.constant 0 : i32
      %dma_wait3A_794 = arith.constant 0 : i32
      %dma_wait3A_795 = tpu.memref_slice %arg16[%dma_wait3A_793, %dma_wait3A_794] : memref<5001x128xf32, #tpu.memory_space<vmem_shared>> -> memref<5001x128xf32, #tpu.memory_space<vmem_shared>>
      tpu.wait_indirect_dma semaphore(%arg21 : memref<!tpu.dma_semaphore, #tpu.memory_space<semaphore_mem>>) src(%dma_wait3A_795 : memref<5001x128xf32, #tpu.memory_space<vmem_shared>>) dst(%dma_wait3A_790 : memref<80x128xf32, #tpu.memory_space<vmem>>)
      %mul3A_796 = arith.constant 160 : i32
      %mul3A_797 = arith.muli %add3A_544, %mul3A_796 : i32
      %add3A_798 = arith.addi %mul3A_2, %mul3A_797 : i32
      %dma_start3A_799 = arith.constant 0 : i32
      %dma_start3A_800 = tpu.memref_slice %arg6[%add3A_798, %dma_start3A_799] : memref<819200x128xf32, #tpu.memory_space<hbm>> -> memref<160x128xf32, #tpu.memory_space<hbm>>
      %dma_start3A_801 = arith.constant 0 : i32
      %dma_start3A_802 = tpu.memref_slice %arg6[%add3A_798, %dma_start3A_801] : memref<819200x128xf32, #tpu.memory_space<hbm>> -> memref<160x128xf32, #tpu.memory_space<hbm>>
      tpu.enqueue_dma source(%arg14 : memref<160x128xf32, #tpu.memory_space<vmem>>) target(%dma_start3A_802 : memref<160x128xf32, #tpu.memory_space<hbm>>) target_semaphore(%arg24 : memref<!tpu.dma_semaphore, #tpu.memory_space<semaphore_mem>>)
      %mul3A_803 = arith.constant 3 : i32
      %mul3A_804 = arith.muli %mul3A_803, %add3A_280 : i32
      %add3A_805 = arith.constant 2 : i32
      %add3A_806 = arith.addi %mul3A_804, %add3A_805 : i32
      %ge3A_807 = arith.constant 1 : i32
      %ge3A_808 = arith.cmpi sge, %add3A_806, %ge3A_807 : i32
      %convert_element_type3A_809 = arith.extui %ge3A_808 : i1 to i32
      %cond3A_810 = arith.constant 0 : i32
      %cond3A_811 = arith.cmpi ne, %convert_element_type3A_809, %cond3A_810 : i32
      scf.if %cond3A_811 {
        %dma_wait3A_1065 = arith.constant 0 : i32
        %dma_wait3A_1066 = arith.constant 0 : i32
        %dma_wait3A_1067 = tpu.memref_slice %arg6[%dma_wait3A_1065, %dma_wait3A_1066] : memref<819200x128xf32, #tpu.memory_space<hbm>> -> memref<160x128xf32, #tpu.memory_space<hbm>>
        %dma_wait3A_1068 = arith.constant 0 : i32
        %dma_wait3A_1069 = arith.constant 0 : i32
        %dma_wait3A_1070 = tpu.memref_slice %arg6[%dma_wait3A_1068, %dma_wait3A_1069] : memref<819200x128xf32, #tpu.memory_space<hbm>> -> memref<160x128xf32, #tpu.memory_space<hbm>>
        tpu.wait_dma2 semaphore(%arg24 : memref<!tpu.dma_semaphore, #tpu.memory_space<semaphore_mem>>) src(%arg14 : memref<160x128xf32, #tpu.memory_space<vmem>>) dst(%dma_wait3A_1070 : memref<160x128xf32, #tpu.memory_space<hbm>>)
      } else {
      }
      %add3A_812 = arith.constant 2 : i32
      %add3A_813 = arith.addi %add3A_806, %add3A_812 : i32
      %lt3A_814 = arith.constant 160 : i32
      %lt3A_815 = arith.cmpi slt, %add3A_813, %lt3A_814 : i32
      %convert_element_type3A_816 = arith.extui %lt3A_815 : i1 to i32
      %cond3A_817 = arith.constant 0 : i32
      %cond3A_818 = arith.cmpi ne, %convert_element_type3A_816, %cond3A_817 : i32
      scf.if %cond3A_818 {
        %add3A_1065 = arith.constant 2 : i32
        %add3A_1066 = arith.addi %add3A_806, %add3A_1065 : i32
        %mul3A_1067 = arith.constant 160 : i32
        %mul3A_1068 = arith.muli %add3A_1066, %mul3A_1067 : i32
        %add3A_1069 = arith.addi %mul3A_2, %mul3A_1068 : i32
        %dma_start3A_1070 = tpu.memref_slice %arg4[%add3A_1069] : memref<819200xi32, #tpu.memory_space<hbm>> -> memref<160xi32, #tpu.memory_space<hbm>>
        %dma_start3A_1071 = tpu.memref_slice %arg4[%add3A_1069] : memref<819200xi32, #tpu.memory_space<hbm>> -> memref<160xi32, #tpu.memory_space<hbm>>
        tpu.enqueue_dma source(%dma_start3A_1071 : memref<160xi32, #tpu.memory_space<hbm>>) target(%arg8 : memref<160xi32, #tpu.memory_space<vmem>>) target_semaphore(%arg18 : memref<!tpu.dma_semaphore, #tpu.memory_space<semaphore_mem>>)
        %dma_start3A_1072 = tpu.memref_slice %arg3[%add3A_1069] : memref<819200xi32, #tpu.memory_space<hbm>> -> memref<160xi32, #tpu.memory_space<hbm>>
        %dma_start3A_1073 = tpu.memref_slice %arg3[%add3A_1069] : memref<819200xi32, #tpu.memory_space<hbm>> -> memref<160xi32, #tpu.memory_space<hbm>>
        tpu.enqueue_dma source(%dma_start3A_1073 : memref<160xi32, #tpu.memory_space<hbm>>) target(%arg11 : memref<160xi32, #tpu.memory_space<vmem>>) target_semaphore(%arg18 : memref<!tpu.dma_semaphore, #tpu.memory_space<semaphore_mem>>)
        %dma_start3A_1074 = arith.constant 0 : i32
        %dma_start3A_1075 = tpu.memref_slice %arg2[%add3A_1069, %dma_start3A_1074] : memref<819200x128xf32, #tpu.memory_space<hbm>> -> memref<160x128xf32, #tpu.memory_space<hbm>>
        %dma_start3A_1076 = arith.constant 0 : i32
        %dma_start3A_1077 = tpu.memref_slice %arg2[%add3A_1069, %dma_start3A_1076] : memref<819200x128xf32, #tpu.memory_space<hbm>> -> memref<160x128xf32, #tpu.memory_space<hbm>>
        tpu.enqueue_dma source(%dma_start3A_1077 : memref<160x128xf32, #tpu.memory_space<hbm>>) target(%arg14 : memref<160x128xf32, #tpu.memory_space<vmem>>) target_semaphore(%arg18 : memref<!tpu.dma_semaphore, #tpu.memory_space<semaphore_mem>>)
      } else {
      }
      %dma_wait3A_819 = arith.constant 0 : i32
      %dma_wait3A_820 = tpu.memref_slice %arg4[%dma_wait3A_819] : memref<819200xi32, #tpu.memory_space<hbm>> -> memref<160xi32, #tpu.memory_space<hbm>>
      %dma_wait3A_821 = arith.constant 0 : i32
      %dma_wait3A_822 = tpu.memref_slice %arg4[%dma_wait3A_821] : memref<819200xi32, #tpu.memory_space<hbm>> -> memref<160xi32, #tpu.memory_space<hbm>>
      tpu.wait_dma2 semaphore(%arg17 : memref<!tpu.dma_semaphore, #tpu.memory_space<semaphore_mem>>) src(%dma_wait3A_822 : memref<160xi32, #tpu.memory_space<hbm>>) dst(%arg7 : memref<160xi32, #tpu.memory_space<vmem>>)
      %dma_wait3A_823 = arith.constant 0 : i32
      %dma_wait3A_824 = tpu.memref_slice %arg3[%dma_wait3A_823] : memref<819200xi32, #tpu.memory_space<hbm>> -> memref<160xi32, #tpu.memory_space<hbm>>
      %dma_wait3A_825 = arith.constant 0 : i32
      %dma_wait3A_826 = tpu.memref_slice %arg3[%dma_wait3A_825] : memref<819200xi32, #tpu.memory_space<hbm>> -> memref<160xi32, #tpu.memory_space<hbm>>
      tpu.wait_dma2 semaphore(%arg17 : memref<!tpu.dma_semaphore, #tpu.memory_space<semaphore_mem>>) src(%dma_wait3A_826 : memref<160xi32, #tpu.memory_space<hbm>>) dst(%arg10 : memref<160xi32, #tpu.memory_space<vmem>>)
      %dma_wait3A_827 = arith.constant 0 : i32
      %dma_wait3A_828 = arith.constant 0 : i32
      %dma_wait3A_829 = tpu.memref_slice %arg2[%dma_wait3A_827, %dma_wait3A_828] : memref<819200x128xf32, #tpu.memory_space<hbm>> -> memref<160x128xf32, #tpu.memory_space<hbm>>
      %dma_wait3A_830 = arith.constant 0 : i32
      %dma_wait3A_831 = arith.constant 0 : i32
      %dma_wait3A_832 = tpu.memref_slice %arg2[%dma_wait3A_830, %dma_wait3A_831] : memref<819200x128xf32, #tpu.memory_space<hbm>> -> memref<160x128xf32, #tpu.memory_space<hbm>>
      tpu.wait_dma2 semaphore(%arg17 : memref<!tpu.dma_semaphore, #tpu.memory_space<semaphore_mem>>) src(%dma_wait3A_832 : memref<160x128xf32, #tpu.memory_space<hbm>>) dst(%arg13 : memref<160x128xf32, #tpu.memory_space<vmem>>)
      %get3A_833 = arith.constant 0 : index
      %get3A_834 = tpu.vector_load %arg7[%get3A_833] {strides = array<i32>} : memref<160xi32, #tpu.memory_space<vmem>>, vector<16xi32>,
      %get3A_835 = vector.shape_cast %get3A_834 : vector<16xi32> to vector<16xi32>
      %get3A_836 = arith.constant 0 : index
      %get3A_837 = tpu.vector_load %arg10[%get3A_836] {strides = array<i32>} : memref<160xi32, #tpu.memory_space<vmem>>, vector<16xi32>,
      %get3A_838 = vector.shape_cast %get3A_837 : vector<16xi32> to vector<16xi32>
      %ne3A_839 = arith.constant 0 : i32
      %ne3A_840 = vector.broadcast %ne3A_839 : i32 to vector<16xi32>
      %ne3A_841 = arith.cmpi ne, %get3A_838, %ne3A_840 : vector<16xi32>
      %min3A_842 = arith.constant 5000 : i32
      %min3A_843 = vector.broadcast %min3A_842 : i32 to vector<16xi32>
      %min3A_844 = arith.minsi %get3A_835, %min3A_843 : vector<16xi32>
      %jit3A_845 = arith.constant 5000 : i32
      %broadcast_in_dim3A_846 = vector.broadcast %jit3A_845 : i32 to vector<16xi32>
      %select_n3A_847 = arith.select %ne3A_841, %broadcast_in_dim3A_846, %min3A_844 : vector<16xi1>, vector<16xi32>
      %swap3A_848 = arith.constant 0 : index
      %swap3A_849 = tpu.vector_load %arg7[%swap3A_848] {strides = array<i32>} : memref<160xi32, #tpu.memory_space<vmem>>, vector<16xi32>,
      %swap3A_850 = vector.shape_cast %swap3A_849 : vector<16xi32> to vector<16xi32>
      %swap3A_851 = vector.shape_cast %select_n3A_847 : vector<16xi32> to vector<16xi32>
      tpu.vector_store %arg7[%swap3A_848], %swap3A_851 {strides = array<i32>} : memref<160xi32, #tpu.memory_space<vmem>>, vector<16xi32>,
      %get3A_852 = arith.constant 16 : index
      %get3A_853 = tpu.vector_load %arg7[%get3A_852] {strides = array<i32>} : memref<160xi32, #tpu.memory_space<vmem>>, vector<16xi32>,
      %get3A_854 = vector.shape_cast %get3A_853 : vector<16xi32> to vector<16xi32>
      %get3A_855 = arith.constant 16 : index
      %get3A_856 = tpu.vector_load %arg10[%get3A_855] {strides = array<i32>} : memref<160xi32, #tpu.memory_space<vmem>>, vector<16xi32>,
      %get3A_857 = vector.shape_cast %get3A_856 : vector<16xi32> to vector<16xi32>
      %ne3A_858 = arith.constant 0 : i32
      %ne3A_859 = vector.broadcast %ne3A_858 : i32 to vector<16xi32>
      %ne3A_860 = arith.cmpi ne, %get3A_857, %ne3A_859 : vector<16xi32>
      %min3A_861 = arith.constant 5000 : i32
      %min3A_862 = vector.broadcast %min3A_861 : i32 to vector<16xi32>
      %min3A_863 = arith.minsi %get3A_854, %min3A_862 : vector<16xi32>
      %jit3A_864 = arith.constant 5000 : i32
      %broadcast_in_dim3A_865 = vector.broadcast %jit3A_864 : i32 to vector<16xi32>
      %select_n3A_866 = arith.select %ne3A_860, %broadcast_in_dim3A_865, %min3A_863 : vector<16xi1>, vector<16xi32>
      %swap3A_867 = arith.constant 16 : index
      %swap3A_868 = tpu.vector_load %arg7[%swap3A_867] {strides = array<i32>} : memref<160xi32, #tpu.memory_space<vmem>>, vector<16xi32>,
      %swap3A_869 = vector.shape_cast %swap3A_868 : vector<16xi32> to vector<16xi32>
      %swap3A_870 = vector.shape_cast %select_n3A_866 : vector<16xi32> to vector<16xi32>
      tpu.vector_store %arg7[%swap3A_867], %swap3A_870 {strides = array<i32>} : memref<160xi32, #tpu.memory_space<vmem>>, vector<16xi32>,
      %get3A_871 = arith.constant 32 : index
      %get3A_872 = tpu.vector_load %arg7[%get3A_871] {strides = array<i32>} : memref<160xi32, #tpu.memory_space<vmem>>, vector<16xi32>,
      %get3A_873 = vector.shape_cast %get3A_872 : vector<16xi32> to vector<16xi32>
      %get3A_874 = arith.constant 32 : index
      %get3A_875 = tpu.vector_load %arg10[%get3A_874] {strides = array<i32>} : memref<160xi32, #tpu.memory_space<vmem>>, vector<16xi32>,
      %get3A_876 = vector.shape_cast %get3A_875 : vector<16xi32> to vector<16xi32>
      %ne3A_877 = arith.constant 0 : i32
      %ne3A_878 = vector.broadcast %ne3A_877 : i32 to vector<16xi32>
      %ne3A_879 = arith.cmpi ne, %get3A_876, %ne3A_878 : vector<16xi32>
      %min3A_880 = arith.constant 5000 : i32
      %min3A_881 = vector.broadcast %min3A_880 : i32 to vector<16xi32>
      %min3A_882 = arith.minsi %get3A_873, %min3A_881 : vector<16xi32>
      %jit3A_883 = arith.constant 5000 : i32
      %broadcast_in_dim3A_884 = vector.broadcast %jit3A_883 : i32 to vector<16xi32>
      %select_n3A_885 = arith.select %ne3A_879, %broadcast_in_dim3A_884, %min3A_882 : vector<16xi1>, vector<16xi32>
      %swap3A_886 = arith.constant 32 : index
      %swap3A_887 = tpu.vector_load %arg7[%swap3A_886] {strides = array<i32>} : memref<160xi32, #tpu.memory_space<vmem>>, vector<16xi32>,
      %swap3A_888 = vector.shape_cast %swap3A_887 : vector<16xi32> to vector<16xi32>
      %swap3A_889 = vector.shape_cast %select_n3A_885 : vector<16xi32> to vector<16xi32>
      tpu.vector_store %arg7[%swap3A_886], %swap3A_889 {strides = array<i32>} : memref<160xi32, #tpu.memory_space<vmem>>, vector<16xi32>,
      %get3A_890 = arith.constant 48 : index
      %get3A_891 = tpu.vector_load %arg7[%get3A_890] {strides = array<i32>} : memref<160xi32, #tpu.memory_space<vmem>>, vector<16xi32>,
      %get3A_892 = vector.shape_cast %get3A_891 : vector<16xi32> to vector<16xi32>
      %get3A_893 = arith.constant 48 : index
      %get3A_894 = tpu.vector_load %arg10[%get3A_893] {strides = array<i32>} : memref<160xi32, #tpu.memory_space<vmem>>, vector<16xi32>,
      %get3A_895 = vector.shape_cast %get3A_894 : vector<16xi32> to vector<16xi32>
      %ne3A_896 = arith.constant 0 : i32
      %ne3A_897 = vector.broadcast %ne3A_896 : i32 to vector<16xi32>
      %ne3A_898 = arith.cmpi ne, %get3A_895, %ne3A_897 : vector<16xi32>
      %min3A_899 = arith.constant 5000 : i32
      %min3A_900 = vector.broadcast %min3A_899 : i32 to vector<16xi32>
      %min3A_901 = arith.minsi %get3A_892, %min3A_900 : vector<16xi32>
      %jit3A_902 = arith.constant 5000 : i32
      %broadcast_in_dim3A_903 = vector.broadcast %jit3A_902 : i32 to vector<16xi32>
      %select_n3A_904 = arith.select %ne3A_898, %broadcast_in_dim3A_903, %min3A_901 : vector<16xi1>, vector<16xi32>
      %swap3A_905 = arith.constant 48 : index
      %swap3A_906 = tpu.vector_load %arg7[%swap3A_905] {strides = array<i32>} : memref<160xi32, #tpu.memory_space<vmem>>, vector<16xi32>,
      %swap3A_907 = vector.shape_cast %swap3A_906 : vector<16xi32> to vector<16xi32>
      %swap3A_908 = vector.shape_cast %select_n3A_904 : vector<16xi32> to vector<16xi32>
      tpu.vector_store %arg7[%swap3A_905], %swap3A_908 {strides = array<i32>} : memref<160xi32, #tpu.memory_space<vmem>>, vector<16xi32>,
      %get3A_909 = arith.constant 64 : index
      %get3A_910 = tpu.vector_load %arg7[%get3A_909] {strides = array<i32>} : memref<160xi32, #tpu.memory_space<vmem>>, vector<16xi32>,
      %get3A_911 = vector.shape_cast %get3A_910 : vector<16xi32> to vector<16xi32>
      %get3A_912 = arith.constant 64 : index
      %get3A_913 = tpu.vector_load %arg10[%get3A_912] {strides = array<i32>} : memref<160xi32, #tpu.memory_space<vmem>>, vector<16xi32>,
      %get3A_914 = vector.shape_cast %get3A_913 : vector<16xi32> to vector<16xi32>
      %ne3A_915 = arith.constant 0 : i32
      %ne3A_916 = vector.broadcast %ne3A_915 : i32 to vector<16xi32>
      %ne3A_917 = arith.cmpi ne, %get3A_914, %ne3A_916 : vector<16xi32>
      %min3A_918 = arith.constant 5000 : i32
      %min3A_919 = vector.broadcast %min3A_918 : i32 to vector<16xi32>
      %min3A_920 = arith.minsi %get3A_911, %min3A_919 : vector<16xi32>
      %jit3A_921 = arith.constant 5000 : i32
      %broadcast_in_dim3A_922 = vector.broadcast %jit3A_921 : i32 to vector<16xi32>
      %select_n3A_923 = arith.select %ne3A_917, %broadcast_in_dim3A_922, %min3A_920 : vector<16xi1>, vector<16xi32>
      %swap3A_924 = arith.constant 64 : index
      %swap3A_925 = tpu.vector_load %arg7[%swap3A_924] {strides = array<i32>} : memref<160xi32, #tpu.memory_space<vmem>>, vector<16xi32>,
      %swap3A_926 = vector.shape_cast %swap3A_925 : vector<16xi32> to vector<16xi32>
      %swap3A_927 = vector.shape_cast %select_n3A_923 : vector<16xi32> to vector<16xi32>
      tpu.vector_store %arg7[%swap3A_924], %swap3A_927 {strides = array<i32>} : memref<160xi32, #tpu.memory_space<vmem>>, vector<16xi32>,
      %get3A_928 = arith.constant 80 : index
      %get3A_929 = tpu.vector_load %arg7[%get3A_928] {strides = array<i32>} : memref<160xi32, #tpu.memory_space<vmem>>, vector<16xi32>,
      %get3A_930 = vector.shape_cast %get3A_929 : vector<16xi32> to vector<16xi32>
      %get3A_931 = arith.constant 80 : index
      %get3A_932 = tpu.vector_load %arg10[%get3A_931] {strides = array<i32>} : memref<160xi32, #tpu.memory_space<vmem>>, vector<16xi32>,
      %get3A_933 = vector.shape_cast %get3A_932 : vector<16xi32> to vector<16xi32>
      %ne3A_934 = arith.constant 0 : i32
      %ne3A_935 = vector.broadcast %ne3A_934 : i32 to vector<16xi32>
      %ne3A_936 = arith.cmpi ne, %get3A_933, %ne3A_935 : vector<16xi32>
      %min3A_937 = arith.constant 5000 : i32
      %min3A_938 = vector.broadcast %min3A_937 : i32 to vector<16xi32>
      %min3A_939 = arith.minsi %get3A_930, %min3A_938 : vector<16xi32>
      %jit3A_940 = arith.constant 5000 : i32
      %broadcast_in_dim3A_941 = vector.broadcast %jit3A_940 : i32 to vector<16xi32>
      %select_n3A_942 = arith.select %ne3A_936, %broadcast_in_dim3A_941, %min3A_939 : vector<16xi1>, vector<16xi32>
      %swap3A_943 = arith.constant 80 : index
      %swap3A_944 = tpu.vector_load %arg7[%swap3A_943] {strides = array<i32>} : memref<160xi32, #tpu.memory_space<vmem>>, vector<16xi32>,
      %swap3A_945 = vector.shape_cast %swap3A_944 : vector<16xi32> to vector<16xi32>
      %swap3A_946 = vector.shape_cast %select_n3A_942 : vector<16xi32> to vector<16xi32>
      tpu.vector_store %arg7[%swap3A_943], %swap3A_946 {strides = array<i32>} : memref<160xi32, #tpu.memory_space<vmem>>, vector<16xi32>,
      %get3A_947 = arith.constant 96 : index
      %get3A_948 = tpu.vector_load %arg7[%get3A_947] {strides = array<i32>} : memref<160xi32, #tpu.memory_space<vmem>>, vector<16xi32>,
      %get3A_949 = vector.shape_cast %get3A_948 : vector<16xi32> to vector<16xi32>
      %get3A_950 = arith.constant 96 : index
      %get3A_951 = tpu.vector_load %arg10[%get3A_950] {strides = array<i32>} : memref<160xi32, #tpu.memory_space<vmem>>, vector<16xi32>,
      %get3A_952 = vector.shape_cast %get3A_951 : vector<16xi32> to vector<16xi32>
      %ne3A_953 = arith.constant 0 : i32
      %ne3A_954 = vector.broadcast %ne3A_953 : i32 to vector<16xi32>
      %ne3A_955 = arith.cmpi ne, %get3A_952, %ne3A_954 : vector<16xi32>
      %min3A_956 = arith.constant 5000 : i32
      %min3A_957 = vector.broadcast %min3A_956 : i32 to vector<16xi32>
      %min3A_958 = arith.minsi %get3A_949, %min3A_957 : vector<16xi32>
      %jit3A_959 = arith.constant 5000 : i32
      %broadcast_in_dim3A_960 = vector.broadcast %jit3A_959 : i32 to vector<16xi32>
      %select_n3A_961 = arith.select %ne3A_955, %broadcast_in_dim3A_960, %min3A_958 : vector<16xi1>, vector<16xi32>
      %swap3A_962 = arith.constant 96 : index
      %swap3A_963 = tpu.vector_load %arg7[%swap3A_962] {strides = array<i32>} : memref<160xi32, #tpu.memory_space<vmem>>, vector<16xi32>,
      %swap3A_964 = vector.shape_cast %swap3A_963 : vector<16xi32> to vector<16xi32>
      %swap3A_965 = vector.shape_cast %select_n3A_961 : vector<16xi32> to vector<16xi32>
      tpu.vector_store %arg7[%swap3A_962], %swap3A_965 {strides = array<i32>} : memref<160xi32, #tpu.memory_space<vmem>>, vector<16xi32>,
      %get3A_966 = arith.constant 112 : index
      %get3A_967 = tpu.vector_load %arg7[%get3A_966] {strides = array<i32>} : memref<160xi32, #tpu.memory_space<vmem>>, vector<16xi32>,
      %get3A_968 = vector.shape_cast %get3A_967 : vector<16xi32> to vector<16xi32>
      %get3A_969 = arith.constant 112 : index
      %get3A_970 = tpu.vector_load %arg10[%get3A_969] {strides = array<i32>} : memref<160xi32, #tpu.memory_space<vmem>>, vector<16xi32>,
      %get3A_971 = vector.shape_cast %get3A_970 : vector<16xi32> to vector<16xi32>
      %ne3A_972 = arith.constant 0 : i32
      %ne3A_973 = vector.broadcast %ne3A_972 : i32 to vector<16xi32>
      %ne3A_974 = arith.cmpi ne, %get3A_971, %ne3A_973 : vector<16xi32>
      %min3A_975 = arith.constant 5000 : i32
      %min3A_976 = vector.broadcast %min3A_975 : i32 to vector<16xi32>
      %min3A_977 = arith.minsi %get3A_968, %min3A_976 : vector<16xi32>
      %jit3A_978 = arith.constant 5000 : i32
      %broadcast_in_dim3A_979 = vector.broadcast %jit3A_978 : i32 to vector<16xi32>
      %select_n3A_980 = arith.select %ne3A_974, %broadcast_in_dim3A_979, %min3A_977 : vector<16xi1>, vector<16xi32>
      %swap3A_981 = arith.constant 112 : index
      %swap3A_982 = tpu.vector_load %arg7[%swap3A_981] {strides = array<i32>} : memref<160xi32, #tpu.memory_space<vmem>>, vector<16xi32>,
      %swap3A_983 = vector.shape_cast %swap3A_982 : vector<16xi32> to vector<16xi32>
      %swap3A_984 = vector.shape_cast %select_n3A_980 : vector<16xi32> to vector<16xi32>
      tpu.vector_store %arg7[%swap3A_981], %swap3A_984 {strides = array<i32>} : memref<160xi32, #tpu.memory_space<vmem>>, vector<16xi32>,
      %get3A_985 = arith.constant 128 : index
      %get3A_986 = tpu.vector_load %arg7[%get3A_985] {strides = array<i32>} : memref<160xi32, #tpu.memory_space<vmem>>, vector<16xi32>,
      %get3A_987 = vector.shape_cast %get3A_986 : vector<16xi32> to vector<16xi32>
      %get3A_988 = arith.constant 128 : index
      %get3A_989 = tpu.vector_load %arg10[%get3A_988] {strides = array<i32>} : memref<160xi32, #tpu.memory_space<vmem>>, vector<16xi32>,
      %get3A_990 = vector.shape_cast %get3A_989 : vector<16xi32> to vector<16xi32>
      %ne3A_991 = arith.constant 0 : i32
      %ne3A_992 = vector.broadcast %ne3A_991 : i32 to vector<16xi32>
      %ne3A_993 = arith.cmpi ne, %get3A_990, %ne3A_992 : vector<16xi32>
      %min3A_994 = arith.constant 5000 : i32
      %min3A_995 = vector.broadcast %min3A_994 : i32 to vector<16xi32>
      %min3A_996 = arith.minsi %get3A_987, %min3A_995 : vector<16xi32>
      %jit3A_997 = arith.constant 5000 : i32
      %broadcast_in_dim3A_998 = vector.broadcast %jit3A_997 : i32 to vector<16xi32>
      %select_n3A_999 = arith.select %ne3A_993, %broadcast_in_dim3A_998, %min3A_996 : vector<16xi1>, vector<16xi32>
      %swap3A_1000 = arith.constant 128 : index
      %swap3A_1001 = tpu.vector_load %arg7[%swap3A_1000] {strides = array<i32>} : memref<160xi32, #tpu.memory_space<vmem>>, vector<16xi32>,
      %swap3A_1002 = vector.shape_cast %swap3A_1001 : vector<16xi32> to vector<16xi32>
      %swap3A_1003 = vector.shape_cast %select_n3A_999 : vector<16xi32> to vector<16xi32>
      tpu.vector_store %arg7[%swap3A_1000], %swap3A_1003 {strides = array<i32>} : memref<160xi32, #tpu.memory_space<vmem>>, vector<16xi32>,
      %get3A_1004 = arith.constant 144 : index
      %get3A_1005 = tpu.vector_load %arg7[%get3A_1004] {strides = array<i32>} : memref<160xi32, #tpu.memory_space<vmem>>, vector<16xi32>,
      %get3A_1006 = vector.shape_cast %get3A_1005 : vector<16xi32> to vector<16xi32>
      %get3A_1007 = arith.constant 144 : index
      %get3A_1008 = tpu.vector_load %arg10[%get3A_1007] {strides = array<i32>} : memref<160xi32, #tpu.memory_space<vmem>>, vector<16xi32>,
      %get3A_1009 = vector.shape_cast %get3A_1008 : vector<16xi32> to vector<16xi32>
      %ne3A_1010 = arith.constant 0 : i32
      %ne3A_1011 = vector.broadcast %ne3A_1010 : i32 to vector<16xi32>
      %ne3A_1012 = arith.cmpi ne, %get3A_1009, %ne3A_1011 : vector<16xi32>
      %min3A_1013 = arith.constant 5000 : i32
      %min3A_1014 = vector.broadcast %min3A_1013 : i32 to vector<16xi32>
      %min3A_1015 = arith.minsi %get3A_1006, %min3A_1014 : vector<16xi32>
      %jit3A_1016 = arith.constant 5000 : i32
      %broadcast_in_dim3A_1017 = vector.broadcast %jit3A_1016 : i32 to vector<16xi32>
      %select_n3A_1018 = arith.select %ne3A_1012, %broadcast_in_dim3A_1017, %min3A_1015 : vector<16xi1>, vector<16xi32>
      %swap3A_1019 = arith.constant 144 : index
      %swap3A_1020 = tpu.vector_load %arg7[%swap3A_1019] {strides = array<i32>} : memref<160xi32, #tpu.memory_space<vmem>>, vector<16xi32>,
      %swap3A_1021 = vector.shape_cast %swap3A_1020 : vector<16xi32> to vector<16xi32>
      %swap3A_1022 = vector.shape_cast %select_n3A_1018 : vector<16xi32> to vector<16xi32>
      tpu.vector_store %arg7[%swap3A_1019], %swap3A_1022 {strides = array<i32>} : memref<160xi32, #tpu.memory_space<vmem>>, vector<16xi32>,
      %parallel_loop3A_1023 = arith.constant 0 : i32
      %parallel_loop3A_1024 = arith.constant 160 : i32
      %parallel_loop3A_1025 = arith.constant 1 : i32
      scf.for %parallel_loop3A_1065 = %parallel_loop3A_1023 to %parallel_loop3A_1024 step %parallel_loop3A_1025  : i32 {
        %parallel_loop3A_1066 = arith.index_cast %parallel_loop3A_1065 : i32 to index
        %parallel_loop3A_1067 = arith.constant 0 : index
        %parallel_loop3A_1068 = tpu.vector_load %arg13[%parallel_loop3A_1066, %parallel_loop3A_1067] {strides = array<i32>} : memref<160x128xf32, #tpu.memory_space<vmem>>, vector<1x16xf32>,
        %parallel_loop3A_1069 = vector.shape_cast %parallel_loop3A_1068 : vector<1x16xf32> to vector<16xf32>
        %parallel_loop3A_1070 = arith.constant 11.3137083 : f32
        %parallel_loop3A_1071 = vector.broadcast %parallel_loop3A_1070 : f32 to vector<16xf32>
        %parallel_loop3A_1072 = arith.mulf %parallel_loop3A_1071, %parallel_loop3A_1069 : vector<16xf32>
        %parallel_loop3A_1073 = arith.index_cast %parallel_loop3A_1065 : i32 to index
        %parallel_loop3A_1074 = arith.constant 0 : index
        %parallel_loop3A_1075 = tpu.vector_load %arg13[%parallel_loop3A_1073, %parallel_loop3A_1074] {strides = array<i32>} : memref<160x128xf32, #tpu.memory_space<vmem>>, vector<1x16xf32>,
        %parallel_loop3A_1076 = vector.shape_cast %parallel_loop3A_1075 : vector<1x16xf32> to vector<16xf32>
        %parallel_loop3A_1077 = vector.shape_cast %parallel_loop3A_1072 : vector<16xf32> to vector<1x16xf32>
        tpu.vector_store %arg13[%parallel_loop3A_1073, %parallel_loop3A_1074], %parallel_loop3A_1077 {strides = array<i32>} : memref<160x128xf32, #tpu.memory_space<vmem>>, vector<1x16xf32>,
        %parallel_loop3A_1078 = arith.index_cast %parallel_loop3A_1065 : i32 to index
        %parallel_loop3A_1079 = arith.constant 16 : index
        %parallel_loop3A_1080 = tpu.vector_load %arg13[%parallel_loop3A_1078, %parallel_loop3A_1079] {strides = array<i32>} : memref<160x128xf32, #tpu.memory_space<vmem>>, vector<1x16xf32>,
        %parallel_loop3A_1081 = vector.shape_cast %parallel_loop3A_1080 : vector<1x16xf32> to vector<16xf32>
        %parallel_loop3A_1082 = arith.constant 11.3137083 : f32
        %parallel_loop3A_1083 = vector.broadcast %parallel_loop3A_1082 : f32 to vector<16xf32>
        %parallel_loop3A_1084 = arith.mulf %parallel_loop3A_1083, %parallel_loop3A_1081 : vector<16xf32>
        %parallel_loop3A_1085 = arith.index_cast %parallel_loop3A_1065 : i32 to index
        %parallel_loop3A_1086 = arith.constant 16 : index
        %parallel_loop3A_1087 = tpu.vector_load %arg13[%parallel_loop3A_1085, %parallel_loop3A_1086] {strides = array<i32>} : memref<160x128xf32, #tpu.memory_space<vmem>>, vector<1x16xf32>,
        %parallel_loop3A_1088 = vector.shape_cast %parallel_loop3A_1087 : vector<1x16xf32> to vector<16xf32>
        %parallel_loop3A_1089 = vector.shape_cast %parallel_loop3A_1084 : vector<16xf32> to vector<1x16xf32>
        tpu.vector_store %arg13[%parallel_loop3A_1085, %parallel_loop3A_1086], %parallel_loop3A_1089 {strides = array<i32>} : memref<160x128xf32, #tpu.memory_space<vmem>>, vector<1x16xf32>,
        %parallel_loop3A_1090 = arith.index_cast %parallel_loop3A_1065 : i32 to index
        %parallel_loop3A_1091 = arith.constant 32 : index
        %parallel_loop3A_1092 = tpu.vector_load %arg13[%parallel_loop3A_1090, %parallel_loop3A_1091] {strides = array<i32>} : memref<160x128xf32, #tpu.memory_space<vmem>>, vector<1x16xf32>,
        %parallel_loop3A_1093 = vector.shape_cast %parallel_loop3A_1092 : vector<1x16xf32> to vector<16xf32>
        %parallel_loop3A_1094 = arith.constant 11.3137083 : f32
        %parallel_loop3A_1095 = vector.broadcast %parallel_loop3A_1094 : f32 to vector<16xf32>
        %parallel_loop3A_1096 = arith.mulf %parallel_loop3A_1095, %parallel_loop3A_1093 : vector<16xf32>
        %parallel_loop3A_1097 = arith.index_cast %parallel_loop3A_1065 : i32 to index
        %parallel_loop3A_1098 = arith.constant 32 : index
        %parallel_loop3A_1099 = tpu.vector_load %arg13[%parallel_loop3A_1097, %parallel_loop3A_1098] {strides = array<i32>} : memref<160x128xf32, #tpu.memory_space<vmem>>, vector<1x16xf32>,
        %parallel_loop3A_1100 = vector.shape_cast %parallel_loop3A_1099 : vector<1x16xf32> to vector<16xf32>
        %parallel_loop3A_1101 = vector.shape_cast %parallel_loop3A_1096 : vector<16xf32> to vector<1x16xf32>
        tpu.vector_store %arg13[%parallel_loop3A_1097, %parallel_loop3A_1098], %parallel_loop3A_1101 {strides = array<i32>} : memref<160x128xf32, #tpu.memory_space<vmem>>, vector<1x16xf32>,
        %parallel_loop3A_1102 = arith.index_cast %parallel_loop3A_1065 : i32 to index
        %parallel_loop3A_1103 = arith.constant 48 : index
        %parallel_loop3A_1104 = tpu.vector_load %arg13[%parallel_loop3A_1102, %parallel_loop3A_1103] {strides = array<i32>} : memref<160x128xf32, #tpu.memory_space<vmem>>, vector<1x16xf32>,
        %parallel_loop3A_1105 = vector.shape_cast %parallel_loop3A_1104 : vector<1x16xf32> to vector<16xf32>
        %parallel_loop3A_1106 = arith.constant 11.3137083 : f32
        %parallel_loop3A_1107 = vector.broadcast %parallel_loop3A_1106 : f32 to vector<16xf32>
        %parallel_loop3A_1108 = arith.mulf %parallel_loop3A_1107, %parallel_loop3A_1105 : vector<16xf32>
        %parallel_loop3A_1109 = arith.index_cast %parallel_loop3A_1065 : i32 to index
        %parallel_loop3A_1110 = arith.constant 48 : index
        %parallel_loop3A_1111 = tpu.vector_load %arg13[%parallel_loop3A_1109, %parallel_loop3A_1110] {strides = array<i32>} : memref<160x128xf32, #tpu.memory_space<vmem>>, vector<1x16xf32>,
        %parallel_loop3A_1112 = vector.shape_cast %parallel_loop3A_1111 : vector<1x16xf32> to vector<16xf32>
        %parallel_loop3A_1113 = vector.shape_cast %parallel_loop3A_1108 : vector<16xf32> to vector<1x16xf32>
        tpu.vector_store %arg13[%parallel_loop3A_1109, %parallel_loop3A_1110], %parallel_loop3A_1113 {strides = array<i32>} : memref<160x128xf32, #tpu.memory_space<vmem>>, vector<1x16xf32>,
        %parallel_loop3A_1114 = arith.index_cast %parallel_loop3A_1065 : i32 to index
        %parallel_loop3A_1115 = arith.constant 64 : index
        %parallel_loop3A_1116 = tpu.vector_load %arg13[%parallel_loop3A_1114, %parallel_loop3A_1115] {strides = array<i32>} : memref<160x128xf32, #tpu.memory_space<vmem>>, vector<1x16xf32>,
        %parallel_loop3A_1117 = vector.shape_cast %parallel_loop3A_1116 : vector<1x16xf32> to vector<16xf32>
        %parallel_loop3A_1118 = arith.constant 11.3137083 : f32
        %parallel_loop3A_1119 = vector.broadcast %parallel_loop3A_1118 : f32 to vector<16xf32>
        %parallel_loop3A_1120 = arith.mulf %parallel_loop3A_1119, %parallel_loop3A_1117 : vector<16xf32>
        %parallel_loop3A_1121 = arith.index_cast %parallel_loop3A_1065 : i32 to index
        %parallel_loop3A_1122 = arith.constant 64 : index
        %parallel_loop3A_1123 = tpu.vector_load %arg13[%parallel_loop3A_1121, %parallel_loop3A_1122] {strides = array<i32>} : memref<160x128xf32, #tpu.memory_space<vmem>>, vector<1x16xf32>,
        %parallel_loop3A_1124 = vector.shape_cast %parallel_loop3A_1123 : vector<1x16xf32> to vector<16xf32>
        %parallel_loop3A_1125 = vector.shape_cast %parallel_loop3A_1120 : vector<16xf32> to vector<1x16xf32>
        tpu.vector_store %arg13[%parallel_loop3A_1121, %parallel_loop3A_1122], %parallel_loop3A_1125 {strides = array<i32>} : memref<160x128xf32, #tpu.memory_space<vmem>>, vector<1x16xf32>,
        %parallel_loop3A_1126 = arith.index_cast %parallel_loop3A_1065 : i32 to index
        %parallel_loop3A_1127 = arith.constant 80 : index
        %parallel_loop3A_1128 = tpu.vector_load %arg13[%parallel_loop3A_1126, %parallel_loop3A_1127] {strides = array<i32>} : memref<160x128xf32, #tpu.memory_space<vmem>>, vector<1x16xf32>,
        %parallel_loop3A_1129 = vector.shape_cast %parallel_loop3A_1128 : vector<1x16xf32> to vector<16xf32>
        %parallel_loop3A_1130 = arith.constant 11.3137083 : f32
        %parallel_loop3A_1131 = vector.broadcast %parallel_loop3A_1130 : f32 to vector<16xf32>
        %parallel_loop3A_1132 = arith.mulf %parallel_loop3A_1131, %parallel_loop3A_1129 : vector<16xf32>
        %parallel_loop3A_1133 = arith.index_cast %parallel_loop3A_1065 : i32 to index
        %parallel_loop3A_1134 = arith.constant 80 : index
        %parallel_loop3A_1135 = tpu.vector_load %arg13[%parallel_loop3A_1133, %parallel_loop3A_1134] {strides = array<i32>} : memref<160x128xf32, #tpu.memory_space<vmem>>, vector<1x16xf32>,
        %parallel_loop3A_1136 = vector.shape_cast %parallel_loop3A_1135 : vector<1x16xf32> to vector<16xf32>
        %parallel_loop3A_1137 = vector.shape_cast %parallel_loop3A_1132 : vector<16xf32> to vector<1x16xf32>
        tpu.vector_store %arg13[%parallel_loop3A_1133, %parallel_loop3A_1134], %parallel_loop3A_1137 {strides = array<i32>} : memref<160x128xf32, #tpu.memory_space<vmem>>, vector<1x16xf32>,
        %parallel_loop3A_1138 = arith.index_cast %parallel_loop3A_1065 : i32 to index
        %parallel_loop3A_1139 = arith.constant 96 : index
        %parallel_loop3A_1140 = tpu.vector_load %arg13[%parallel_loop3A_1138, %parallel_loop3A_1139] {strides = array<i32>} : memref<160x128xf32, #tpu.memory_space<vmem>>, vector<1x16xf32>,
        %parallel_loop3A_1141 = vector.shape_cast %parallel_loop3A_1140 : vector<1x16xf32> to vector<16xf32>
        %parallel_loop3A_1142 = arith.constant 11.3137083 : f32
        %parallel_loop3A_1143 = vector.broadcast %parallel_loop3A_1142 : f32 to vector<16xf32>
        %parallel_loop3A_1144 = arith.mulf %parallel_loop3A_1143, %parallel_loop3A_1141 : vector<16xf32>
        %parallel_loop3A_1145 = arith.index_cast %parallel_loop3A_1065 : i32 to index
        %parallel_loop3A_1146 = arith.constant 96 : index
        %parallel_loop3A_1147 = tpu.vector_load %arg13[%parallel_loop3A_1145, %parallel_loop3A_1146] {strides = array<i32>} : memref<160x128xf32, #tpu.memory_space<vmem>>, vector<1x16xf32>,
        %parallel_loop3A_1148 = vector.shape_cast %parallel_loop3A_1147 : vector<1x16xf32> to vector<16xf32>
        %parallel_loop3A_1149 = vector.shape_cast %parallel_loop3A_1144 : vector<16xf32> to vector<1x16xf32>
        tpu.vector_store %arg13[%parallel_loop3A_1145, %parallel_loop3A_1146], %parallel_loop3A_1149 {strides = array<i32>} : memref<160x128xf32, #tpu.memory_space<vmem>>, vector<1x16xf32>,
        %parallel_loop3A_1150 = arith.index_cast %parallel_loop3A_1065 : i32 to index
        %parallel_loop3A_1151 = arith.constant 112 : index
        %parallel_loop3A_1152 = tpu.vector_load %arg13[%parallel_loop3A_1150, %parallel_loop3A_1151] {strides = array<i32>} : memref<160x128xf32, #tpu.memory_space<vmem>>, vector<1x16xf32>,
        %parallel_loop3A_1153 = vector.shape_cast %parallel_loop3A_1152 : vector<1x16xf32> to vector<16xf32>
        %parallel_loop3A_1154 = arith.constant 11.3137083 : f32
        %parallel_loop3A_1155 = vector.broadcast %parallel_loop3A_1154 : f32 to vector<16xf32>
        %parallel_loop3A_1156 = arith.mulf %parallel_loop3A_1155, %parallel_loop3A_1153 : vector<16xf32>
        %parallel_loop3A_1157 = arith.index_cast %parallel_loop3A_1065 : i32 to index
        %parallel_loop3A_1158 = arith.constant 112 : index
        %parallel_loop3A_1159 = tpu.vector_load %arg13[%parallel_loop3A_1157, %parallel_loop3A_1158] {strides = array<i32>} : memref<160x128xf32, #tpu.memory_space<vmem>>, vector<1x16xf32>,
        %parallel_loop3A_1160 = vector.shape_cast %parallel_loop3A_1159 : vector<1x16xf32> to vector<16xf32>
        %parallel_loop3A_1161 = vector.shape_cast %parallel_loop3A_1156 : vector<16xf32> to vector<1x16xf32>
        tpu.vector_store %arg13[%parallel_loop3A_1157, %parallel_loop3A_1158], %parallel_loop3A_1161 {strides = array<i32>} : memref<160x128xf32, #tpu.memory_space<vmem>>, vector<1x16xf32>,
      } {sc.loop_unroll_factor = 4 : i64, sc.parallel_access}
      %dma_start3A_1026 = arith.constant 0 : i32
      %dma_start3A_1027 = arith.constant 0 : i32
      %dma_start3A_1028 = tpu.memref_slice %arg13[%dma_start3A_1026, %dma_start3A_1027] : memref<160x128xf32, #tpu.memory_space<vmem>> -> memref<80x128xf32, #tpu.memory_space<vmem>>
      %dma_start3A_1029 = arith.constant 0 : i32
      %dma_start3A_1030 = tpu.memref_slice %arg7[%dma_start3A_1029] : memref<160xi32, #tpu.memory_space<vmem>> -> memref<80xi32, #tpu.memory_space<vmem>>
      %dma_start3A_1031 = arith.constant 0 : i32
      %dma_start3A_1032 = arith.constant 0 : i32
      %dma_start3A_1033 = tpu.memref_slice %arg16[%dma_start3A_1031, %dma_start3A_1032] : memref<5001x128xf32, #tpu.memory_space<vmem_shared>> -> memref<5001x128xf32, #tpu.memory_space<vmem_shared>>
      tpu.enqueue_indirect_dma source(%dma_start3A_1033 : memref<5001x128xf32, #tpu.memory_space<vmem_shared>>) target(%dma_start3A_1028 : memref<80x128xf32, #tpu.memory_space<vmem>>) offsets(%dma_start3A_1030 : memref<80xi32, #tpu.memory_space<vmem>>) semaphore(%arg20 : memref<!tpu.dma_semaphore, #tpu.memory_space<semaphore_mem>>) {add = true}
      %dma_start3A_1034 = arith.constant 80 : i32
      %dma_start3A_1035 = arith.constant 0 : i32
      %dma_start3A_1036 = tpu.memref_slice %arg13[%dma_start3A_1034, %dma_start3A_1035] : memref<160x128xf32, #tpu.memory_space<vmem>> -> memref<80x128xf32, #tpu.memory_space<vmem>>
      %dma_start3A_1037 = arith.constant 80 : i32
      %dma_start3A_1038 = tpu.memref_slice %arg7[%dma_start3A_1037] : memref<160xi32, #tpu.memory_space<vmem>> -> memref<80xi32, #tpu.memory_space<vmem>>
      %dma_start3A_1039 = arith.constant 0 : i32
      %dma_start3A_1040 = arith.constant 0 : i32
      %dma_start3A_1041 = tpu.memref_slice %arg16[%dma_start3A_1039, %dma_start3A_1040] : memref<5001x128xf32, #tpu.memory_space<vmem_shared>> -> memref<5001x128xf32, #tpu.memory_space<vmem_shared>>
      tpu.enqueue_indirect_dma source(%dma_start3A_1041 : memref<5001x128xf32, #tpu.memory_space<vmem_shared>>) target(%dma_start3A_1036 : memref<80x128xf32, #tpu.memory_space<vmem>>) offsets(%dma_start3A_1038 : memref<80xi32, #tpu.memory_space<vmem>>) semaphore(%arg20 : memref<!tpu.dma_semaphore, #tpu.memory_space<semaphore_mem>>) {add = true}
      %dma_wait3A_1042 = arith.constant 0 : i32
      %dma_wait3A_1043 = arith.constant 0 : i32
      %dma_wait3A_1044 = tpu.memref_slice %arg15[%dma_wait3A_1042, %dma_wait3A_1043] : memref<160x128xf32, #tpu.memory_space<vmem>> -> memref<80x128xf32, #tpu.memory_space<vmem>>
      %dma_wait3A_1045 = arith.constant 0 : i32
      %dma_wait3A_1046 = tpu.memref_slice %arg9[%dma_wait3A_1045] : memref<160xi32, #tpu.memory_space<vmem>> -> memref<80xi32, #tpu.memory_space<vmem>>
      %dma_wait3A_1047 = arith.constant 0 : i32
      %dma_wait3A_1048 = arith.constant 0 : i32
      %dma_wait3A_1049 = tpu.memref_slice %arg16[%dma_wait3A_1047, %dma_wait3A_1048] : memref<5001x128xf32, #tpu.memory_space<vmem_shared>> -> memref<5001x128xf32, #tpu.memory_space<vmem_shared>>
      tpu.wait_indirect_dma semaphore(%arg22 : memref<!tpu.dma_semaphore, #tpu.memory_space<semaphore_mem>>) src(%dma_wait3A_1049 : memref<5001x128xf32, #tpu.memory_space<vmem_shared>>) dst(%dma_wait3A_1044 : memref<80x128xf32, #tpu.memory_space<vmem>>)
      %dma_wait3A_1050 = arith.constant 80 : i32
      %dma_wait3A_1051 = arith.constant 0 : i32
      %dma_wait3A_1052 = tpu.memref_slice %arg15[%dma_wait3A_1050, %dma_wait3A_1051] : memref<160x128xf32, #tpu.memory_space<vmem>> -> memref<80x128xf32, #tpu.memory_space<vmem>>
      %dma_wait3A_1053 = arith.constant 80 : i32
      %dma_wait3A_1054 = tpu.memref_slice %arg9[%dma_wait3A_1053] : memref<160xi32, #tpu.memory_space<vmem>> -> memref<80xi32, #tpu.memory_space<vmem>>
      %dma_wait3A_1055 = arith.constant 0 : i32
      %dma_wait3A_1056 = arith.constant 0 : i32
      %dma_wait3A_1057 = tpu.memref_slice %arg16[%dma_wait3A_1055, %dma_wait3A_1056] : memref<5001x128xf32, #tpu.memory_space<vmem_shared>> -> memref<5001x128xf32, #tpu.memory_space<vmem_shared>>
      tpu.wait_indirect_dma semaphore(%arg22 : memref<!tpu.dma_semaphore, #tpu.memory_space<semaphore_mem>>) src(%dma_wait3A_1057 : memref<5001x128xf32, #tpu.memory_space<vmem_shared>>) dst(%dma_wait3A_1052 : memref<80x128xf32, #tpu.memory_space<vmem>>)
      %mul3A_1058 = arith.constant 160 : i32
      %mul3A_1059 = arith.muli %add3A_806, %mul3A_1058 : i32
      %add3A_1060 = arith.addi %mul3A_2, %mul3A_1059 : i32
      %dma_start3A_1061 = arith.constant 0 : i32
      %dma_start3A_1062 = tpu.memref_slice %arg6[%add3A_1060, %dma_start3A_1061] : memref<819200x128xf32, #tpu.memory_space<hbm>> -> memref<160x128xf32, #tpu.memory_space<hbm>>
      %dma_start3A_1063 = arith.constant 0 : i32
      %dma_start3A_1064 = tpu.memref_slice %arg6[%add3A_1060, %dma_start3A_1063] : memref<819200x128xf32, #tpu.memory_space<hbm>> -> memref<160x128xf32, #tpu.memory_space<hbm>>
      tpu.enqueue_dma source(%arg15 : memref<160x128xf32, #tpu.memory_space<vmem>>) target(%dma_start3A_1064 : memref<160x128xf32, #tpu.memory_space<hbm>>) target_semaphore(%arg25 : memref<!tpu.dma_semaphore, #tpu.memory_space<semaphore_mem>>)
    }
    %scan3A_241 = arith.constant 53 : i32
    %dma_wait3A_242 = arith.constant 0 : i32
    %dma_wait3A_243 = arith.constant 0 : i32
    %dma_wait3A_244 = tpu.memref_slice %arg6[%dma_wait3A_242, %dma_wait3A_243] : memref<819200x128xf32, #tpu.memory_space<hbm>> -> memref<160x128xf32, #tpu.memory_space<hbm>>
    %dma_wait3A_245 = arith.constant 0 : i32
    %dma_wait3A_246 = arith.constant 0 : i32
    %dma_wait3A_247 = tpu.memref_slice %arg6[%dma_wait3A_245, %dma_wait3A_246] : memref<819200x128xf32, #tpu.memory_space<hbm>> -> memref<160x128xf32, #tpu.memory_space<hbm>>
    tpu.wait_dma2 semaphore(%arg25 : memref<!tpu.dma_semaphore, #tpu.memory_space<semaphore_mem>>) src(%arg15 : memref<160x128xf32, #tpu.memory_space<vmem>>) dst(%dma_wait3A_247 : memref<160x128xf32, #tpu.memory_space<hbm>>)
    %dma_wait3A_248 = arith.constant 0 : i32
    %dma_wait3A_249 = arith.constant 0 : i32
    %dma_wait3A_250 = tpu.memref_slice %arg13[%dma_wait3A_248, %dma_wait3A_249] : memref<160x128xf32, #tpu.memory_space<vmem>> -> memref<80x128xf32, #tpu.memory_space<vmem>>
    %dma_wait3A_251 = arith.constant 0 : i32
    %dma_wait3A_252 = tpu.memref_slice %arg7[%dma_wait3A_251] : memref<160xi32, #tpu.memory_space<vmem>> -> memref<80xi32, #tpu.memory_space<vmem>>
    %dma_wait3A_253 = arith.constant 0 : i32
    %dma_wait3A_254 = arith.constant 0 : i32
    %dma_wait3A_255 = tpu.memref_slice %arg16[%dma_wait3A_253, %dma_wait3A_254] : memref<5001x128xf32, #tpu.memory_space<vmem_shared>> -> memref<5001x128xf32, #tpu.memory_space<vmem_shared>>
    tpu.wait_indirect_dma semaphore(%arg20 : memref<!tpu.dma_semaphore, #tpu.memory_space<semaphore_mem>>) src(%dma_wait3A_255 : memref<5001x128xf32, #tpu.memory_space<vmem_shared>>) dst(%dma_wait3A_250 : memref<80x128xf32, #tpu.memory_space<vmem>>)
    %dma_wait3A_256 = arith.constant 80 : i32
    %dma_wait3A_257 = arith.constant 0 : i32
    %dma_wait3A_258 = tpu.memref_slice %arg13[%dma_wait3A_256, %dma_wait3A_257] : memref<160x128xf32, #tpu.memory_space<vmem>> -> memref<80x128xf32, #tpu.memory_space<vmem>>
    %dma_wait3A_259 = arith.constant 80 : i32
    %dma_wait3A_260 = tpu.memref_slice %arg7[%dma_wait3A_259] : memref<160xi32, #tpu.memory_space<vmem>> -> memref<80xi32, #tpu.memory_space<vmem>>
    %dma_wait3A_261 = arith.constant 0 : i32
    %dma_wait3A_262 = arith.constant 0 : i32
    %dma_wait3A_263 = tpu.memref_slice %arg16[%dma_wait3A_261, %dma_wait3A_262] : memref<5001x128xf32, #tpu.memory_space<vmem_shared>> -> memref<5001x128xf32, #tpu.memory_space<vmem_shared>>
    tpu.wait_indirect_dma semaphore(%arg20 : memref<!tpu.dma_semaphore, #tpu.memory_space<semaphore_mem>>) src(%dma_wait3A_263 : memref<5001x128xf32, #tpu.memory_space<vmem_shared>>) dst(%dma_wait3A_258 : memref<80x128xf32, #tpu.memory_space<vmem>>)
    %add3A_264 = arith.constant 25440 : i32
    %add3A_265 = arith.addi %mul3A_2, %add3A_264 : i32
    %dma_start3A_266 = arith.constant 0 : i32
    %dma_start3A_267 = tpu.memref_slice %arg6[%add3A_265, %dma_start3A_266] : memref<819200x128xf32, #tpu.memory_space<hbm>> -> memref<160x128xf32, #tpu.memory_space<hbm>>
    %dma_start3A_268 = arith.constant 0 : i32
    %dma_start3A_269 = tpu.memref_slice %arg6[%add3A_265, %dma_start3A_268] : memref<819200x128xf32, #tpu.memory_space<hbm>> -> memref<160x128xf32, #tpu.memory_space<hbm>>
    tpu.enqueue_dma source(%arg13 : memref<160x128xf32, #tpu.memory_space<vmem>>) target(%dma_start3A_269 : memref<160x128xf32, #tpu.memory_space<hbm>>) target_semaphore(%arg23 : memref<!tpu.dma_semaphore, #tpu.memory_space<semaphore_mem>>)
    %dma_wait3A_270 = arith.constant 0 : i32
    %dma_wait3A_271 = arith.constant 0 : i32
    %dma_wait3A_272 = tpu.memref_slice %arg6[%dma_wait3A_270, %dma_wait3A_271] : memref<819200x128xf32, #tpu.memory_space<hbm>> -> memref<160x128xf32, #tpu.memory_space<hbm>>
    %dma_wait3A_273 = arith.constant 0 : i32
    %dma_wait3A_274 = arith.constant 0 : i32
    %dma_wait3A_275 = tpu.memref_slice %arg6[%dma_wait3A_273, %dma_wait3A_274] : memref<819200x128xf32, #tpu.memory_space<hbm>> -> memref<160x128xf32, #tpu.memory_space<hbm>>
    tpu.wait_dma2 semaphore(%arg23 : memref<!tpu.dma_semaphore, #tpu.memory_space<semaphore_mem>>) src(%arg13 : memref<160x128xf32, #tpu.memory_space<vmem>>) dst(%dma_wait3A_275 : memref<160x128xf32, #tpu.memory_space<hbm>>)
    return
  }
}

</mosaic_0001>

<sc_bundles>
// kernel: kernel.3.cloned.1.call-start
scs
__scs_entry_jumppad:
0x0: {  	(pc) =	sbr.rel $0x88, $3  }
0x1: {  	(tag) =	ssettag $0x0;
	lr =	simm.s32 $0x1  }
0x2: {  	[smem:$0x3F9D] =	sst lr;
	_ =	strace $0xD0000000  }
0x3: {  	_ = 	snop  }
0x4: {  	_ = 	snop  }
0x5: {  	_ = 	snop  }
0x6: {  	_ = 	snop  }
0x7: {  	_ = 	snop  }
__scs_overlays_trampoline_lowered:
0x8: {  	[smem:$0x3FAC] =	sst s0  }
0x9: {  	[smem:$0x3FAD] =	sst s1  }
0xa: {  	[smem:$0x3FAE] =	sst s2  }
0xb: {  	[smem:$0x3FAF] =	sst s3  }
0xc: {  	[smem:$0x3FB0] =	sst s4  }
0xd: {  	[smem:$0x3FB1] =	sst s5  }
0xe: {  	[smem:$0x3FB2] =	sst s6  }
0xf: {  	[smem:$0x3FB3] =	sst s7  }
0x10: {  	[smem:$0x3FB4] =	sst s8  }
0x11: {  	[smem:$0x3FB5] =	sst s9;
	s0 =	simm.s32 @!p0 $0x0  }
0x12: {  	s1 =	sld [smem:$0x3F9B];
	s0 =	simm.s32 @p0 $0x1  }
0x13: {  	[smem:$0x3FB6] =	sst s0;
	s0 =	simm.s32 @!p1 $0x0  }
0x14: {  	s2 =	sld [smem:$0x3F9A];
	s0 =	simm.s32 @p1 $0x1  }
0x15: {  	[smem:$0x3FB7] =	sst s0;
	s0 =	simm.s32 @!p2 $0x0  }
0x16: {  	s3 =	sld [smem:$0x3FDB];
	s0 =	simm.s32 @p2 $0x1  }
0x17: {  	s4 =	simm.s32 $0x1BF5;
	[smem:$0x3FB9] =	sst s0  }
0x18: {  	s0 =	sld [smem:$0x3F9C];
	_ =	swait.ge [sflag:s4], $0x0  }
0x19: {  	s7 =	sld [smem:$0x3F9D]  }
0x1a: {  	s8 =	sadd.s32 $0xFFFFE003, lr  }
0x1b: {  	s9 =	sadd.s32 $0xFFFFFEF7, lr;
	s5 =	simm.s32 $0xFFFFFFFF;
	p2 =	slt.u32 s8, $0xFFFFF086  }
0x1c: {  	p1 =	slt.u32 s9, $0xF7A;
	s5 =	simm.s32 @!p2 $0x0  }
0x1d: {  	s5 =	simm.s32 @p1 $0x1;
	p0 =	seq.s32 s7, s2  }
0x1e: {  	s7 =	smul.u32 @!p0 $0xF7A, s2;
	p2 =	seq.s32 @!p0 s5, $0x0  }
0x1f: {  	s9 =	smul.u32 $0xF7A, s1;
	s8 =	simm.s32 @!p0 $0x1BF5;
	p2 =	por !p2, p0  }
0x20: {  	[sflag:s8] =	ssyncset.s32 @!p0 $0xFFFFF086;
	s6 =	sadd.s32 @!p0 s3, s7;
	s7 =	simm.s32 @!p0 $0x108  }
0x21: {  	s3 =	sadd.s32 s3, s9;
	s6 =	sadd.s32 @!p0 $0x88, s6;
	s7 =	simm.s32 @p2 $0x1082  }
0x22: {  	[simem:s7], [sflag:s8] =	dma.local @!p0 [hbm:s6], $0xF7A  }
0x23: {  	s9 =	sor.u32 $0xD0000000, s2;
	s6 =	simm.s32 $0x108;
	_ =	swait.ge @!p0 [sflag:s8], $0x0  }
0x24: {  	s3 =	sadd.s32 $0x88, s3;
	s6 =	simm.s32 @!p1 $0x1082;
	[sflag:s4] =	ssyncset.s32 $0xFFFFF086  }
0x25: {  	[simem:s6], [sflag:s4] =	dma.local [hbm:s3], $0xF7A  }
0x26: {  	[smem:$0x3F9D] =	sst s1;
	(tag) =	ssettag s2;
	_ =	strace s9  }
0x27: {  	s1 =	sld [smem:$0x3FAD]  }
0x28: {  	s2 =	sld [smem:$0x3FAE]  }
0x29: {  	s4 =	sld [smem:$0x3FB0]  }
0x2a: {  	p0 =	seq.s32 s5, $0x0;
	s5 =	sld [smem:$0x3FB1]  }
0x2b: {  	s6 =	sld [smem:$0x3FB2]  }
0x2c: {  	s7 =	sld [smem:$0x3FB3]  }
0x2d: {  	s3 =	simm.s32 $0x108;
	s8 =	sld [smem:$0x3FB4]  }
0x2e: {  	s3 =	simm.s32 @!p0 $0x1082;
	s9 =	sld [smem:$0x3FB5]  }
0x2f: {  	lr =	sadd.s32 s0, s3;
	s0 =	sld [smem:$0x3FAC]  }
0x30: {  	s3 =	sld [smem:$0x3FAF]  }
0x31: {  	[smem:$0x3FB8] =	sst s10  }
0x32: {  	s10 =	sld [smem:$0x3FB6];
	_ =	sdelay $0x3  }
0x33: {  	p0 =	seq.s32 s10, $0x1;
	s10 =	sld [smem:$0x3FB8];
	_ =	sdelay $0x3  }
0x34: {  	[smem:$0x3FB8] =	sst s10  }
0x35: {  	s10 =	sld [smem:$0x3FB7];
	_ =	sdelay $0x3  }
0x36: {  	p1 =	seq.s32 s10, $0x1;
	s10 =	sld [smem:$0x3FB8];
	_ =	sdelay $0x3  }
0x37: {  	[smem:$0x3FB8] =	sst s10  }
0x38: {  	s10 =	sld [smem:$0x3FB9]  }
0x39: {  	_ = 	snop;
	(pc) =	sbr.ind lr, $3  }
0x3a: {  	_ = 	snop  }
0x3b: {  	_ = 	snop  }
0x3c: {  	p2 =	seq.s32 s10, $0x1;
	s10 =	sld [smem:$0x3FB8]  }
0x3d: {  	_ =	shalt  }
0x3e: {  	_ =	shalt  }
0x3f: {  	_ =	shalt  }
0x40: {  	_ =	shalt  }
0x41: {  	_ =	shalt  }
0x42: {  	_ =	shalt  }
0x43: {  	_ =	shalt  }
0x44: {  	_ =	shalt  }
0x45: {  	_ =	shalt  }
0x46: {  	_ =	shalt  }
0x47: {  	_ =	shalt  }
0x48: {  	_ =	shalt  }
0x49: {  	_ =	shalt  }
0x4a: {  	_ =	shalt  }
0x4b: {  	_ =	shalt  }
0x4c: {  	_ =	shalt  }
0x4d: {  	_ =	shalt  }
0x4e: {  	_ =	shalt  }
0x4f: {  	_ =	shalt  }
0x50: {  	_ =	shalt  }
0x51: {  	_ =	shalt  }
0x52: {  	_ =	shalt  }
0x53: {  	_ =	shalt  }
0x54: {  	_ =	shalt  }
0x55: {  	_ =	shalt  }
0x56: {  	_ =	shalt  }
0x57: {  	_ =	shalt  }
0x58: {  	_ =	shalt  }
0x59: {  	_ =	shalt  }
0x5a: {  	_ =	shalt  }
0x5b: {  	_ =	shalt  }
0x5c: {  	_ =	shalt  }
0x5d: {  	_ =	shalt  }
0x5e: {  	_ =	shalt  }
0x5f: {  	_ =	shalt  }
0x60: {  	_ =	shalt  }
0x61: {  	_ =	shalt  }
0x62: {  	_ =	shalt  }
0x63: {  	_ =	shalt  }
0x64: {  	_ =	shalt  }
0x65: {  	_ =	shalt  }
0x66: {  	_ =	shalt  }
0x67: {  	_ =	shalt  }
0x68: {  	_ =	shalt  }
0x69: {  	_ =	shalt  }
0x6a: {  	_ =	shalt  }
0x6b: {  	_ =	shalt  }
0x6c: {  	_ =	shalt  }
0x6d: {  	_ =	shalt  }
0x6e: {  	_ =	shalt  }
0x6f: {  	_ =	shalt  }
0x70: {  	_ =	shalt  }
0x71: {  	_ =	shalt  }
0x72: {  	_ =	shalt  }
0x73: {  	_ =	shalt  }
0x74: {  	_ =	shalt  }
0x75: {  	_ =	shalt  }
0x76: {  	_ =	shalt  }
0x77: {  	_ =	shalt  }
0x78: {  	_ =	shalt  }
0x79: {  	_ =	shalt  }
0x7a: {  	_ =	shalt  }
0x7b: {  	_ =	shalt  }
0x7c: {  	_ =	shalt  }
0x7d: {  	_ =	shalt  }
0x7e: {  	_ =	shalt  }
0x7f: {  	_ =	shalt  }
0x80: {  	_ =	shalt  }
0x81: {  	_ =	shalt  }
0x82: {  	_ =	shalt  }
0x83: {  	_ =	shalt  }
0x84: {  	_ =	shalt  }
0x85: {  	_ =	shalt  }
0x86: {  	_ =	shalt  }
0x87: {  	_ =	shalt  }
.Lfunc_end0:
.L_simem_size_0:
called_computation_lowered:
.L_overlay_start_0:
0x88: {  	s2 =	sld [smem:$0x3FD9]  }
0x89: {  	s3 =	sld [smem:$0x3FFE];
	_ =	sdelay $0x1  }
0x8a: {  	s1 =	srdreg.scid  }
0x8b: {  	s0 =	sand.u32 $0x1, s1  }
0x8c: {  	s17 =	sshll.u32 s0, $0xA;
	s2 =	sadd.s32 s3, s2  }
0x8d: {  	s2 =	sadd.s32 s2, s17  }
0x8e: {  	[smem:$0x3FC4] =	sst s2  }
0x8f: {  	_ = 	snop  }
0x90: {  	s2 =	sld [smem:$0x3FC9]  }
0x91: {  	s18 =	sld [smem:$0x3FC6]  }
0x92: {  	s4 =	sld [smem:$0x3FD0];
	(tm) =	ssettm $0x1  }
0x93: {  	s5 =	sld [smem:$0x3FFB];
	_ =	sdelay $0x3  }
0x94: {  	_ =	strace s5  }
0x95: {  	s5 =	sld [smem:$0x3FFC];
	_ =	sdelay $0x3  }
0x96: {  	_ =	strace s5  }
0x97: {  	s5 =	sld [smem:$0x3FFD];
	_ =	sdelay $0x3  }
0x98: {  	_ =	strace s5  }
0x99: {  	_ =	strace $0x8FFFFFFF  }
0x9a: {  	s19 =	sld [smem:$0x3FDB];
	_ =	sdelay $0x1  }
0x9b: {  	s6 =	simm.s32 $_scs_section_size  }
0x9c: {  	s7 =	simm.s32 $_size__tile_overlayer_lowered;
	s8 =	simm.s32 $_tile_overlayer_lowered  }
0x9d: {  	s22 =	simm.s32 $0x1BFF;
	s21 =	sshll.u32 s8, $0x1;
	s5 =	sadd.s32 s6, s19  }
0x9e: {  	s9 =	simm.s32 $0x0;
	s20 =	sshll.u32 s7, $0x1;
	s7 =	sadd.s32 s21, s5  }
0x9f: {  	[timem:s9], [sflag:s22] =	dma.local [hbm:s7], s20  }
0xa0: {  	_ =	swait.ge [sflag:s22], s20  }
0xa1: {  	s6 =	ssub.s32 $0x0, s20;
	[sflag:s22] =	ssyncset.done $0x0  }
0xa2: {  	[sflag:s22] =	ssyncadd.s32 s6;
	_ =	sdelay $0x1  }
0xa3: {  	s23 =	simm.s32 $0x1B8B  }
0xa4: {  	_ =	swait.ge [sflag:s23], $0x1  }
0xa5: {  	[sflag:s23] =	ssyncset.done $0x0  }
0xa6: {  	s25 =	simm.s32 $0x1B8E;
	s24 =	sld [smem:$0x3FFE];
	[sflag:s23] =	ssyncadd.s32 $0xFFFFFFFF  }
0xa7: {  	s26 =	simm.s32 $execute0_lowered;
	[smem:$0x3FD2] =	sst s25  }
0xa8: {  	s7 =	sshll.u32 s26, $0x1;
	_ =	strace $0x80000046;
	[dreg:$0x1] =	wrdreg $0xFFFFFFFF  }
0xa9: {  	s28 =	simm.s32 $_size_execute0_lowered;
	s5 =	sadd.s32 s5, s7;
	[dreg:$0x0] =	wrdreg $0x0  }
0xaa: {  	s7 =	sshll.u32 s28, $0x1;
	[dreg:$0x2] =	wrdreg s5  }
0xab: {  	[dreg:$0x3] =	wrdreg s7  }
0xac: {  	[dreg:$0x4] =	wrdreg $0xC0  }
0xad: {  	_ =	task [dreg:s9], $0x5FFFF  }
0xae: {  	[dreg:$0x1] =	wrdreg $0xFFFFFFFF  }
0xaf: {  	[dreg:$0x0] =	wrdreg $0x60  }
0xb0: {  	[dreg:$0x2] =	wrdreg s2  }
0xb1: {  	[dreg:$0x3] =	wrdreg s24  }
0xb2: {  	[dreg:$0x4] =	wrdreg s18  }
0xb3: {  	[dreg:$0x5] =	wrdreg s4  }
0xb4: {  	[dreg:$0x6] =	wrdreg $0xF6000  }
0xb5: {  	[dreg:$0x7] =	wrdreg $0x9  }
0xb6: {  	_ =	task.clear_ibuf [dreg:s9], $0x8FFFF;
	_ =	strace $0x90000046  }
0xb7: {  	s29 =	simm.s32 $0x9;
	_ =	strace $0x80000048  }
0xb8: {  	_ =	swait.ge [sflag:s29], $0x1  }
0xb9: {  	[sflag:s29] =	ssyncadd.s32 $0xFFFFFFFF  }
0xba: {  	_ =	strace $0x90000048  }
0xbb: {  	_ =	sfence  }
0xbc: {  	s30 =	sld [smem:$0x0];
	_ =	sdelay $0x2  }
0xbd: {  	s31 =	sshll.u32 s1, $0xD;
	s1 =	sshrl.u32 s1, $0x2  }
0xbe: {  	s3 =	sand.u32 $0x4000, s31;
	s1 =	sadd.s32 s1, s30  }
0xbf: {  	s0 =	sor.u32 s3, s0;
	s1 =	sshll.u32 s1, $0x11  }
0xc0: {  	s0 =	sor.u32 s1, s0  }
0xc1: {  	s0 =	sadd.s32 $0x8F2B, s0  }
0xc2: {  	[sflag:s0] =	ssyncadd.remote.s32 $0x1  }
0xc3: {  	_ =	sfence.sel $0xFFFF  }
0xc4: {  	[dreg:$0x0] =	wrdreg $0xFFFFFFFF;
	(pc) =	sbr.abs _section_cstart, $3  }
0xc5: {  	[dreg:$0x1] =	wrdreg $0xFFFFFFFF  }
0xc6: {  	_ =	task.clear_ibuf [dreg:s9], $0x2FFFF;
	_ =	strace $0x9FFFFFFF  }
0xc7: {  	(tm) =	ssettm $0x7FFFFFFF  }
tec
execute0_lowered:
.L_overlay_start_1:
0x0: {  	(tag) =	ssettag $0x1  }
0x1: {  	s0 =	rddreg [dreg:$0x0]  }
0x2: {  	s1 =	rddreg [dreg:$0x1]  }
0x3: {  	s2 =	rddreg [dreg:$0x3]  }
0x4: {  	s3 =	srdreg.scid;
	s9 =	stileid.u32  }
0x5: {  	s4 =	rddreg [dreg:$0x4];
	s5 =	simm.s32 $0x0;
	s30 =	simm.s32 $0x5600  }
0x6: {  	s31 =	simm.s32 $0x200;
	s29 =	simm.s32 $0x2;
	s14 =	simm.s32 $0x3  }
0x7: {  	s3 =	sand.u32 $0x1, s3;
	s6 =	sshll.u32 s9, $0x1;
	[smem:$0x7FF] =	sst s5  }
0x8: {  	s7 =	sadd.s32 $0x19600, s1;
	s8 =	sadd.s32 $0x600, s1;
	s10 =	sor.u32 s3, s6  }
0x9: {  	p0 =	sne.s32 s9, $0x0;
	s3 =	ssub.s32 $0x2, s3;
	s6 =	smul.u32 $0x6400, s10  }
0xa: {  	_ =	strace $0x80000047;
	s11 =	sshrl.u32 s3, $0x1;
	s13 =	smul.u32 $0x64000, s10  }
0xb: {  	s10 =	smul.u32 $0x320000, s10;
	s19 =	ssub.s32 s3, s11;
	s11 =	simm.s32 $0x4  }
0xc: {  	s12 =	sshrl.u32 s6, $0x3;
	s22 =	sadd.s32 s0, s13;
	s16 =	sor.u32 $0x140, s6  }
0xd: {  	s17 =	sor.u32 $0x1E0, s6;
	s28 =	sshrl.u32 s10, $0x3;
	s18 =	sor.u32 $0x280, s6  }
0xe: {  	s1 =	smax.u32 s19, $0x1;
	s13 =	simm.s32 $0x7;
	[dreg:$0x8] =	wrdreg s22  }
0xf: {  	s10 =	simm.s32 $0x0;
	s20 =	sadd.s32 s7, s12;
	[dreg:$0xd] =	wrdreg s1  }
0x10: {  	s21 =	sadd.s32 s8, s12;
	s12 =	sor.u32 $0xA0, s6;
	[dreg:$0x6] =	wrdreg s20  }
0x11: {  	s1 =	sshrl.u32 @!p0 s4, $0x3;
	[dreg:$0x7] =	wrdreg s21;
	s23 =	sshrl.u32 s12, $0x3  }
0x12: {  	s24 =	sshll.u32 s12, $0x4;
	[dreg:$0xe] =	wrdreg s1;
	s1 =	simm.s32 $0xA600  }
0x13: {  	s20 =	simm.s32 $0x5;
	s21 =	simm.s32 $0x8;
	s25 =	sadd.s32 s7, s23  }
0x14: {  	s3 =	sadd.s32 s8, s23;
	s26 =	sadd.s32 s0, s24;
	[dreg:$0x9] =	wrdreg s25  }
0x15: {  	s23 =	simm.s32 $0x600;
	[dreg:$0xa] =	wrdreg s3;
	s3 =	sadd.s32 s2, s28  }
0x16: {  	s24 =	simm.s32 $0x1;
	[dreg:$0xb] =	wrdreg s26;
	s3 =	sadd.s32 $0x63600, s3  }
0x17: {  	s25 =	simm.s32 $0x50;
	[dreg:$0xc] =	wrdreg s3;
	s3 =	simm.s32 $0x6  }
.LBB2_1:
0x18: {  	[dreg:$0xf] =	wrdreg s10  }
0x19: {  	s10 =	rddreg [dreg:$0x2]  }
0x1a: {  	s9 =	simm.s32 @!p0 $0x1C0A;
	s15 =	rddreg [dreg:$0xe]  }
0x1b: {  	[spmem:s15], [sflag:s9] =	dma.local @!p0 [hbm:s10], $0x13890  }
0x1c: {  	s9 =	simm.s32 @!p0 $0xA  }
0x1d: {  	_ =	swait.ge @!p0 [sflag:s9], $0x13890  }
0x1e: {  	[sflag:s9] =	ssyncset.done @!p0 $0x0  }
0x1f: {  	[sflag:s9] =	ssyncadd.s32 @!p0 $0xFFFEC770  }
0x20: {  	[bflag:$0x0] =	sbarrier.arrive $0xFFFF  }
0x21: {  	s19 =	rddreg [dreg:$0x6]  }
0x22: {  	[tilespmem:s5], [sflag:$0x1] =	stream.linear.gather [hbm4b:s19+s5], $0xA0, $0x38;
	[tilespmem:$0x19248] =	vst v63  }
0x23: {  	s26 =	simm.s32 $0x300;
	s22 =	rddreg [dreg:$0x7]  }
0x24: {  	[tilespmem:s26], [sflag:$0x1] =	stream.linear.gather [hbm4b:s22+s5], $0xA0, $0x38;
	[tilespmem:$0x19248] =	vst v63  }
0x25: {  	s28 =	rddreg [dreg:$0x8]  }
0x26: {  	[tilespmem:s23], [sflag:$0x1] =	stream.linear.gather [hbm4b:s28+s5], $0x5000, $0x38;
	[tilespmem:$0x19248] =	vst v63  }
0x27: {  	_ =	swait.ge [sflag:s24], $0xA0  }
0x28: {  	[sflag:s24] =	ssyncset.done $0x0  }
0x29: {  	[sflag:s24] =	ssyncadd.s32 $0xFFFFFF60  }
0x2a: {  	_ =	swait.ge [sflag:s24], $0xA0  }
0x2b: {  	[sflag:s24] =	ssyncset.done $0x0  }
0x2c: {  	[sflag:s24] =	ssyncadd.s32 $0xFFFFFF60  }
0x2d: {  	_ =	swait.ge [sflag:s24], $0x5000  }
0x2e: {  	[sflag:s24] =	ssyncset.done $0x0  }
0x2f: {  	[sflag:s24] =	ssyncadd.s32 $0xFFFFB000  }
0x30: {  	v0 =	vld [tilespmem:$0x0]  }
0x31: {  	v1 =	vld [tilespmem:$0x300]  }
0x32: {  	v2 =	vld [tilespmem:$0x10]  }
0x33: {  	v3 =	vld [tilespmem:$0x310]  }
0x34: {  	v4 =	vld [tilespmem:$0x20]  }
0x35: {  	v5 =	vld [tilespmem:$0x320]  }
0x36: {  	v6 =	vld [tilespmem:$0x30]  }
0x37: {  	v7 =	vld [tilespmem:$0x330]  }
0x38: {  	v8 =	vld [tilespmem:$0x40]  }
0x39: {  	v9 =	vld [tilespmem:$0x340]  }
0x3a: {  	v10 =	vld [tilespmem:$0x50]  }
0x3b: {  	v11 =	vld [tilespmem:$0x350]  }
0x3c: {  	v12 =	vld [tilespmem:$0x60];
	vm0 =	vlt.s32 v0, $0x1388;
	vm10 =	vlt.s32 v2, $0x1388;
	vm1 =	veq.s32 v1, $0x0  }
0x3d: {  	v13 =	vld [tilespmem:$0x80];
	vm11 =	veq.s32 v3, $0x0;
	vm12 =	vlt.s32 v4, $0x1388;
	vm13 =	veq.s32 v5, $0x0  }
0x3e: {  	v3 =	vld [tilespmem:$0x70];
	vm14 =	vlt.s32 v6, $0x1388;
	vm15 =	vlt.s32 v8, $0x1388;
	vm4 =	veq.s32 v7, $0x0  }
0x3f: {  	v5 =	vld [tilespmem:$0x370];
	vm5 =	veq.s32 v9, $0x0;
	vm6 =	vlt.s32 v10, $0x1388;
	v0 =	vnsel vm0, $0x1388, v0  }
0x40: {  	vm7 =	veq.s32 v11, $0x0;
	v1 =	vnsel vm10, $0x1388, v2;
	v2 =	vld [tilespmem:$0x360];
	v0 =	vnsel vm1, $0x1388, v0  }
0x41: {  	v7 =	vld [tilespmem:$0x380];
	v4 =	vnsel vm12, $0x1388, v4;
	v6 =	vnsel vm14, $0x1388, v6;
	v1 =	vnsel vm11, $0x1388, v1;
	[tilespmem:$0x0] =	vst v0  }
0x42: {  	vm8 =	vlt.s32 v12, $0x1388;
	v4 =	vnsel vm13, $0x1388, v4;
	[tilespmem:$0x10] =	vst v1;
	v1 =	vnsel vm4, $0x1388, v6;
	v6 =	vld [tilespmem:$0x90]  }
0x43: {  	vm12 =	vlt.s32 v13, $0x1388;
	v0 =	vnsel vm15, $0x1388, v8;
	[tilespmem:$0x20] =	vst v4;
	v4 =	vnsel vm6, $0x1388, v10;
	v8 =	vld [tilespmem:$0x390]  }
0x44: {  	v0 =	vnsel vm5, $0x1388, v0;
	[tilespmem:$0x30] =	vst v1;
	v1 =	vnsel vm7, $0x1388, v4;
	v4 =	vnsel vm8, $0x1388, v12  }
0x45: {  	vm9 =	vlt.s32 v3, $0x1388;
	[tilespmem:$0x40] =	vst v0;
	vm11 =	veq.s32 v5, $0x0;
	vm10 =	veq.s32 v2, $0x0  }
0x46: {  	[tilespmem:$0x50] =	vst v1;
	vm13 =	veq.s32 v7, $0x0;
	v0 =	vnsel vm9, $0x1388, v3;
	v1 =	vnsel vm10, $0x1388, v4  }
0x47: {  	v0 =	vnsel vm11, $0x1388, v0;
	[tilespmem:$0x60] =	vst v1;
	v1 =	vnsel vm12, $0x1388, v13;
	vm14 =	vlt.s32 v6, $0x1388  }
0x48: {  	[tilespmem:$0x70] =	vst v0;
	vm15 =	veq.s32 v8, $0x0;
	v0 =	vnsel vm13, $0x1388, v1;
	v1 =	vnsel vm14, $0x1388, v6  }
0x49: {  	[tilespmem:$0x80] =	vst v0;
	v0 =	vnsel vm15, $0x1388, v1  }
0x4a: {  	s9 =	simm.s32 $0x700;
	[tilespmem:$0x90] =	vst v0  }
0x4b: {  	v0 =	vld [tilespmem:s9+$0xF0]  }
0x4c: {  	v1 =	vld [tilespmem:s9+$0xFFFFFF10]  }
0x4d: {  	v2 =	vld [tilespmem:s9+$0xFFFFFF20]  }
0x4e: {  	v3 =	vld [tilespmem:s9+$0xFFFFFF30]  }
0x4f: {  	v6 =	vld [tilespmem:s9+$0xFFFFFF60]  }
0x50: {  	v4 =	vld [tilespmem:s9+$0xFFFFFF40]  }
0x51: {  	v5 =	vld [tilespmem:s9+$0xFFFFFF50];
	v0 =	vmul.f32 $1.131370830e+01, v0  }
0x52: {  	v8 =	vld [tilespmem:s9+$0xFFFFFF80];
	v1 =	vmul.f32 $1.131370830e+01, v1  }
0x53: {  	v7 =	vld [tilespmem:s9+$0xFFFFFF70];
	v2 =	vmul.f32 $1.131370830e+01, v2;
	[tilespmem:s9+$0xF0] =	vst v0  }
0x54: {  	v6 =	vmul.f32 $1.131370830e+01, v6;
	v0 =	vld [tilespmem:s9+$0xFFFFFF90];
	[tilespmem:s9+$0xFFFFFF10] =	vst v1  }
0x55: {  	v1 =	vmul.f32 $1.131370830e+01, v3;
	v3 =	vld [tilespmem:s9+$0xFFFFFFA0];
	[tilespmem:s9+$0xFFFFFF20] =	vst v2;
	v2 =	vmul.f32 $1.131370830e+01, v4  }
0x56: {  	[tilespmem:s9+$0xFFFFFF60] =	vst v6;
	v6 =	vld [tilespmem:s9+$0xFFFFFFF0]  }
0x57: {  	v4 =	vld [tilespmem:s9+$0xFFFFFFB0];
	[tilespmem:s9+$0xFFFFFF40] =	vst v2;
	v2 =	vmul.f32 $1.131370830e+01, v8  }
0x58: {  	[tilespmem:s9+$0xFFFFFF30] =	vst v1;
	v1 =	vmul.f32 $1.131370830e+01, v5;
	v5 =	vld [tilespmem:s9+$0xFFFFFFC0]  }
0x59: {  	v8 =	vld [tilespmem:s9+$0xFFFFFFD0];
	[tilespmem:s9+$0xFFFFFF80] =	vst v2;
	v2 =	vmul.f32 $1.131370830e+01, v7  }
0x5a: {  	[tilespmem:s9+$0xFFFFFF50] =	vst v1;
	v1 =	vld [tilespmem:s9+$0xFFFFFFE0];
	v0 =	vmul.f32 $1.131370830e+01, v0  }
0x5b: {  	v7 =	vld [tilespmem:s9+$0x30];
	v6 =	vmul.f32 $1.131370830e+01, v6;
	[tilespmem:s9+$0xFFFFFF70] =	vst v2  }
0x5c: {  	v2 =	vmul.f32 $1.131370830e+01, v3;
	v3 =	vld [tilespmem:s9+$0x0];
	[tilespmem:s9+$0xFFFFFF90] =	vst v0  }
0x5d: {  	v0 =	vmul.f32 $1.131370830e+01, v4;
	v4 =	vld [tilespmem:s9+$0x10];
	[tilespmem:s9+$0xFFFFFFF0] =	vst v6  }
0x5e: {  	[tilespmem:s9+$0xFFFFFFA0] =	vst v2;
	v2 =	vmul.f32 $1.131370830e+01, v5;
	v5 =	vld [tilespmem:s9+$0x20]  }
0x5f: {  	v6 =	vld [tilespmem:s9+$0x80];
	[tilespmem:s9+$0xFFFFFFB0] =	vst v0;
	v0 =	vmul.f32 $1.131370830e+01, v8  }
0x60: {  	v1 =	vmul.f32 $1.131370830e+01, v1;
	[tilespmem:s9+$0xFFFFFFC0] =	vst v2;
	v2 =	vld [tilespmem:s9+$0x40]  }
0x61: {  	[tilespmem:s9+$0xFFFFFFD0] =	vst v0;
	v0 =	vmul.f32 $1.131370830e+01, v3  }
0x62: {  	v3 =	vld [tilespmem:s9+$0x50];
	[tilespmem:s9+$0xFFFFFFE0] =	vst v1;
	v4 =	vmul.f32 $1.131370830e+01, v4  }
0x63: {  	v1 =	vld [tilespmem:s9+$0x60];
	[tilespmem:s9+$0x0] =	vst v0;
	v0 =	vmul.f32 $1.131370830e+01, v5  }
0x64: {  	v6 =	vmul.f32 $1.131370830e+01, v6;
	v5 =	vld [tilespmem:s9+$0x70];
	[tilespmem:s9+$0x10] =	vst v4  }
0x65: {  	v4 =	vmul.f32 $1.131370830e+01, v7;
	v7 =	vld [tilespmem:s9+$0x90];
	[tilespmem:s9+$0x20] =	vst v0;
	v0 =	vmul.f32 $1.131370830e+01, v2  }
0x66: {  	v8 =	vld [tilespmem:s9+$0xA0];
	[tilespmem:s9+$0x80] =	vst v6  }
0x67: {  	v2 =	vmul.f32 $1.131370830e+01, v3;
	[tilespmem:s9+$0x40] =	vst v0;
	v0 =	vld [tilespmem:s9+$0xB0]  }
0x68: {  	[tilespmem:s9+$0x30] =	vst v4;
	v3 =	vmul.f32 $1.131370830e+01, v1;
	v1 =	vld [tilespmem:s9+$0xC0]  }
0x69: {  	[tilespmem:s9+$0x50] =	vst v2;
	v4 =	vmul.f32 $1.131370830e+01, v5;
	v2 =	vld [tilespmem:s9+$0xD0]  }
0x6a: {  	[tilespmem:s9+$0x60] =	vst v3;
	v3 =	vld [tilespmem:s9+$0xE0];
	v5 =	vmul.f32 $1.131370830e+01, v7  }
0x6b: {  	s10 =	simm.s32 $0x0;
	s15 =	simm.s32 $0x900;
	v6 =	vmul.f32 $1.131370830e+01, v8;
	[tilespmem:s9+$0x70] =	vst v4;
	v4 =	vld [tilespmem:s9+$0xFFFFFF00]  }
.LBB2_2:
0x6c: {  	v7 =	vld [tilespmem:s15+$0xF0];
	s10 =	sadd.s32 $0x4, s10;
	[tilespmem:s9+$0x90] =	vst v5;
	v0 =	vmul.f32 $1.131370830e+01, v0  }
0x6d: {  	v5 =	vld [tilespmem:s15+$0xFFFFFF10];
	p1 =	slt.u32 s10, $0x9C;
	[tilespmem:s9+$0xA0] =	vst v6;
	v1 =	vmul.f32 $1.131370830e+01, v1  }
0x6e: {  	v6 =	vld [tilespmem:s15+$0xFFFFFF20];
	[tilespmem:s9+$0xB0] =	vst v0;
	v0 =	vmul.f32 $1.131370830e+01, v2  }
0x6f: {  	v2 =	vld [tilespmem:s15+$0xFFFFFF30];
	[tilespmem:s9+$0xC0] =	vst v1;
	v1 =	vmul.f32 $1.131370830e+01, v3  }
0x70: {  	v3 =	vld [tilespmem:s15+$0xFFFFFF40];
	v4 =	vmul.f32 $1.131370830e+01, v4;
	[tilespmem:s9+$0xD0] =	vst v0  }
0x71: {  	v0 =	vld [tilespmem:s15+$0xFFFFFF50];
	v7 =	vmul.f32 $1.131370830e+01, v7;
	[tilespmem:s9+$0xE0] =	vst v1  }
0x72: {  	v1 =	vmul.f32 $1.131370830e+01, v5;
	v5 =	vld [tilespmem:s15+$0xFFFFFF60];
	[tilespmem:s9+$0xFFFFFF00] =	vst v4;
	s9 =	smov.u32 s15  }
0x73: {  	v4 =	vmul.f32 $1.131370830e+01, v6;
	v6 =	vld [tilespmem:s15+$0xFFFFFF70];
	[tilespmem:s15+$0xF0] =	vst v7  }
0x74: {  	[tilespmem:s15+$0xFFFFFF10] =	vst v1;
	v1 =	vmul.f32 $1.131370830e+01, v2;
	v2 =	vld [tilespmem:s15+$0xFFFFFF80]  }
0x75: {  	[tilespmem:s15+$0xFFFFFF20] =	vst v4;
	v3 =	vmul.f32 $1.131370830e+01, v3;
	v4 =	vld [tilespmem:s15+$0xFFFFFF90]  }
0x76: {  	[tilespmem:s15+$0xFFFFFF30] =	vst v1;
	v0 =	vmul.f32 $1.131370830e+01, v0;
	v1 =	vld [tilespmem:s15+$0xFFFFFFA0]  }
0x77: {  	[tilespmem:s15+$0xFFFFFF40] =	vst v3;
	v3 =	vmul.f32 $1.131370830e+01, v5;
	v5 =	vld [tilespmem:s15+$0xFFFFFFB0]  }
0x78: {  	[tilespmem:s15+$0xFFFFFF50] =	vst v0;
	v0 =	vmul.f32 $1.131370830e+01, v6;
	v6 =	vld [tilespmem:s15+$0xFFFFFFC0]  }
0x79: {  	[tilespmem:s15+$0xFFFFFF60] =	vst v3;
	v2 =	vmul.f32 $1.131370830e+01, v2;
	v3 =	vld [tilespmem:s15+$0xFFFFFFD0]  }
0x7a: {  	[tilespmem:s15+$0xFFFFFF70] =	vst v0;
	v0 =	vmul.f32 $1.131370830e+01, v4;
	v4 =	vld [tilespmem:s15+$0xFFFFFFE0]  }
0x7b: {  	[tilespmem:s15+$0xFFFFFF80] =	vst v2;
	v1 =	vmul.f32 $1.131370830e+01, v1;
	v2 =	vld [tilespmem:s15+$0xFFFFFFF0]  }
0x7c: {  	[tilespmem:s15+$0xFFFFFF90] =	vst v0;
	v0 =	vmul.f32 $1.131370830e+01, v5;
	v5 =	vld [tilespmem:s15+$0x0]  }
0x7d: {  	[tilespmem:s15+$0xFFFFFFA0] =	vst v1;
	v1 =	vmul.f32 $1.131370830e+01, v6;
	v6 =	vld [tilespmem:s15+$0x10]  }
0x7e: {  	[tilespmem:s15+$0xFFFFFFB0] =	vst v0;
	v0 =	vmul.f32 $1.131370830e+01, v3;
	v3 =	vld [tilespmem:s15+$0x20]  }
0x7f: {  	[tilespmem:s15+$0xFFFFFFC0] =	vst v1;
	v1 =	vmul.f32 $1.131370830e+01, v4;
	v4 =	vld [tilespmem:s15+$0x30]  }
0x80: {  	[tilespmem:s15+$0xFFFFFFD0] =	vst v0;
	v0 =	vmul.f32 $1.131370830e+01, v2;
	v2 =	vld [tilespmem:s15+$0x40]  }
0x81: {  	[tilespmem:s15+$0xFFFFFFE0] =	vst v1;
	v1 =	vmul.f32 $1.131370830e+01, v5;
	v5 =	vld [tilespmem:s15+$0x50]  }
0x82: {  	[tilespmem:s15+$0xFFFFFFF0] =	vst v0;
	v0 =	vmul.f32 $1.131370830e+01, v6;
	v6 =	vld [tilespmem:s15+$0x60]  }
0x83: {  	[tilespmem:s15+$0x0] =	vst v1;
	v1 =	vmul.f32 $1.131370830e+01, v3;
	v3 =	vld [tilespmem:s15+$0x70]  }
0x84: {  	[tilespmem:s15+$0x10] =	vst v0;
	v0 =	vmul.f32 $1.131370830e+01, v4;
	v4 =	vld [tilespmem:s15+$0x80]  }
0x85: {  	[tilespmem:s15+$0x20] =	vst v1;
	v1 =	vmul.f32 $1.131370830e+01, v2;
	v7 =	vld [tilespmem:s15+$0x90]  }
0x86: {  	[tilespmem:s15+$0x30] =	vst v0;
	v2 =	vmul.f32 $1.131370830e+01, v5;
	v8 =	vld [tilespmem:s15+$0xA0]  }
.Ltmp0:
0x87: {  	[tilespmem:s15+$0x40] =	vst v1;
	v5 =	vmul.f32 $1.131370830e+01, v6;
	v0 =	vld [tilespmem:s15+$0xB0];
	(pc) =	sbr.rel @p1 .LBB2_2-.Ltmp0, $4  }
0x88: {  	[tilespmem:s15+$0x50] =	vst v2;
	v3 =	vmul.f32 $1.131370830e+01, v3;
	v1 =	vld [tilespmem:s15+$0xC0]  }
0x89: {  	[tilespmem:s15+$0x60] =	vst v5;
	v6 =	vmul.f32 $1.131370830e+01, v4;
	v2 =	vld [tilespmem:s15+$0xD0]  }
0x8a: {  	[tilespmem:s15+$0x70] =	vst v3;
	v5 =	vmul.f32 $1.131370830e+01, v7;
	v3 =	vld [tilespmem:s15+$0xE0]  }
0x8b: {  	s15 =	sadd.s32 $0x200, s15;
	v4 =	vld [tilespmem:s9+$0xFFFFFF00];
	[tilespmem:s9+$0x80] =	vst v6;
	v6 =	vmul.f32 $1.131370830e+01, v8  }
0x8c: {  	[tilespmem:s9+$0x90] =	vst v5;
	v0 =	vmul.f32 $1.131370830e+01, v0  }
0x8d: {  	[tilespmem:s9+$0xA0] =	vst v6;
	v1 =	vmul.f32 $1.131370830e+01, v1  }
0x8e: {  	[tilespmem:s9+$0xB0] =	vst v0;
	v61 =	vmul.f32 $1.131370830e+01, v2  }
0x8f: {  	[tilespmem:s9+$0xC0] =	vst v1;
	v62 =	vmul.f32 $1.131370830e+01, v3  }
0x90: {  	v63 =	vmul.f32 $1.131370830e+01, v4;
	[tilespmem:s9+$0xD0] =	vst v61  }
0x91: {  	[tilespmem:s9+$0xE0] =	vst v62  }
0x92: {  	[tilespmem:s9+$0xFFFFFF00] =	vst v63;
	s9 =	simm.s32 $0x0  }
0x93: {  	[tilespmem:s23], [sflag:$0x4] =	stream.indirect.gather.add.f32 [spmem:s4], $0x80, s9, s25, $0xb8;
	[tilespmem:$0x19248] =	vst v63  }
0x94: {  	s10 =	simm.s32 $0x2E00  }
0x95: {  	[tilespmem:s10], [sflag:$0x4] =	stream.indirect.gather.add.f32 [spmem:s4], $0x80, s25, s25, $0xb8;
	[tilespmem:$0x19248] =	vst v63  }
0x96: {  	s15 =	simm.s32 $0x100;
	s19 =	rddreg [dreg:$0x9]  }
0x97: {  	[tilespmem:s15], [sflag:$0x2] =	stream.linear.gather [hbm4b:s19+s9], $0xA0, $0x38;
	[tilespmem:$0x19248] =	vst v63  }
0x98: {  	s26 =	simm.s32 $0x400;
	s22 =	rddreg [dreg:$0xa]  }
0x99: {  	[tilespmem:s26], [sflag:$0x2] =	stream.linear.gather [hbm4b:s22+s9], $0xA0, $0x38;
	[tilespmem:$0x19248] =	vst v63  }
0x9a: {  	s28 =	rddreg [dreg:$0xb]  }
0x9b: {  	[tilespmem:s30], [sflag:$0x2] =	stream.linear.gather [hbm4b:s28+s9], $0x5000, $0x38;
	[tilespmem:$0x19248] =	vst v63  }
.LBB2_4:
0x9c: {  	p1 =	seq.s32 s9, $0x0;
	s15 =	smul.u32 $0x1E0, s9  }
0x9d: {  	s10 =	simm.s32 @!p1 $0x9  }
0x9e: {  	_ =	swait.ge @!p1 [sflag:s10], $0x5000;
	s19 =	sadd.s32 s15, s16  }
0x9f: {  	[sflag:s10] =	ssyncset.done @!p1 $0x0;
	s22 =	sshrl.u32 s19, $0x3  }
0xa0: {  	[sflag:s10] =	ssyncadd.s32 @!p1 $0xFFFFB000;
	s28 =	sadd.s32 s7, s22  }
0xa1: {  	[tilespmem:s31], [sflag:$0x3] =	stream.linear.gather [hbm4b:s28+s5], $0xA0, $0x38;
	[tilespmem:$0x19248] =	vst v63  }
0xa2: {  	s26 =	sadd.s32 s8, s22;
	s10 =	sshll.u32 s19, $0x4;
	s28 =	simm.s32 $0x500  }
0xa3: {  	[tilespmem:s28], [sflag:$0x3] =	stream.linear.gather [hbm4b:s26+s5], $0xA0, $0x38;
	[tilespmem:$0x19248] =	vst v63  }
0xa4: {  	s19 =	sadd.s32 s0, s10  }
0xa5: {  	[tilespmem:s1], [sflag:$0x3] =	stream.linear.gather [hbm4b:s19+s5], $0x5000, $0x38;
	[tilespmem:$0x19248] =	vst v63  }
0xa6: {  	_ =	swait.ge [sflag:s29], $0xA0  }
0xa7: {  	[sflag:s29] =	ssyncset.done $0x0  }
0xa8: {  	[sflag:s29] =	ssyncadd.s32 $0xFFFFFF60  }
0xa9: {  	_ =	swait.ge [sflag:s29], $0xA0  }
0xaa: {  	[sflag:s29] =	ssyncset.done $0x0  }
0xab: {  	[sflag:s29] =	ssyncadd.s32 $0xFFFFFF60  }
0xac: {  	_ =	swait.ge [sflag:s29], $0x5000  }
0xad: {  	[sflag:s29] =	ssyncset.done $0x0  }
0xae: {  	[sflag:s29] =	ssyncadd.s32 $0xFFFFB000  }
0xaf: {  	v0 =	vld [tilespmem:$0x100]  }
0xb0: {  	v1 =	vld [tilespmem:$0x400]  }
0xb1: {  	v2 =	vld [tilespmem:$0x110]  }
0xb2: {  	v3 =	vld [tilespmem:$0x410]  }
0xb3: {  	v4 =	vld [tilespmem:$0x120]  }
0xb4: {  	v5 =	vld [tilespmem:$0x420]  }
0xb5: {  	v6 =	vld [tilespmem:$0x130]  }
0xb6: {  	v7 =	vld [tilespmem:$0x430]  }
0xb7: {  	v8 =	vld [tilespmem:$0x140]  }
0xb8: {  	v9 =	vld [tilespmem:$0x440]  }
0xb9: {  	v10 =	vld [tilespmem:$0x150]  }
0xba: {  	v11 =	vld [tilespmem:$0x450]  }
0xbb: {  	v12 =	vld [tilespmem:$0x160];
	vm0 =	vlt.s32 v0, $0x1388;
	vm10 =	vlt.s32 v2, $0x1388;
	vm1 =	veq.s32 v1, $0x0  }
0xbc: {  	v13 =	vld [tilespmem:$0x180];
	vm11 =	veq.s32 v3, $0x0;
	vm12 =	vlt.s32 v4, $0x1388;
	vm13 =	veq.s32 v5, $0x0  }
0xbd: {  	v3 =	vld [tilespmem:$0x170];
	vm14 =	vlt.s32 v6, $0x1388;
	vm15 =	vlt.s32 v8, $0x1388;
	vm4 =	veq.s32 v7, $0x0  }
0xbe: {  	v5 =	vld [tilespmem:$0x470];
	vm5 =	veq.s32 v9, $0x0;
	vm6 =	vlt.s32 v10, $0x1388;
	v0 =	vnsel vm0, $0x1388, v0  }
0xbf: {  	vm7 =	veq.s32 v11, $0x0;
	v1 =	vnsel vm10, $0x1388, v2;
	v2 =	vld [tilespmem:$0x460];
	v0 =	vnsel vm1, $0x1388, v0  }
0xc0: {  	v7 =	vld [tilespmem:$0x480];
	v4 =	vnsel vm12, $0x1388, v4;
	v6 =	vnsel vm14, $0x1388, v6;
	v1 =	vnsel vm11, $0x1388, v1;
	[tilespmem:$0x100] =	vst v0  }
0xc1: {  	vm8 =	vlt.s32 v12, $0x1388;
	v4 =	vnsel vm13, $0x1388, v4;
	[tilespmem:$0x110] =	vst v1;
	v1 =	vnsel vm4, $0x1388, v6;
	v6 =	vld [tilespmem:$0x190]  }
0xc2: {  	vm12 =	vlt.s32 v13, $0x1388;
	v0 =	vnsel vm15, $0x1388, v8;
	[tilespmem:$0x120] =	vst v4;
	v4 =	vnsel vm6, $0x1388, v10;
	v8 =	vld [tilespmem:$0x490]  }
0xc3: {  	v0 =	vnsel vm5, $0x1388, v0;
	[tilespmem:$0x130] =	vst v1;
	v1 =	vnsel vm7, $0x1388, v4;
	v4 =	vnsel vm8, $0x1388, v12  }
0xc4: {  	vm9 =	vlt.s32 v3, $0x1388;
	[tilespmem:$0x140] =	vst v0;
	vm11 =	veq.s32 v5, $0x0;
	vm10 =	veq.s32 v2, $0x0  }
0xc5: {  	[tilespmem:$0x150] =	vst v1;
	vm13 =	veq.s32 v7, $0x0;
	v0 =	vnsel vm9, $0x1388, v3;
	v1 =	vnsel vm10, $0x1388, v4  }
0xc6: {  	v0 =	vnsel vm11, $0x1388, v0;
	[tilespmem:$0x160] =	vst v1;
	v1 =	vnsel vm12, $0x1388, v13;
	vm14 =	vlt.s32 v6, $0x1388  }
0xc7: {  	[tilespmem:$0x170] =	vst v0;
	vm15 =	veq.s32 v8, $0x0;
	v0 =	vnsel vm13, $0x1388, v1;
	v1 =	vnsel vm14, $0x1388, v6  }
0xc8: {  	[tilespmem:$0x180] =	vst v0;
	v0 =	vnsel vm15, $0x1388, v1  }
0xc9: {  	s19 =	simm.s32 $0x5700;
	[tilespmem:$0x190] =	vst v0  }
0xca: {  	v0 =	vld [tilespmem:s19+$0xF0]  }
0xcb: {  	v1 =	vld [tilespmem:s19+$0xFFFFFF10]  }
0xcc: {  	v2 =	vld [tilespmem:s19+$0xFFFFFF20]  }
0xcd: {  	v3 =	vld [tilespmem:s19+$0xFFFFFF30]  }
0xce: {  	v6 =	vld [tilespmem:s19+$0xFFFFFF60]  }
0xcf: {  	v4 =	vld [tilespmem:s19+$0xFFFFFF40]  }
0xd0: {  	v5 =	vld [tilespmem:s19+$0xFFFFFF50];
	v0 =	vmul.f32 $1.131370830e+01, v0  }
0xd1: {  	v8 =	vld [tilespmem:s19+$0xFFFFFF80];
	v1 =	vmul.f32 $1.131370830e+01, v1  }
0xd2: {  	v7 =	vld [tilespmem:s19+$0xFFFFFF70];
	v2 =	vmul.f32 $1.131370830e+01, v2;
	[tilespmem:s19+$0xF0] =	vst v0  }
0xd3: {  	v6 =	vmul.f32 $1.131370830e+01, v6;
	v0 =	vld [tilespmem:s19+$0xFFFFFF90];
	[tilespmem:s19+$0xFFFFFF10] =	vst v1  }
0xd4: {  	v1 =	vmul.f32 $1.131370830e+01, v3;
	v3 =	vld [tilespmem:s19+$0xFFFFFFA0];
	[tilespmem:s19+$0xFFFFFF20] =	vst v2;
	v2 =	vmul.f32 $1.131370830e+01, v4  }
0xd5: {  	[tilespmem:s19+$0xFFFFFF60] =	vst v6;
	v6 =	vld [tilespmem:s19+$0xFFFFFFF0]  }
0xd6: {  	v4 =	vld [tilespmem:s19+$0xFFFFFFB0];
	[tilespmem:s19+$0xFFFFFF40] =	vst v2;
	v2 =	vmul.f32 $1.131370830e+01, v8  }
0xd7: {  	[tilespmem:s19+$0xFFFFFF30] =	vst v1;
	v1 =	vmul.f32 $1.131370830e+01, v5;
	v5 =	vld [tilespmem:s19+$0xFFFFFFC0]  }
0xd8: {  	v8 =	vld [tilespmem:s19+$0xFFFFFFD0];
	[tilespmem:s19+$0xFFFFFF80] =	vst v2;
	v2 =	vmul.f32 $1.131370830e+01, v7  }
0xd9: {  	[tilespmem:s19+$0xFFFFFF50] =	vst v1;
	v1 =	vld [tilespmem:s19+$0xFFFFFFE0];
	v0 =	vmul.f32 $1.131370830e+01, v0  }
0xda: {  	v7 =	vld [tilespmem:s19+$0x30];
	v6 =	vmul.f32 $1.131370830e+01, v6;
	[tilespmem:s19+$0xFFFFFF70] =	vst v2  }
0xdb: {  	v2 =	vmul.f32 $1.131370830e+01, v3;
	v3 =	vld [tilespmem:s19+$0x0];
	[tilespmem:s19+$0xFFFFFF90] =	vst v0  }
0xdc: {  	v0 =	vmul.f32 $1.131370830e+01, v4;
	v4 =	vld [tilespmem:s19+$0x10];
	[tilespmem:s19+$0xFFFFFFF0] =	vst v6  }
0xdd: {  	[tilespmem:s19+$0xFFFFFFA0] =	vst v2;
	v2 =	vmul.f32 $1.131370830e+01, v5;
	v5 =	vld [tilespmem:s19+$0x20]  }
0xde: {  	v6 =	vld [tilespmem:s19+$0x80];
	[tilespmem:s19+$0xFFFFFFB0] =	vst v0;
	v0 =	vmul.f32 $1.131370830e+01, v8  }
0xdf: {  	v1 =	vmul.f32 $1.131370830e+01, v1;
	[tilespmem:s19+$0xFFFFFFC0] =	vst v2;
	v2 =	vld [tilespmem:s19+$0x40]  }
0xe0: {  	[tilespmem:s19+$0xFFFFFFD0] =	vst v0;
	v0 =	vmul.f32 $1.131370830e+01, v3  }
0xe1: {  	v3 =	vld [tilespmem:s19+$0x50];
	[tilespmem:s19+$0xFFFFFFE0] =	vst v1;
	v4 =	vmul.f32 $1.131370830e+01, v4  }
0xe2: {  	v1 =	vld [tilespmem:s19+$0x60];
	[tilespmem:s19+$0x0] =	vst v0;
	v0 =	vmul.f32 $1.131370830e+01, v5  }
0xe3: {  	v6 =	vmul.f32 $1.131370830e+01, v6;
	v5 =	vld [tilespmem:s19+$0x70];
	[tilespmem:s19+$0x10] =	vst v4  }
0xe4: {  	v4 =	vmul.f32 $1.131370830e+01, v7;
	v7 =	vld [tilespmem:s19+$0x90];
	[tilespmem:s19+$0x20] =	vst v0;
	v0 =	vmul.f32 $1.131370830e+01, v2  }
0xe5: {  	v8 =	vld [tilespmem:s19+$0xA0];
	[tilespmem:s19+$0x80] =	vst v6  }
0xe6: {  	v2 =	vmul.f32 $1.131370830e+01, v3;
	[tilespmem:s19+$0x40] =	vst v0;
	v0 =	vld [tilespmem:s19+$0xB0]  }
0xe7: {  	[tilespmem:s19+$0x30] =	vst v4;
	v3 =	vmul.f32 $1.131370830e+01, v1;
	v1 =	vld [tilespmem:s19+$0xC0]  }
0xe8: {  	[tilespmem:s19+$0x50] =	vst v2;
	v4 =	vmul.f32 $1.131370830e+01, v5;
	v2 =	vld [tilespmem:s19+$0xD0]  }
0xe9: {  	[tilespmem:s19+$0x60] =	vst v3;
	v3 =	vld [tilespmem:s19+$0xE0];
	v5 =	vmul.f32 $1.131370830e+01, v7  }
0xea: {  	s22 =	simm.s32 $0x0;
	s26 =	simm.s32 $0x5900;
	v6 =	vmul.f32 $1.131370830e+01, v8;
	[tilespmem:s19+$0x70] =	vst v4;
	v4 =	vld [tilespmem:s19+$0xFFFFFF00]  }
.LBB2_5:
0xeb: {  	v7 =	vld [tilespmem:s26+$0xF0];
	s22 =	sadd.s32 $0x4, s22;
	[tilespmem:s19+$0x90] =	vst v5;
	v0 =	vmul.f32 $1.131370830e+01, v0  }
0xec: {  	v5 =	vld [tilespmem:s26+$0xFFFFFF10];
	p1 =	slt.u32 s22, $0x9C;
	[tilespmem:s19+$0xA0] =	vst v6;
	v1 =	vmul.f32 $1.131370830e+01, v1  }
0xed: {  	v6 =	vld [tilespmem:s26+$0xFFFFFF20];
	[tilespmem:s19+$0xB0] =	vst v0;
	v0 =	vmul.f32 $1.131370830e+01, v2  }
0xee: {  	v2 =	vld [tilespmem:s26+$0xFFFFFF30];
	[tilespmem:s19+$0xC0] =	vst v1;
	v1 =	vmul.f32 $1.131370830e+01, v3  }
0xef: {  	v3 =	vld [tilespmem:s26+$0xFFFFFF40];
	v4 =	vmul.f32 $1.131370830e+01, v4;
	[tilespmem:s19+$0xD0] =	vst v0  }
0xf0: {  	v0 =	vld [tilespmem:s26+$0xFFFFFF50];
	v7 =	vmul.f32 $1.131370830e+01, v7;
	[tilespmem:s19+$0xE0] =	vst v1  }
0xf1: {  	v1 =	vmul.f32 $1.131370830e+01, v5;
	v5 =	vld [tilespmem:s26+$0xFFFFFF60];
	[tilespmem:s19+$0xFFFFFF00] =	vst v4;
	s19 =	smov.u32 s26  }
0xf2: {  	v4 =	vmul.f32 $1.131370830e+01, v6;
	v6 =	vld [tilespmem:s26+$0xFFFFFF70];
	[tilespmem:s26+$0xF0] =	vst v7  }
0xf3: {  	[tilespmem:s26+$0xFFFFFF10] =	vst v1;
	v1 =	vmul.f32 $1.131370830e+01, v2;
	v2 =	vld [tilespmem:s26+$0xFFFFFF80]  }
0xf4: {  	[tilespmem:s26+$0xFFFFFF20] =	vst v4;
	v3 =	vmul.f32 $1.131370830e+01, v3;
	v4 =	vld [tilespmem:s26+$0xFFFFFF90]  }
0xf5: {  	[tilespmem:s26+$0xFFFFFF30] =	vst v1;
	v0 =	vmul.f32 $1.131370830e+01, v0;
	v1 =	vld [tilespmem:s26+$0xFFFFFFA0]  }
0xf6: {  	[tilespmem:s26+$0xFFFFFF40] =	vst v3;
	v3 =	vmul.f32 $1.131370830e+01, v5;
	v5 =	vld [tilespmem:s26+$0xFFFFFFB0]  }
0xf7: {  	[tilespmem:s26+$0xFFFFFF50] =	vst v0;
	v0 =	vmul.f32 $1.131370830e+01, v6;
	v6 =	vld [tilespmem:s26+$0xFFFFFFC0]  }
0xf8: {  	[tilespmem:s26+$0xFFFFFF60] =	vst v3;
	v2 =	vmul.f32 $1.131370830e+01, v2;
	v3 =	vld [tilespmem:s26+$0xFFFFFFD0]  }
0xf9: {  	[tilespmem:s26+$0xFFFFFF70] =	vst v0;
	v0 =	vmul.f32 $1.131370830e+01, v4;
	v4 =	vld [tilespmem:s26+$0xFFFFFFE0]  }
0xfa: {  	[tilespmem:s26+$0xFFFFFF80] =	vst v2;
	v1 =	vmul.f32 $1.131370830e+01, v1;
	v2 =	vld [tilespmem:s26+$0xFFFFFFF0]  }
0xfb: {  	[tilespmem:s26+$0xFFFFFF90] =	vst v0;
	v0 =	vmul.f32 $1.131370830e+01, v5;
	v5 =	vld [tilespmem:s26+$0x0]  }
0xfc: {  	[tilespmem:s26+$0xFFFFFFA0] =	vst v1;
	v1 =	vmul.f32 $1.131370830e+01, v6;
	v6 =	vld [tilespmem:s26+$0x10]  }
0xfd: {  	[tilespmem:s26+$0xFFFFFFB0] =	vst v0;
	v0 =	vmul.f32 $1.131370830e+01, v3;
	v3 =	vld [tilespmem:s26+$0x20]  }
0xfe: {  	[tilespmem:s26+$0xFFFFFFC0] =	vst v1;
	v1 =	vmul.f32 $1.131370830e+01, v4;
	v4 =	vld [tilespmem:s26+$0x30]  }
0xff: {  	[tilespmem:s26+$0xFFFFFFD0] =	vst v0;
	v0 =	vmul.f32 $1.131370830e+01, v2;
	v2 =	vld [tilespmem:s26+$0x40]  }
0x100: {  	[tilespmem:s26+$0xFFFFFFE0] =	vst v1;
	v1 =	vmul.f32 $1.131370830e+01, v5;
	v5 =	vld [tilespmem:s26+$0x50]  }
0x101: {  	[tilespmem:s26+$0xFFFFFFF0] =	vst v0;
	v0 =	vmul.f32 $1.131370830e+01, v6;
	v6 =	vld [tilespmem:s26+$0x60]  }
0x102: {  	[tilespmem:s26+$0x0] =	vst v1;
	v1 =	vmul.f32 $1.131370830e+01, v3;
	v3 =	vld [tilespmem:s26+$0x70]  }
0x103: {  	[tilespmem:s26+$0x10] =	vst v0;
	v0 =	vmul.f32 $1.131370830e+01, v4;
	v4 =	vld [tilespmem:s26+$0x80]  }
0x104: {  	[tilespmem:s26+$0x20] =	vst v1;
	v1 =	vmul.f32 $1.131370830e+01, v2;
	v7 =	vld [tilespmem:s26+$0x90]  }
0x105: {  	[tilespmem:s26+$0x30] =	vst v0;
	v2 =	vmul.f32 $1.131370830e+01, v5;
	v8 =	vld [tilespmem:s26+$0xA0]  }
.Ltmp1:
0x106: {  	[tilespmem:s26+$0x40] =	vst v1;
	v5 =	vmul.f32 $1.131370830e+01, v6;
	v0 =	vld [tilespmem:s26+$0xB0];
	(pc) =	sbr.rel @p1 .LBB2_5-.Ltmp1, $4  }
0x107: {  	[tilespmem:s26+$0x50] =	vst v2;
	v3 =	vmul.f32 $1.131370830e+01, v3;
	v1 =	vld [tilespmem:s26+$0xC0]  }
0x108: {  	[tilespmem:s26+$0x60] =	vst v5;
	v6 =	vmul.f32 $1.131370830e+01, v4;
	v2 =	vld [tilespmem:s26+$0xD0]  }
0x109: {  	[tilespmem:s26+$0x70] =	vst v3;
	v5 =	vmul.f32 $1.131370830e+01, v7;
	v3 =	vld [tilespmem:s26+$0xE0]  }
0x10a: {  	s26 =	sadd.s32 $0x200, s26;
	v4 =	vld [tilespmem:s19+$0xFFFFFF00];
	[tilespmem:s19+$0x80] =	vst v6;
	v6 =	vmul.f32 $1.131370830e+01, v8  }
0x10b: {  	[tilespmem:s19+$0x90] =	vst v5;
	v0 =	vmul.f32 $1.131370830e+01, v0  }
0x10c: {  	[tilespmem:s19+$0xA0] =	vst v6;
	v1 =	vmul.f32 $1.131370830e+01, v1  }
0x10d: {  	[tilespmem:s19+$0xB0] =	vst v0;
	v0 =	vmul.f32 $1.131370830e+01, v2  }
0x10e: {  	[tilespmem:s19+$0xC0] =	vst v1;
	v1 =	vmul.f32 $1.131370830e+01, v3  }
0x10f: {  	v2 =	vmul.f32 $1.131370830e+01, v4;
	[tilespmem:s19+$0xD0] =	vst v0  }
0x110: {  	[tilespmem:s19+$0xE0] =	vst v1  }
0x111: {  	s26 =	simm.s32 $0x100;
	[tilespmem:s19+$0xFFFFFF00] =	vst v2  }
0x112: {  	[tilespmem:s30], [sflag:$0x5] =	stream.indirect.gather.add.f32 [spmem:s4], $0x80, s26, s25, $0xb8;
	[tilespmem:$0x19248] =	vst v63  }
0x113: {  	s28 =	simm.s32 $0x150;
	s22 =	simm.s32 $0x7E00  }
0x114: {  	[tilespmem:s22], [sflag:$0x5] =	stream.indirect.gather.add.f32 [spmem:s4], $0x80, s28, s25, $0xb8;
	[tilespmem:$0x19248] =	vst v63  }
0x115: {  	_ =	swait.ge [sflag:s11], $0x2800  }
0x116: {  	[sflag:s11] =	ssyncset.done $0x0  }
0x117: {  	[sflag:s11] =	ssyncadd.s32 $0xFFFFD800  }
0x118: {  	s26 =	sadd.s32 s6, s15;
	_ =	swait.ge [sflag:s11], $0x2800  }
0x119: {  	s19 =	sshll.u32 s26, $0x4;
	[sflag:s11] =	ssyncset.done $0x0  }
0x11a: {  	s19 =	sadd.s32 s2, s19;
	[sflag:s11] =	ssyncadd.s32 $0xFFFFD800  }
0x11b: {  	[hbm4b:s19+s5] =	stream.linear.scatter [tilespmem:s23], [sflag:$0x7], $0x5000, $0x38;
	[tilespmem:$0x19248] =	vst v63  }
0x11c: {  	s19 =	sadd.s32 s15, s17;
	_ =	swait.ge [sflag:s13], $0x5000  }
0x11d: {  	s28 =	sshrl.u32 s19, $0x3;
	[sflag:s13] =	ssyncset.done $0x0  }
0x11e: {  	s26 =	sadd.s32 s7, s28;
	[sflag:s13] =	ssyncadd.s32 $0xFFFFB000  }
0x11f: {  	[tilespmem:s5], [sflag:$0x1] =	stream.linear.gather [hbm4b:s26+s5], $0xA0, $0x38;
	[tilespmem:$0x19248] =	vst v63  }
0x120: {  	s19 =	sshll.u32 s19, $0x4;
	s22 =	sadd.s32 s8, s28;
	s28 =	simm.s32 $0x300  }
0x121: {  	[tilespmem:s28], [sflag:$0x1] =	stream.linear.gather [hbm4b:s22+s5], $0xA0, $0x38;
	[tilespmem:$0x19248] =	vst v63  }
0x122: {  	s19 =	sadd.s32 s0, s19  }
0x123: {  	[tilespmem:s23], [sflag:$0x1] =	stream.linear.gather [hbm4b:s19+s5], $0x5000, $0x38;
	[tilespmem:$0x19248] =	vst v63  }
0x124: {  	_ =	swait.ge [sflag:s14], $0xA0  }
0x125: {  	[sflag:s14] =	ssyncset.done $0x0  }
0x126: {  	[sflag:s14] =	ssyncadd.s32 $0xFFFFFF60  }
0x127: {  	_ =	swait.ge [sflag:s14], $0xA0  }
0x128: {  	[sflag:s14] =	ssyncset.done $0x0  }
0x129: {  	[sflag:s14] =	ssyncadd.s32 $0xFFFFFF60  }
0x12a: {  	_ =	swait.ge [sflag:s14], $0x5000  }
0x12b: {  	[sflag:s14] =	ssyncset.done $0x0  }
0x12c: {  	[sflag:s14] =	ssyncadd.s32 $0xFFFFB000  }
0x12d: {  	v0 =	vld [tilespmem:$0x200]  }
0x12e: {  	v1 =	vld [tilespmem:$0x500]  }
0x12f: {  	v2 =	vld [tilespmem:$0x210]  }
0x130: {  	v3 =	vld [tilespmem:$0x510]  }
0x131: {  	v4 =	vld [tilespmem:$0x220]  }
0x132: {  	v5 =	vld [tilespmem:$0x520]  }
0x133: {  	v6 =	vld [tilespmem:$0x230]  }
0x134: {  	v7 =	vld [tilespmem:$0x530]  }
0x135: {  	v8 =	vld [tilespmem:$0x240]  }
0x136: {  	v9 =	vld [tilespmem:$0x540]  }
0x137: {  	v10 =	vld [tilespmem:$0x250]  }
0x138: {  	v11 =	vld [tilespmem:$0x550]  }
0x139: {  	v12 =	vld [tilespmem:$0x260];
	vm0 =	vlt.s32 v0, $0x1388;
	vm10 =	vlt.s32 v2, $0x1388;
	vm1 =	veq.s32 v1, $0x0  }
0x13a: {  	v13 =	vld [tilespmem:$0x280];
	vm11 =	veq.s32 v3, $0x0;
	vm12 =	vlt.s32 v4, $0x1388;
	vm13 =	veq.s32 v5, $0x0  }
0x13b: {  	v3 =	vld [tilespmem:$0x270];
	vm14 =	vlt.s32 v6, $0x1388;
	vm15 =	vlt.s32 v8, $0x1388;
	vm4 =	veq.s32 v7, $0x0  }
0x13c: {  	v5 =	vld [tilespmem:$0x570];
	vm5 =	veq.s32 v9, $0x0;
	vm6 =	vlt.s32 v10, $0x1388;
	v0 =	vnsel vm0, $0x1388, v0  }
0x13d: {  	vm7 =	veq.s32 v11, $0x0;
	v1 =	vnsel vm10, $0x1388, v2;
	v2 =	vld [tilespmem:$0x560];
	v0 =	vnsel vm1, $0x1388, v0  }
0x13e: {  	v7 =	vld [tilespmem:$0x580];
	v4 =	vnsel vm12, $0x1388, v4;
	v6 =	vnsel vm14, $0x1388, v6;
	v1 =	vnsel vm11, $0x1388, v1;
	[tilespmem:$0x200] =	vst v0  }
0x13f: {  	vm8 =	vlt.s32 v12, $0x1388;
	v4 =	vnsel vm13, $0x1388, v4;
	[tilespmem:$0x210] =	vst v1;
	v1 =	vnsel vm4, $0x1388, v6;
	v6 =	vld [tilespmem:$0x290]  }
0x140: {  	vm12 =	vlt.s32 v13, $0x1388;
	v0 =	vnsel vm15, $0x1388, v8;
	[tilespmem:$0x220] =	vst v4;
	v4 =	vnsel vm6, $0x1388, v10;
	v8 =	vld [tilespmem:$0x590]  }
0x141: {  	v0 =	vnsel vm5, $0x1388, v0;
	[tilespmem:$0x230] =	vst v1;
	v1 =	vnsel vm7, $0x1388, v4;
	v4 =	vnsel vm8, $0x1388, v12  }
0x142: {  	vm9 =	vlt.s32 v3, $0x1388;
	[tilespmem:$0x240] =	vst v0;
	vm11 =	veq.s32 v5, $0x0;
	vm10 =	veq.s32 v2, $0x0  }
0x143: {  	[tilespmem:$0x250] =	vst v1;
	vm13 =	veq.s32 v7, $0x0;
	v0 =	vnsel vm9, $0x1388, v3;
	v1 =	vnsel vm10, $0x1388, v4  }
0x144: {  	v0 =	vnsel vm11, $0x1388, v0;
	[tilespmem:$0x260] =	vst v1;
	v1 =	vnsel vm12, $0x1388, v13;
	vm14 =	vlt.s32 v6, $0x1388  }
0x145: {  	[tilespmem:$0x270] =	vst v0;
	vm15 =	veq.s32 v8, $0x0;
	v0 =	vnsel vm13, $0x1388, v1;
	v1 =	vnsel vm14, $0x1388, v6  }
0x146: {  	[tilespmem:$0x280] =	vst v0;
	v0 =	vnsel vm15, $0x1388, v1  }
0x147: {  	s19 =	simm.s32 $0xA700;
	[tilespmem:$0x290] =	vst v0  }
0x148: {  	v0 =	vld [tilespmem:s19+$0xF0]  }
0x149: {  	v1 =	vld [tilespmem:s19+$0xFFFFFF10]  }
0x14a: {  	v2 =	vld [tilespmem:s19+$0xFFFFFF20]  }
0x14b: {  	v3 =	vld [tilespmem:s19+$0xFFFFFF30]  }
0x14c: {  	v6 =	vld [tilespmem:s19+$0xFFFFFF60]  }
0x14d: {  	v4 =	vld [tilespmem:s19+$0xFFFFFF40]  }
0x14e: {  	v5 =	vld [tilespmem:s19+$0xFFFFFF50];
	v0 =	vmul.f32 $1.131370830e+01, v0  }
0x14f: {  	v8 =	vld [tilespmem:s19+$0xFFFFFF80];
	v1 =	vmul.f32 $1.131370830e+01, v1  }
0x150: {  	v7 =	vld [tilespmem:s19+$0xFFFFFF70];
	v2 =	vmul.f32 $1.131370830e+01, v2;
	[tilespmem:s19+$0xF0] =	vst v0  }
0x151: {  	v6 =	vmul.f32 $1.131370830e+01, v6;
	v0 =	vld [tilespmem:s19+$0xFFFFFF90];
	[tilespmem:s19+$0xFFFFFF10] =	vst v1  }
0x152: {  	v1 =	vmul.f32 $1.131370830e+01, v3;
	v3 =	vld [tilespmem:s19+$0xFFFFFFA0];
	[tilespmem:s19+$0xFFFFFF20] =	vst v2;
	v2 =	vmul.f32 $1.131370830e+01, v4  }
0x153: {  	[tilespmem:s19+$0xFFFFFF60] =	vst v6;
	v6 =	vld [tilespmem:s19+$0xFFFFFFF0]  }
0x154: {  	v4 =	vld [tilespmem:s19+$0xFFFFFFB0];
	[tilespmem:s19+$0xFFFFFF40] =	vst v2;
	v2 =	vmul.f32 $1.131370830e+01, v8  }
0x155: {  	[tilespmem:s19+$0xFFFFFF30] =	vst v1;
	v1 =	vmul.f32 $1.131370830e+01, v5;
	v5 =	vld [tilespmem:s19+$0xFFFFFFC0]  }
0x156: {  	v8 =	vld [tilespmem:s19+$0xFFFFFFD0];
	[tilespmem:s19+$0xFFFFFF80] =	vst v2;
	v2 =	vmul.f32 $1.131370830e+01, v7  }
0x157: {  	[tilespmem:s19+$0xFFFFFF50] =	vst v1;
	v1 =	vld [tilespmem:s19+$0xFFFFFFE0];
	v0 =	vmul.f32 $1.131370830e+01, v0  }
0x158: {  	v7 =	vld [tilespmem:s19+$0x30];
	v6 =	vmul.f32 $1.131370830e+01, v6;
	[tilespmem:s19+$0xFFFFFF70] =	vst v2  }
0x159: {  	v2 =	vmul.f32 $1.131370830e+01, v3;
	v3 =	vld [tilespmem:s19+$0x0];
	[tilespmem:s19+$0xFFFFFF90] =	vst v0  }
0x15a: {  	v0 =	vmul.f32 $1.131370830e+01, v4;
	v4 =	vld [tilespmem:s19+$0x10];
	[tilespmem:s19+$0xFFFFFFF0] =	vst v6  }
0x15b: {  	[tilespmem:s19+$0xFFFFFFA0] =	vst v2;
	v2 =	vmul.f32 $1.131370830e+01, v5;
	v5 =	vld [tilespmem:s19+$0x20]  }
0x15c: {  	v6 =	vld [tilespmem:s19+$0x80];
	[tilespmem:s19+$0xFFFFFFB0] =	vst v0;
	v0 =	vmul.f32 $1.131370830e+01, v8  }
0x15d: {  	v1 =	vmul.f32 $1.131370830e+01, v1;
	[tilespmem:s19+$0xFFFFFFC0] =	vst v2;
	v2 =	vld [tilespmem:s19+$0x40]  }
0x15e: {  	[tilespmem:s19+$0xFFFFFFD0] =	vst v0;
	v0 =	vmul.f32 $1.131370830e+01, v3  }
0x15f: {  	v3 =	vld [tilespmem:s19+$0x50];
	[tilespmem:s19+$0xFFFFFFE0] =	vst v1;
	v4 =	vmul.f32 $1.131370830e+01, v4  }
0x160: {  	v1 =	vld [tilespmem:s19+$0x60];
	[tilespmem:s19+$0x0] =	vst v0;
	v0 =	vmul.f32 $1.131370830e+01, v5  }
0x161: {  	v6 =	vmul.f32 $1.131370830e+01, v6;
	v5 =	vld [tilespmem:s19+$0x70];
	[tilespmem:s19+$0x10] =	vst v4  }
0x162: {  	v4 =	vmul.f32 $1.131370830e+01, v7;
	v7 =	vld [tilespmem:s19+$0x90];
	[tilespmem:s19+$0x20] =	vst v0;
	v0 =	vmul.f32 $1.131370830e+01, v2  }
0x163: {  	v8 =	vld [tilespmem:s19+$0xA0];
	[tilespmem:s19+$0x80] =	vst v6  }
0x164: {  	v2 =	vmul.f32 $1.131370830e+01, v3;
	[tilespmem:s19+$0x40] =	vst v0;
	v0 =	vld [tilespmem:s19+$0xB0]  }
0x165: {  	[tilespmem:s19+$0x30] =	vst v4;
	v3 =	vmul.f32 $1.131370830e+01, v1;
	v1 =	vld [tilespmem:s19+$0xC0]  }
0x166: {  	[tilespmem:s19+$0x50] =	vst v2;
	v4 =	vmul.f32 $1.131370830e+01, v5;
	v2 =	vld [tilespmem:s19+$0xD0]  }
0x167: {  	[tilespmem:s19+$0x60] =	vst v3;
	v3 =	vld [tilespmem:s19+$0xE0];
	v5 =	vmul.f32 $1.131370830e+01, v7  }
0x168: {  	s26 =	simm.s32 $0xA900;
	s22 =	simm.s32 $0x0;
	v6 =	vmul.f32 $1.131370830e+01, v8;
	[tilespmem:s19+$0x70] =	vst v4;
	v4 =	vld [tilespmem:s19+$0xFFFFFF00]  }
.LBB2_7:
0x169: {  	v7 =	vld [tilespmem:s26+$0xF0];
	s22 =	sadd.s32 $0x4, s22;
	[tilespmem:s19+$0x90] =	vst v5;
	v0 =	vmul.f32 $1.131370830e+01, v0  }
0x16a: {  	v5 =	vld [tilespmem:s26+$0xFFFFFF10];
	p1 =	slt.u32 s22, $0x9C;
	[tilespmem:s19+$0xA0] =	vst v6;
	v1 =	vmul.f32 $1.131370830e+01, v1  }
0x16b: {  	v6 =	vld [tilespmem:s26+$0xFFFFFF20];
	[tilespmem:s19+$0xB0] =	vst v0;
	v0 =	vmul.f32 $1.131370830e+01, v2  }
0x16c: {  	v2 =	vld [tilespmem:s26+$0xFFFFFF30];
	[tilespmem:s19+$0xC0] =	vst v1;
	v1 =	vmul.f32 $1.131370830e+01, v3  }
0x16d: {  	v3 =	vld [tilespmem:s26+$0xFFFFFF40];
	v4 =	vmul.f32 $1.131370830e+01, v4;
	[tilespmem:s19+$0xD0] =	vst v0  }
0x16e: {  	v0 =	vld [tilespmem:s26+$0xFFFFFF50];
	v7 =	vmul.f32 $1.131370830e+01, v7;
	[tilespmem:s19+$0xE0] =	vst v1  }
0x16f: {  	v1 =	vmul.f32 $1.131370830e+01, v5;
	v5 =	vld [tilespmem:s26+$0xFFFFFF60];
	[tilespmem:s19+$0xFFFFFF00] =	vst v4;
	s19 =	smov.u32 s26  }
0x170: {  	v4 =	vmul.f32 $1.131370830e+01, v6;
	v6 =	vld [tilespmem:s26+$0xFFFFFF70];
	[tilespmem:s26+$0xF0] =	vst v7  }
0x171: {  	[tilespmem:s26+$0xFFFFFF10] =	vst v1;
	v1 =	vmul.f32 $1.131370830e+01, v2;
	v2 =	vld [tilespmem:s26+$0xFFFFFF80]  }
0x172: {  	[tilespmem:s26+$0xFFFFFF20] =	vst v4;
	v3 =	vmul.f32 $1.131370830e+01, v3;
	v4 =	vld [tilespmem:s26+$0xFFFFFF90]  }
0x173: {  	[tilespmem:s26+$0xFFFFFF30] =	vst v1;
	v0 =	vmul.f32 $1.131370830e+01, v0;
	v1 =	vld [tilespmem:s26+$0xFFFFFFA0]  }
0x174: {  	[tilespmem:s26+$0xFFFFFF40] =	vst v3;
	v3 =	vmul.f32 $1.131370830e+01, v5;
	v5 =	vld [tilespmem:s26+$0xFFFFFFB0]  }
0x175: {  	[tilespmem:s26+$0xFFFFFF50] =	vst v0;
	v0 =	vmul.f32 $1.131370830e+01, v6;
	v6 =	vld [tilespmem:s26+$0xFFFFFFC0]  }
0x176: {  	[tilespmem:s26+$0xFFFFFF60] =	vst v3;
	v2 =	vmul.f32 $1.131370830e+01, v2;
	v3 =	vld [tilespmem:s26+$0xFFFFFFD0]  }
0x177: {  	[tilespmem:s26+$0xFFFFFF70] =	vst v0;
	v0 =	vmul.f32 $1.131370830e+01, v4;
	v4 =	vld [tilespmem:s26+$0xFFFFFFE0]  }
0x178: {  	[tilespmem:s26+$0xFFFFFF80] =	vst v2;
	v1 =	vmul.f32 $1.131370830e+01, v1;
	v2 =	vld [tilespmem:s26+$0xFFFFFFF0]  }
0x179: {  	[tilespmem:s26+$0xFFFFFF90] =	vst v0;
	v0 =	vmul.f32 $1.131370830e+01, v5;
	v5 =	vld [tilespmem:s26+$0x0]  }
0x17a: {  	[tilespmem:s26+$0xFFFFFFA0] =	vst v1;
	v1 =	vmul.f32 $1.131370830e+01, v6;
	v6 =	vld [tilespmem:s26+$0x10]  }
0x17b: {  	[tilespmem:s26+$0xFFFFFFB0] =	vst v0;
	v0 =	vmul.f32 $1.131370830e+01, v3;
	v3 =	vld [tilespmem:s26+$0x20]  }
0x17c: {  	[tilespmem:s26+$0xFFFFFFC0] =	vst v1;
	v1 =	vmul.f32 $1.131370830e+01, v4;
	v4 =	vld [tilespmem:s26+$0x30]  }
0x17d: {  	[tilespmem:s26+$0xFFFFFFD0] =	vst v0;
	v0 =	vmul.f32 $1.131370830e+01, v2;
	v2 =	vld [tilespmem:s26+$0x40]  }
0x17e: {  	[tilespmem:s26+$0xFFFFFFE0] =	vst v1;
	v1 =	vmul.f32 $1.131370830e+01, v5;
	v5 =	vld [tilespmem:s26+$0x50]  }
0x17f: {  	[tilespmem:s26+$0xFFFFFFF0] =	vst v0;
	v0 =	vmul.f32 $1.131370830e+01, v6;
	v6 =	vld [tilespmem:s26+$0x60]  }
0x180: {  	[tilespmem:s26+$0x0] =	vst v1;
	v1 =	vmul.f32 $1.131370830e+01, v3;
	v3 =	vld [tilespmem:s26+$0x70]  }
0x181: {  	[tilespmem:s26+$0x10] =	vst v0;
	v0 =	vmul.f32 $1.131370830e+01, v4;
	v4 =	vld [tilespmem:s26+$0x80]  }
0x182: {  	[tilespmem:s26+$0x20] =	vst v1;
	v1 =	vmul.f32 $1.131370830e+01, v2;
	v7 =	vld [tilespmem:s26+$0x90]  }
0x183: {  	[tilespmem:s26+$0x30] =	vst v0;
	v2 =	vmul.f32 $1.131370830e+01, v5;
	v8 =	vld [tilespmem:s26+$0xA0]  }
.Ltmp2:
0x184: {  	[tilespmem:s26+$0x40] =	vst v1;
	v5 =	vmul.f32 $1.131370830e+01, v6;
	v0 =	vld [tilespmem:s26+$0xB0];
	(pc) =	sbr.rel @p1 .LBB2_7-.Ltmp2, $4  }
0x185: {  	[tilespmem:s26+$0x50] =	vst v2;
	v3 =	vmul.f32 $1.131370830e+01, v3;
	v1 =	vld [tilespmem:s26+$0xC0]  }
0x186: {  	[tilespmem:s26+$0x60] =	vst v5;
	v6 =	vmul.f32 $1.131370830e+01, v4;
	v2 =	vld [tilespmem:s26+$0xD0]  }
0x187: {  	[tilespmem:s26+$0x70] =	vst v3;
	v5 =	vmul.f32 $1.131370830e+01, v7;
	v3 =	vld [tilespmem:s26+$0xE0]  }
0x188: {  	s26 =	sadd.s32 $0x200, s26;
	v4 =	vld [tilespmem:s19+$0xFFFFFF00];
	[tilespmem:s19+$0x80] =	vst v6;
	v6 =	vmul.f32 $1.131370830e+01, v8  }
0x189: {  	[tilespmem:s19+$0x90] =	vst v5;
	v0 =	vmul.f32 $1.131370830e+01, v0  }
0x18a: {  	[tilespmem:s19+$0xA0] =	vst v6;
	v1 =	vmul.f32 $1.131370830e+01, v1  }
0x18b: {  	[tilespmem:s19+$0xB0] =	vst v0;
	v0 =	vmul.f32 $1.131370830e+01, v2  }
0x18c: {  	[tilespmem:s19+$0xC0] =	vst v1;
	v1 =	vmul.f32 $1.131370830e+01, v3  }
0x18d: {  	v2 =	vmul.f32 $1.131370830e+01, v4;
	[tilespmem:s19+$0xD0] =	vst v0  }
0x18e: {  	[tilespmem:s19+$0xE0] =	vst v1  }
0x18f: {  	[tilespmem:s19+$0xFFFFFF00] =	vst v2  }
0x190: {  	[tilespmem:s1], [sflag:$0x6] =	stream.indirect.gather.add.f32 [spmem:s4], $0x80, s31, s25, $0xb8;
	[tilespmem:$0x19248] =	vst v63  }
0x191: {  	s26 =	simm.s32 $0x250;
	s22 =	simm.s32 $0xCE00  }
0x192: {  	[tilespmem:s22], [sflag:$0x6] =	stream.indirect.gather.add.f32 [spmem:s4], $0x80, s26, s25, $0xb8;
	[tilespmem:$0x19248] =	vst v63  }
0x193: {  	_ =	swait.ge [sflag:s20], $0x2800  }
0x194: {  	[sflag:s20] =	ssyncset.done $0x0  }
0x195: {  	[sflag:s20] =	ssyncadd.s32 $0xFFFFD800  }
0x196: {  	s28 =	sadd.s32 s15, s12;
	_ =	swait.ge [sflag:s20], $0x2800  }
0x197: {  	s19 =	sshll.u32 s28, $0x4;
	[sflag:s20] =	ssyncset.done $0x0  }
0x198: {  	p1 =	seq.s32 s9, $0x34;
	s19 =	sadd.s32 s2, s19;
	[sflag:s20] =	ssyncadd.s32 $0xFFFFD800  }
0x199: {  	[hbm4b:s19+s5] =	stream.linear.scatter [tilespmem:s30], [sflag:$0x8], $0x5000, $0x38;
	[tilespmem:$0x19248] =	vst v63  }
0x19a: {  	s15 =	sadd.s32 @!p1 s15, s18;
	_ =	swait.ge [sflag:s21], $0x5000  }
0x19b: {  	s28 =	simm.s32 @!p1 $0x100;
	s19 =	sshrl.u32 @!p1 s15, $0x3;
	[sflag:s21] =	ssyncset.done $0x0  }
0x19c: {  	s26 =	simm.s32 @!p1 $0x0;
	s22 =	sadd.s32 @!p1 s7, s19;
	[sflag:s21] =	ssyncadd.s32 $0xFFFFB000  }
0x19d: {  	[tilespmem:s28], [sflag:$0x2] =	stream.linear.gather @!p1 [hbm4b:s22+s26], $0xA0, $0x38;
	[tilespmem:$0x19248] =	vst v63  }
0x19e: {  	s15 =	sshll.u32 @!p1 s15, $0x4;
	s19 =	sadd.s32 @!p1 s8, s19;
	s22 =	simm.s32 @!p1 $0x400  }
0x19f: {  	[tilespmem:s22], [sflag:$0x2] =	stream.linear.gather @!p1 [hbm4b:s19+s26], $0xA0, $0x38;
	[tilespmem:$0x19248] =	vst v63  }
0x1a0: {  	s15 =	sadd.s32 @!p1 s0, s15;
	s19 =	simm.s32 @!p1 $0x5600  }
0x1a1: {  	[tilespmem:s19], [sflag:$0x2] =	stream.linear.gather @!p1 [hbm4b:s15+s26], $0x5000, $0x38;
	[tilespmem:$0x19248] =	vst v63  }
0x1a2: {  	_ =	swait.ge [sflag:s24], $0xA0  }
0x1a3: {  	[sflag:s24] =	ssyncset.done $0x0  }
0x1a4: {  	[sflag:s24] =	ssyncadd.s32 $0xFFFFFF60  }
0x1a5: {  	_ =	swait.ge [sflag:s24], $0xA0  }
0x1a6: {  	[sflag:s24] =	ssyncset.done $0x0  }
0x1a7: {  	[sflag:s24] =	ssyncadd.s32 $0xFFFFFF60  }
0x1a8: {  	_ =	swait.ge [sflag:s24], $0x5000  }
0x1a9: {  	[sflag:s24] =	ssyncset.done $0x0  }
0x1aa: {  	[sflag:s24] =	ssyncadd.s32 $0xFFFFB000  }
0x1ab: {  	v0 =	vld [tilespmem:$0x0]  }
0x1ac: {  	v1 =	vld [tilespmem:$0x300]  }
0x1ad: {  	v2 =	vld [tilespmem:$0x10]  }
0x1ae: {  	v3 =	vld [tilespmem:$0x310]  }
0x1af: {  	v4 =	vld [tilespmem:$0x20]  }
0x1b0: {  	v5 =	vld [tilespmem:$0x320]  }
0x1b1: {  	v6 =	vld [tilespmem:$0x30]  }
0x1b2: {  	v7 =	vld [tilespmem:$0x330]  }
0x1b3: {  	v8 =	vld [tilespmem:$0x40]  }
0x1b4: {  	v9 =	vld [tilespmem:$0x340]  }
0x1b5: {  	v10 =	vld [tilespmem:$0x50]  }
0x1b6: {  	v11 =	vld [tilespmem:$0x350]  }
0x1b7: {  	v12 =	vld [tilespmem:$0x60];
	vm0 =	vlt.s32 v0, $0x1388;
	vm10 =	vlt.s32 v2, $0x1388;
	vm1 =	veq.s32 v1, $0x0  }
0x1b8: {  	v13 =	vld [tilespmem:$0x80];
	vm11 =	veq.s32 v3, $0x0;
	vm12 =	vlt.s32 v4, $0x1388;
	vm13 =	veq.s32 v5, $0x0  }
0x1b9: {  	v3 =	vld [tilespmem:$0x70];
	vm14 =	vlt.s32 v6, $0x1388;
	vm15 =	vlt.s32 v8, $0x1388;
	vm4 =	veq.s32 v7, $0x0  }
0x1ba: {  	v5 =	vld [tilespmem:$0x370];
	vm5 =	veq.s32 v9, $0x0;
	vm6 =	vlt.s32 v10, $0x1388;
	v0 =	vnsel vm0, $0x1388, v0  }
0x1bb: {  	vm7 =	veq.s32 v11, $0x0;
	v1 =	vnsel vm10, $0x1388, v2;
	v2 =	vld [tilespmem:$0x360];
	v0 =	vnsel vm1, $0x1388, v0  }
0x1bc: {  	v7 =	vld [tilespmem:$0x380];
	v4 =	vnsel vm12, $0x1388, v4;
	v6 =	vnsel vm14, $0x1388, v6;
	v1 =	vnsel vm11, $0x1388, v1;
	[tilespmem:$0x0] =	vst v0  }
0x1bd: {  	vm8 =	vlt.s32 v12, $0x1388;
	v4 =	vnsel vm13, $0x1388, v4;
	[tilespmem:$0x10] =	vst v1;
	v1 =	vnsel vm4, $0x1388, v6;
	v6 =	vld [tilespmem:$0x90]  }
0x1be: {  	vm12 =	vlt.s32 v13, $0x1388;
	v0 =	vnsel vm15, $0x1388, v8;
	[tilespmem:$0x20] =	vst v4;
	v4 =	vnsel vm6, $0x1388, v10;
	v8 =	vld [tilespmem:$0x390]  }
0x1bf: {  	v0 =	vnsel vm5, $0x1388, v0;
	[tilespmem:$0x30] =	vst v1;
	v1 =	vnsel vm7, $0x1388, v4;
	v4 =	vnsel vm8, $0x1388, v12  }
0x1c0: {  	vm9 =	vlt.s32 v3, $0x1388;
	[tilespmem:$0x40] =	vst v0;
	vm11 =	veq.s32 v5, $0x0;
	vm10 =	veq.s32 v2, $0x0  }
0x1c1: {  	[tilespmem:$0x50] =	vst v1;
	vm13 =	veq.s32 v7, $0x0;
	v0 =	vnsel vm9, $0x1388, v3;
	v1 =	vnsel vm10, $0x1388, v4  }
0x1c2: {  	v0 =	vnsel vm11, $0x1388, v0;
	[tilespmem:$0x60] =	vst v1;
	v1 =	vnsel vm12, $0x1388, v13;
	vm14 =	vlt.s32 v6, $0x1388  }
0x1c3: {  	[tilespmem:$0x70] =	vst v0;
	vm15 =	veq.s32 v8, $0x0;
	v0 =	vnsel vm13, $0x1388, v1;
	v1 =	vnsel vm14, $0x1388, v6  }
0x1c4: {  	[tilespmem:$0x80] =	vst v0;
	v0 =	vnsel vm15, $0x1388, v1  }
0x1c5: {  	s15 =	simm.s32 $0x700;
	[tilespmem:$0x90] =	vst v0  }
0x1c6: {  	v0 =	vld [tilespmem:s15+$0xF0]  }
0x1c7: {  	v1 =	vld [tilespmem:s15+$0xFFFFFF10]  }
0x1c8: {  	v2 =	vld [tilespmem:s15+$0xFFFFFF20]  }
0x1c9: {  	v3 =	vld [tilespmem:s15+$0xFFFFFF30]  }
0x1ca: {  	v6 =	vld [tilespmem:s15+$0xFFFFFF60]  }
0x1cb: {  	v4 =	vld [tilespmem:s15+$0xFFFFFF40]  }
0x1cc: {  	v5 =	vld [tilespmem:s15+$0xFFFFFF50];
	v0 =	vmul.f32 $1.131370830e+01, v0  }
0x1cd: {  	v8 =	vld [tilespmem:s15+$0xFFFFFF80];
	v1 =	vmul.f32 $1.131370830e+01, v1  }
0x1ce: {  	v7 =	vld [tilespmem:s15+$0xFFFFFF70];
	v2 =	vmul.f32 $1.131370830e+01, v2;
	[tilespmem:s15+$0xF0] =	vst v0  }
0x1cf: {  	v6 =	vmul.f32 $1.131370830e+01, v6;
	v0 =	vld [tilespmem:s15+$0xFFFFFF90];
	[tilespmem:s15+$0xFFFFFF10] =	vst v1  }
0x1d0: {  	v1 =	vmul.f32 $1.131370830e+01, v3;
	v3 =	vld [tilespmem:s15+$0xFFFFFFA0];
	[tilespmem:s15+$0xFFFFFF20] =	vst v2;
	v2 =	vmul.f32 $1.131370830e+01, v4  }
0x1d1: {  	[tilespmem:s15+$0xFFFFFF60] =	vst v6;
	v6 =	vld [tilespmem:s15+$0xFFFFFFF0]  }
0x1d2: {  	v4 =	vld [tilespmem:s15+$0xFFFFFFB0];
	[tilespmem:s15+$0xFFFFFF40] =	vst v2;
	v2 =	vmul.f32 $1.131370830e+01, v8  }
0x1d3: {  	[tilespmem:s15+$0xFFFFFF30] =	vst v1;
	v1 =	vmul.f32 $1.131370830e+01, v5;
	v5 =	vld [tilespmem:s15+$0xFFFFFFC0]  }
0x1d4: {  	v8 =	vld [tilespmem:s15+$0xFFFFFFD0];
	[tilespmem:s15+$0xFFFFFF80] =	vst v2;
	v2 =	vmul.f32 $1.131370830e+01, v7  }
0x1d5: {  	[tilespmem:s15+$0xFFFFFF50] =	vst v1;
	v1 =	vld [tilespmem:s15+$0xFFFFFFE0];
	v0 =	vmul.f32 $1.131370830e+01, v0  }
0x1d6: {  	v7 =	vld [tilespmem:s15+$0x30];
	v6 =	vmul.f32 $1.131370830e+01, v6;
	[tilespmem:s15+$0xFFFFFF70] =	vst v2  }
0x1d7: {  	v2 =	vmul.f32 $1.131370830e+01, v3;
	v3 =	vld [tilespmem:s15+$0x0];
	[tilespmem:s15+$0xFFFFFF90] =	vst v0  }
0x1d8: {  	v0 =	vmul.f32 $1.131370830e+01, v4;
	v4 =	vld [tilespmem:s15+$0x10];
	[tilespmem:s15+$0xFFFFFFF0] =	vst v6  }
0x1d9: {  	[tilespmem:s15+$0xFFFFFFA0] =	vst v2;
	v2 =	vmul.f32 $1.131370830e+01, v5;
	v5 =	vld [tilespmem:s15+$0x20]  }
0x1da: {  	v6 =	vld [tilespmem:s15+$0x80];
	[tilespmem:s15+$0xFFFFFFB0] =	vst v0;
	v0 =	vmul.f32 $1.131370830e+01, v8  }
0x1db: {  	v1 =	vmul.f32 $1.131370830e+01, v1;
	[tilespmem:s15+$0xFFFFFFC0] =	vst v2;
	v2 =	vld [tilespmem:s15+$0x40]  }
0x1dc: {  	[tilespmem:s15+$0xFFFFFFD0] =	vst v0;
	v0 =	vmul.f32 $1.131370830e+01, v3  }
0x1dd: {  	v3 =	vld [tilespmem:s15+$0x50];
	[tilespmem:s15+$0xFFFFFFE0] =	vst v1;
	v4 =	vmul.f32 $1.131370830e+01, v4  }
0x1de: {  	v1 =	vld [tilespmem:s15+$0x60];
	[tilespmem:s15+$0x0] =	vst v0;
	v0 =	vmul.f32 $1.131370830e+01, v5  }
0x1df: {  	v6 =	vmul.f32 $1.131370830e+01, v6;
	v5 =	vld [tilespmem:s15+$0x70];
	[tilespmem:s15+$0x10] =	vst v4  }
0x1e0: {  	v4 =	vmul.f32 $1.131370830e+01, v7;
	v7 =	vld [tilespmem:s15+$0x90];
	[tilespmem:s15+$0x20] =	vst v0;
	v0 =	vmul.f32 $1.131370830e+01, v2  }
0x1e1: {  	v8 =	vld [tilespmem:s15+$0xA0];
	[tilespmem:s15+$0x80] =	vst v6  }
0x1e2: {  	v2 =	vmul.f32 $1.131370830e+01, v3;
	[tilespmem:s15+$0x40] =	vst v0;
	v0 =	vld [tilespmem:s15+$0xB0]  }
0x1e3: {  	[tilespmem:s15+$0x30] =	vst v4;
	v3 =	vmul.f32 $1.131370830e+01, v1;
	v1 =	vld [tilespmem:s15+$0xC0]  }
0x1e4: {  	[tilespmem:s15+$0x50] =	vst v2;
	v4 =	vmul.f32 $1.131370830e+01, v5;
	v2 =	vld [tilespmem:s15+$0xD0]  }
0x1e5: {  	[tilespmem:s15+$0x60] =	vst v3;
	v3 =	vld [tilespmem:s15+$0xE0];
	v5 =	vmul.f32 $1.131370830e+01, v7  }
0x1e6: {  	s22 =	simm.s32 $0x900;
	s19 =	simm.s32 $0x0;
	v6 =	vmul.f32 $1.131370830e+01, v8;
	[tilespmem:s15+$0x70] =	vst v4;
	v4 =	vld [tilespmem:s15+$0xFFFFFF00]  }
.LBB2_9:
0x1e7: {  	v7 =	vld [tilespmem:s22+$0xF0];
	s19 =	sadd.s32 $0x4, s19;
	[tilespmem:s15+$0x90] =	vst v5;
	v0 =	vmul.f32 $1.131370830e+01, v0  }
0x1e8: {  	v5 =	vld [tilespmem:s22+$0xFFFFFF10];
	p1 =	slt.u32 s19, $0x9C;
	[tilespmem:s15+$0xA0] =	vst v6;
	v1 =	vmul.f32 $1.131370830e+01, v1  }
0x1e9: {  	v6 =	vld [tilespmem:s22+$0xFFFFFF20];
	[tilespmem:s15+$0xB0] =	vst v0;
	v0 =	vmul.f32 $1.131370830e+01, v2  }
0x1ea: {  	v2 =	vld [tilespmem:s22+$0xFFFFFF30];
	[tilespmem:s15+$0xC0] =	vst v1;
	v1 =	vmul.f32 $1.131370830e+01, v3  }
0x1eb: {  	v3 =	vld [tilespmem:s22+$0xFFFFFF40];
	v4 =	vmul.f32 $1.131370830e+01, v4;
	[tilespmem:s15+$0xD0] =	vst v0  }
0x1ec: {  	v0 =	vld [tilespmem:s22+$0xFFFFFF50];
	v7 =	vmul.f32 $1.131370830e+01, v7;
	[tilespmem:s15+$0xE0] =	vst v1  }
0x1ed: {  	v1 =	vmul.f32 $1.131370830e+01, v5;
	v5 =	vld [tilespmem:s22+$0xFFFFFF60];
	[tilespmem:s15+$0xFFFFFF00] =	vst v4;
	s15 =	smov.u32 s22  }
0x1ee: {  	v4 =	vmul.f32 $1.131370830e+01, v6;
	v6 =	vld [tilespmem:s22+$0xFFFFFF70];
	[tilespmem:s22+$0xF0] =	vst v7  }
0x1ef: {  	[tilespmem:s22+$0xFFFFFF10] =	vst v1;
	v1 =	vmul.f32 $1.131370830e+01, v2;
	v2 =	vld [tilespmem:s22+$0xFFFFFF80]  }
0x1f0: {  	[tilespmem:s22+$0xFFFFFF20] =	vst v4;
	v3 =	vmul.f32 $1.131370830e+01, v3;
	v4 =	vld [tilespmem:s22+$0xFFFFFF90]  }
0x1f1: {  	[tilespmem:s22+$0xFFFFFF30] =	vst v1;
	v0 =	vmul.f32 $1.131370830e+01, v0;
	v1 =	vld [tilespmem:s22+$0xFFFFFFA0]  }
0x1f2: {  	[tilespmem:s22+$0xFFFFFF40] =	vst v3;
	v3 =	vmul.f32 $1.131370830e+01, v5;
	v5 =	vld [tilespmem:s22+$0xFFFFFFB0]  }
0x1f3: {  	[tilespmem:s22+$0xFFFFFF50] =	vst v0;
	v0 =	vmul.f32 $1.131370830e+01, v6;
	v6 =	vld [tilespmem:s22+$0xFFFFFFC0]  }
0x1f4: {  	[tilespmem:s22+$0xFFFFFF60] =	vst v3;
	v2 =	vmul.f32 $1.131370830e+01, v2;
	v3 =	vld [tilespmem:s22+$0xFFFFFFD0]  }
0x1f5: {  	[tilespmem:s22+$0xFFFFFF70] =	vst v0;
	v0 =	vmul.f32 $1.131370830e+01, v4;
	v4 =	vld [tilespmem:s22+$0xFFFFFFE0]  }
0x1f6: {  	[tilespmem:s22+$0xFFFFFF80] =	vst v2;
	v1 =	vmul.f32 $1.131370830e+01, v1;
	v2 =	vld [tilespmem:s22+$0xFFFFFFF0]  }
0x1f7: {  	[tilespmem:s22+$0xFFFFFF90] =	vst v0;
	v0 =	vmul.f32 $1.131370830e+01, v5;
	v5 =	vld [tilespmem:s22+$0x0]  }
0x1f8: {  	[tilespmem:s22+$0xFFFFFFA0] =	vst v1;
	v1 =	vmul.f32 $1.131370830e+01, v6;
	v6 =	vld [tilespmem:s22+$0x10]  }
0x1f9: {  	[tilespmem:s22+$0xFFFFFFB0] =	vst v0;
	v0 =	vmul.f32 $1.131370830e+01, v3;
	v3 =	vld [tilespmem:s22+$0x20]  }
0x1fa: {  	[tilespmem:s22+$0xFFFFFFC0] =	vst v1;
	v1 =	vmul.f32 $1.131370830e+01, v4;
	v4 =	vld [tilespmem:s22+$0x30]  }
0x1fb: {  	[tilespmem:s22+$0xFFFFFFD0] =	vst v0;
	v0 =	vmul.f32 $1.131370830e+01, v2;
	v2 =	vld [tilespmem:s22+$0x40]  }
0x1fc: {  	[tilespmem:s22+$0xFFFFFFE0] =	vst v1;
	v1 =	vmul.f32 $1.131370830e+01, v5;
	v5 =	vld [tilespmem:s22+$0x50]  }
0x1fd: {  	[tilespmem:s22+$0xFFFFFFF0] =	vst v0;
	v0 =	vmul.f32 $1.131370830e+01, v6;
	v6 =	vld [tilespmem:s22+$0x60]  }
0x1fe: {  	[tilespmem:s22+$0x0] =	vst v1;
	v1 =	vmul.f32 $1.131370830e+01, v3;
	v3 =	vld [tilespmem:s22+$0x70]  }
0x1ff: {  	[tilespmem:s22+$0x10] =	vst v0;
	v0 =	vmul.f32 $1.131370830e+01, v4;
	v4 =	vld [tilespmem:s22+$0x80]  }
0x200: {  	[tilespmem:s22+$0x20] =	vst v1;
	v1 =	vmul.f32 $1.131370830e+01, v2;
	v7 =	vld [tilespmem:s22+$0x90]  }
0x201: {  	[tilespmem:s22+$0x30] =	vst v0;
	v2 =	vmul.f32 $1.131370830e+01, v5;
	v8 =	vld [tilespmem:s22+$0xA0]  }
.Ltmp3:
0x202: {  	[tilespmem:s22+$0x40] =	vst v1;
	v5 =	vmul.f32 $1.131370830e+01, v6;
	v0 =	vld [tilespmem:s22+$0xB0];
	(pc) =	sbr.rel @p1 .LBB2_9-.Ltmp3, $4  }
0x203: {  	[tilespmem:s22+$0x50] =	vst v2;
	v3 =	vmul.f32 $1.131370830e+01, v3;
	v1 =	vld [tilespmem:s22+$0xC0]  }
0x204: {  	[tilespmem:s22+$0x60] =	vst v5;
	v6 =	vmul.f32 $1.131370830e+01, v4;
	v2 =	vld [tilespmem:s22+$0xD0]  }
0x205: {  	[tilespmem:s22+$0x70] =	vst v3;
	v5 =	vmul.f32 $1.131370830e+01, v7;
	v3 =	vld [tilespmem:s22+$0xE0]  }
0x206: {  	s22 =	sadd.s32 $0x200, s22;
	v4 =	vld [tilespmem:s15+$0xFFFFFF00];
	[tilespmem:s15+$0x80] =	vst v6;
	v6 =	vmul.f32 $1.131370830e+01, v8  }
0x207: {  	[tilespmem:s15+$0x90] =	vst v5;
	v0 =	vmul.f32 $1.131370830e+01, v0  }
0x208: {  	[tilespmem:s15+$0xA0] =	vst v6;
	v1 =	vmul.f32 $1.131370830e+01, v1  }
0x209: {  	[tilespmem:s15+$0xB0] =	vst v0;
	v61 =	vmul.f32 $1.131370830e+01, v2  }
0x20a: {  	[tilespmem:s15+$0xC0] =	vst v1;
	v62 =	vmul.f32 $1.131370830e+01, v3  }
0x20b: {  	v63 =	vmul.f32 $1.131370830e+01, v4;
	[tilespmem:s15+$0xD0] =	vst v61  }
0x20c: {  	[tilespmem:s15+$0xE0] =	vst v62  }
0x20d: {  	[tilespmem:s15+$0xFFFFFF00] =	vst v63  }
0x20e: {  	[tilespmem:s23], [sflag:$0x4] =	stream.indirect.gather.add.f32 [spmem:s4], $0x80, s5, s25, $0xb8;
	[tilespmem:$0x19248] =	vst v63  }
0x20f: {  	s28 =	simm.s32 $0x2E00  }
0x210: {  	[tilespmem:s28], [sflag:$0x4] =	stream.indirect.gather.add.f32 [spmem:s4], $0x80, s25, s25, $0xb8;
	[tilespmem:$0x19248] =	vst v63  }
0x211: {  	s9 =	sadd.s32 $0x1, s9;
	_ =	swait.ge [sflag:s3], $0x2800  }
0x212: {  	p1 =	sne.s32 s9, $0x35;
	[sflag:s3] =	ssyncset.done $0x0  }
.Ltmp4:
0x213: {  	[sflag:s3] =	ssyncadd.s32 $0xFFFFD800;
	(pc) =	sbr.rel @p1 .LBB2_4-.Ltmp4, $4  }
0x214: {  	_ =	swait.ge [sflag:s3], $0x2800  }
0x215: {  	[sflag:s3] =	ssyncset.done $0x0  }
0x216: {  	s10 =	sadd.s32 s2, s10;
	[sflag:s3] =	ssyncadd.s32 $0xFFFFD800  }
0x217: {  	[hbm4b:s10+s5] =	stream.linear.scatter [tilespmem:s1], [sflag:$0x9], $0x5000, $0x38;
	[tilespmem:$0x19248] =	vst v63  }
0x218: {  	s9 =	simm.s32 $0x9  }
0x219: {  	_ =	swait.ge [sflag:s9], $0x5000  }
0x21a: {  	[sflag:s9] =	ssyncset.done $0x0  }
0x21b: {  	[sflag:s9] =	ssyncadd.s32 $0xFFFFB000  }
0x21c: {  	_ =	swait.ge [sflag:s11], $0x2800  }
0x21d: {  	[sflag:s11] =	ssyncset.done $0x0  }
0x21e: {  	[sflag:s11] =	ssyncadd.s32 $0xFFFFD800  }
0x21f: {  	_ =	swait.ge [sflag:s11], $0x2800  }
0x220: {  	[sflag:s11] =	ssyncset.done $0x0  }
0x221: {  	s26 =	rddreg [dreg:$0xc];
	[sflag:s11] =	ssyncadd.s32 $0xFFFFD800  }
0x222: {  	[hbm4b:s26+s5] =	stream.linear.scatter [tilespmem:s23], [sflag:$0x7], $0x5000, $0x38;
	[tilespmem:$0x19248] =	vst v63  }
0x223: {  	_ =	swait.ge [sflag:s13], $0x5000  }
0x224: {  	s10 =	rddreg [dreg:$0xf]  }
0x225: {  	s28 =	rddreg [dreg:$0xd];
	s10 =	sadd.s32 $0x1, s10  }
0x226: {  	p1 =	sne.s32 s10, s28  }
.Ltmp5:
0x227: {  	_ = 	snop;
	(pc) =	sbr.rel @p1 .LBB2_1-.Ltmp5, $3  }
0x228: {  	_ =	sdelay $0x1  }
0x229: {  	[sflag:s13] =	ssyncset.done $0x0  }
0x22a: {  	[sflag:s13] =	ssyncadd.s32 $0xFFFFB000  }
0x22b: {  	_ =	sfence.sel $0x180000  }
0x22c: {  	[bflag:$0x0] =	sbarrier.arrive $0xFFFF  }
0x22d: {  	_ =	strace $0x90000047  }
0x22e: {  	[bflag:$0x2] =	sbarrier.arrive $0xFFFF  }
0x22f: {  	s0 =	rddreg [dreg:$0x5]  }
0x230: {  	s0 =	sadd.s32 @!p0 $0x100000, s0  }
0x231: {  	[sflag:s0] =	ssyncadd.tile.s32 @!p0 $0x1;
	_ =	shalt  }
.Lfunc_end2:
_tile_overlayer_lowered:
.L_overlay_start_2:
0x232: {  	(tag) =	ssettag $0x2  }
0x233: {  	s0 =	rddreg [dreg:$0x0];
	s2 =	stileid.u32  }
0x234: {  	s1 =	rddreg [dreg:$0x1];
	p0 =	sne.s32 s2, $0x0  }
0x235: {  	s3 =	rddreg [dreg:$0x2];
	[bflag:$0x3] =	sbarrier.arrive $0xFFFF;
	s2 =	simm.s32 @!p0 $0x1C0A  }
0x236: {  	[timem:s3], [sflag:s2] =	dma.local @!p0 [hbm:s0], s1  }
0x237: {  	s0 =	simm.s32 @!p0 $0xA  }
0x238: {  	_ =	swait.ge @!p0 [sflag:s0], s1  }
0x239: {  	s1 =	ssub.s32 @!p0 $0x0, s1;
	[sflag:s0] =	ssyncset.done @!p0 $0x0  }
0x23a: {  	[sflag:s0] =	ssyncadd.s32 @!p0 s1  }
0x23b: {  	[bflag:$0x3] =	sbarrier.arrive $0xFFFF  }
0x23c: {  	_ =	shalt  }

</sc_bundles>
